<compile_context>
chip_gen: v7x
topology: tpu7x:2x2x1
jax: 0.10.2.dev20260603
libtpu: 0.0.44.dev20260713+nightly
codegen_flags: <defaults>
</compile_context>

<pallas_src>
import functools

import jax
import jax.numpy as jnp
from jax import lax
from jax.experimental import pallas as pl
from jax.experimental.pallas import tpu as pltpu
from jax.experimental.pallas import tpu_sc as plsc

N_NODES = 10000
N_EDGES = 320000
HID = 128
HALF = 64
LAT = 64

NC = 2
NS = 16
CHUNK = 128
NBUF = 2
NCHUNK = 160
EPAD = NS * NCHUNK * CHUNK
NPAD = 10240
RPT = NPAD // NS
SR = 64
DEG_W = 16
RB = 512


def _sc_mesh():
    return plsc.VectorSubcoreMesh(core_axis_name="c", subcore_axis_name="s")


_SC_PARAMS = pltpu.CompilerParams(use_tc_tiling_on_sc=False)


def _sc_degree(dst3, zeros_deg, ones):
    half_chunks = NCHUNK // NC

    @functools.partial(
        pl.kernel,
        out_type=jax.ShapeDtypeStruct((NC, NPAD, DEG_W), jnp.float32),
        mesh=_sc_mesh(),
        compiler_params=_SC_PARAMS,
        scratch_types=[
            pltpu.VMEM((NCHUNK, CHUNK), jnp.int32),
            pltpu.VMEM((CHUNK, DEG_W), jnp.float32),
            pltpu.VMEM_SHARED((NPAD, DEG_W), jnp.float32),
            pltpu.SemaphoreType.DMA,
        ],
    )
    def deg_kernel(dst_hbm, z_hbm, ones_hbm, out_hbm, didx, ones_v, acc, sem):
        c = lax.axis_index("c")
        s = lax.axis_index("s")
        pltpu.sync_copy(z_hbm.at[pl.ds(s * RPT, RPT)], acc.at[pl.ds(s * RPT, RPT)])
        pltpu.sync_copy(dst_hbm.at[s], didx)
        pltpu.sync_copy(ones_hbm, ones_v)
        plsc.subcore_barrier()

        def body(j, carry):
            pltpu.async_copy(ones_v, acc.at[didx.at[c * half_chunks + j]],
                             sem, add=True)
            return carry

        lax.fori_loop(0, half_chunks, body, 0)

        def drain(j, carry):
            pltpu.make_async_copy(ones_v, acc.at[didx.at[0]], sem).wait()
            return carry

        lax.fori_loop(0, half_chunks, drain, 0)
        plsc.subcore_barrier()
        pltpu.sync_copy(acc.at[pl.ds(s * RPT, RPT)],
                        out_hbm.at[c, pl.ds(s * RPT, RPT)])

    return deg_kernel(dst3, zeros_deg, ones)


def _sc_fused(xs_split, src3, dst3, dinv16, b1c, zeros_half):

    @functools.partial(
        pl.kernel,
        out_type=(jax.ShapeDtypeStruct((NC, NPAD, HALF), jnp.float32),
                  jax.ShapeDtypeStruct((NC, NPAD, HALF), jnp.float32)),
        mesh=_sc_mesh(),
        compiler_params=_SC_PARAMS,
        scratch_types=[
            [pltpu.VMEM((NBUF, CHUNK), jnp.int32) for _ in range(2)],
            pltpu.VMEM((NCHUNK, CHUNK), jnp.int32),
            [pltpu.VMEM((CHUNK, HALF), jnp.float32) for _ in range(NBUF)],
            pltpu.VMEM((SR, HALF), jnp.float32),
            pltpu.VMEM((SR, HALF), jnp.float32),
            pltpu.VMEM((SR + 16,), jnp.float32),
            pltpu.VMEM((HALF // 16, 16), jnp.float32),
            pltpu.VMEM_SHARED((NPAD, HALF), jnp.float32),
            pltpu.VMEM_SHARED((NPAD, HALF), jnp.float32),
            pltpu.VMEM_SHARED((NPAD,), jnp.float32),
            [pltpu.SemaphoreType.DMA for _ in range(3)],
            [pltpu.SemaphoreType.DMA for _ in range(NBUF)],
            [pltpu.SemaphoreType.DMA for _ in range(NBUF)],
        ],
    )
    def fused_kernel(xs_hbm, src_hbm, dst_hbm, dinv_hbm, b1_hbm, z_hbm,
                     hs_hbm, raw2_hbm, sring, didx, rows,
                     buf_a, buf_x, buf_d, b1v, feat_s, acc, dinv_s,
                     isem, gsem, ssem):
        c = lax.axis_index("c")
        s = lax.axis_index("s")
        base = s * RPT
        init = [
            (z_hbm.at[pl.ds(base, RPT)], acc.at[pl.ds(base, RPT)]),
            (xs_hbm.at[c, pl.ds(base, RPT)], feat_s.at[pl.ds(base, RPT)]),
            (dst_hbm.at[s], didx),
            (dinv_hbm.at[pl.ds(base, RPT)], dinv_s.at[pl.ds(base, RPT)]),
            (b1_hbm.at[c], b1v),
        ]
        for a, b in init:
            pltpu.async_copy(a, b, isem[0])
        for a, b in init:
            pltpu.make_async_copy(a, b, isem[0]).wait()
        plsc.subcore_barrier()

        def prefetch(slot, g):
            off = jnp.minimum(g * NBUF, NCHUNK - NBUF)
            pltpu.async_copy(src_hbm.at[s, pl.ds(off, NBUF)],
                             sring[slot], isem[slot])

        def wait_prefetch(slot):
            pltpu.make_async_copy(src_hbm.at[s, pl.ds(0, NBUF)],
                                  sring[slot], isem[slot]).wait()

        def do_group(slot, g, first):
            wait_prefetch(slot)
            for b in range(NBUF):
                if not first:
                    pltpu.make_async_copy(rows[b], acc.at[didx.at[0]],
                                          ssem[b]).wait()
                pltpu.async_copy(feat_s.at[sring[slot].at[b]], rows[b], gsem[b])
            for b in range(NBUF):
                pltpu.make_async_copy(feat_s.at[sring[slot].at[b]], rows[b],
                                      gsem[b]).wait()
                pltpu.async_copy(rows[b], acc.at[didx.at[g * NBUF + b]],
                                 ssem[b], add=True)
            prefetch(slot, g + 2)

        def agg_pass():
            prefetch(0, 0)
            prefetch(1, 1)
            do_group(0, 0, True)
            do_group(1, 1, False)

            def body(i, carry):
                do_group(0, 2 * i, False)
                do_group(1, 2 * i + 1, False)
                return carry

            lax.fori_loop(1, NCHUNK // NBUF // 2, body, 0)
            for b in range(NBUF):
                pltpu.make_async_copy(rows[b], acc.at[didx.at[0]],
                                      ssem[b]).wait()
            for slot in range(2):
                wait_prefetch(slot)
            plsc.subcore_barrier()

        agg_pass()

        def strip(t, carry):
            r0 = base + t * SR
            pltpu.sync_copy(acc.at[pl.ds(r0, SR)], buf_a)
            pltpu.sync_copy(feat_s.at[pl.ds(r0, SR)], buf_x)
            pltpu.sync_copy(dinv_s.at[pl.ds(r0, SR)], buf_d.at[pl.ds(0, SR)])

            def row_body(r, rcarry):
                dvv = buf_d[pl.ds(r, 16)]
                dv = jnp.broadcast_to(dvv[0:1], (16,))
                for k in range(HALF // 16):
                    v = (buf_a[r, pl.ds(k * 16, 16)]
                         + buf_x[r, pl.ds(k * 16, 16)]) * dv + b1v[k]
                    buf_x[r, pl.ds(k * 16, 16)] = jnp.maximum(v, 0.0) * dv
                return rcarry

            lax.fori_loop(0, SR, row_body, 0)
            pltpu.sync_copy(buf_x, feat_s.at[pl.ds(r0, SR)])
            return carry

        lax.fori_loop(0, RPT // SR, strip, 0)
        pltpu.async_copy(feat_s.at[pl.ds(base, RPT)],
                         hs_hbm.at[c, pl.ds(base, RPT)], isem[2])
        pltpu.sync_copy(z_hbm.at[pl.ds(base, RPT)], acc.at[pl.ds(base, RPT)])
        plsc.subcore_barrier()

        agg_pass()
        pltpu.sync_copy(acc.at[pl.ds(base, RPT)],
                        raw2_hbm.at[c, pl.ds(base, RPT)])
        pltpu.make_async_copy(feat_s.at[pl.ds(base, RPT)],
                              hs_hbm.at[c, pl.ds(base, RPT)], isem[2]).wait()

    return fused_kernel(xs_split, src3, dst3, dinv16, b1c, zeros_half)


def _dinv_block(degp_blk):
    deg = degp_blk[0, :, 0:1] + degp_blk[1, :, 0:1] + 1.0
    return lax.rsqrt(deg)


def _tc_xs(xp, W1, degp):
    def body(x_ref, w_ref, dp_ref, o_ref, d_ref):
        dinv = _dinv_block(dp_ref[...])
        xw = jnp.dot(x_ref[...], w_ref[...],
                     preferred_element_type=jnp.float32) * dinv
        o_ref[0] = xw[:, :HALF]
        o_ref[1] = xw[:, HALF:]
        d_ref[...] = jnp.broadcast_to(dinv, (RB, DEG_W))

    return pl.pallas_call(
        body,
        grid=(NPAD // RB,),
        in_specs=[
            pl.BlockSpec((RB, HID), lambda i: (i, 0)),
            pl.BlockSpec((HID, HID), lambda i: (0, 0)),
            pl.BlockSpec((NC, RB, DEG_W), lambda i: (0, i, 0)),
        ],
        out_specs=[
            pl.BlockSpec((NC, RB, HALF), lambda i: (0, i, 0)),
            pl.BlockSpec((RB, DEG_W), lambda i: (i, 0)),
        ],
        out_shape=[
            jax.ShapeDtypeStruct((NC, NPAD, HALF), jnp.float32),
            jax.ShapeDtypeStruct((NPAD, DEG_W), jnp.float32),
        ],
    )(xp, W1, degp)


def _tc_out(raw, hs_split, dinv16, Wcat, bcat):
    def body(r_ref, hs_ref, dv_ref, w_ref, b_ref, o_ref):
        dinv = dv_ref[:, 0:1]
        raw_full = jnp.concatenate([r_ref[0], r_ref[1]], axis=1)
        hs = jnp.concatenate([hs_ref[0], hs_ref[1]], axis=1)
        z = (raw_full + hs) * dinv
        o_ref[...] = jnp.dot(z, w_ref[...],
                             preferred_element_type=jnp.float32) + b_ref[...]

    return pl.pallas_call(
        body,
        grid=(NPAD // RB,),
        in_specs=[
            pl.BlockSpec((NC, RB, HALF), lambda i: (0, i, 0)),
            pl.BlockSpec((NC, RB, HALF), lambda i: (0, i, 0)),
            pl.BlockSpec((RB, DEG_W), lambda i: (i, 0)),
            pl.BlockSpec((HID, 2 * LAT), lambda i: (0, 0)),
            pl.BlockSpec((1, 2 * LAT), lambda i: (0, 0)),
        ],
        out_specs=pl.BlockSpec((RB, 2 * LAT), lambda i: (i, 0)),
        out_shape=jax.ShapeDtypeStruct((NPAD, 2 * LAT), jnp.float32),
    )(raw, hs_split, dinv16, Wcat, bcat)


def kernel(x, edge_index, W1, b1, Wmu, bmu, Wls, bls):
    f32 = jnp.float32
    e32 = jnp.concatenate(
        [edge_index.astype(jnp.int32),
         jnp.full((2, EPAD - N_EDGES), N_NODES, jnp.int32)], axis=1)
    dst3 = e32[1].reshape(NS, NCHUNK, CHUNK)
    src3 = e32[0].reshape(NS, NCHUNK, CHUNK)

    xp = jnp.concatenate([x.astype(f32),
                          jnp.zeros((NPAD - N_NODES, HID), f32)], axis=0)
    zeros_deg = jnp.zeros((NPAD, DEG_W), f32)
    zeros_half = jnp.zeros((NPAD, HALF), f32)
    ones = jnp.ones((CHUNK, DEG_W), f32)

    degp = _sc_degree(dst3, zeros_deg, ones)
    xs_split, dinv16 = _tc_xs(xp, W1, degp)
    b1c = b1.reshape(NC, HALF // 16, 16)
    hs_split, raw2 = _sc_fused(xs_split, src3, dst3, dinv16[:, 0], b1c,
                               zeros_half)
    Wcat = jnp.concatenate([Wmu, Wls], axis=1)
    bcat = jnp.concatenate([bmu, bls]).reshape(1, 2 * LAT)
    zc = _tc_out(raw2, hs_split, dinv16, Wcat, bcat)
    return zc[:N_NODES, :LAT], zc[:N_NODES, LAT:]

# --- scband reference (transcript-rebuilt; emitter-appended) ---
"""Pipeline reference for scband-vgaeencoder-25598005084887 (READ-ONLY COPY).

The authoritative reference and input builder live on the scoring server;
editing this copy changes nothing except your own understanding.
"""

import jax, jax.numpy as jnp
import numpy as np

N_NODES = 10000
N_EDGES = 320000
IN_DIM = 128
HIDDEN_DIM = 128
LATENT_DIM = 64


def gcn_conv(x, edge_index, W, b):
    # Faithful PyG GCNConv: add self-loops, symmetric normalization, linear transform, scatter-add aggregate.
    N = x.shape[0]
    src = edge_index[0]
    dst = edge_index[1]
    loop = jnp.arange(N, dtype=edge_index.dtype)
    src = jnp.concatenate([src, loop])
    dst = jnp.concatenate([dst, loop])
    deg = jnp.zeros((N,), dtype=x.dtype).at[dst].add(1.0)
    dinv = jnp.where(deg > 0, 1.0 / jnp.sqrt(deg), 0.0)
    norm = dinv[src] * dinv[dst]
    h = x @ W
    msg = h[src] * norm[:, None]
    out = jnp.zeros((N, W.shape[1]), dtype=x.dtype).at[dst].add(msg)
    return out + b


def setup_inputs(seed: int = 0) -> dict:
    key = jax.random.key(seed)
    k_x, k_e, k1, k2, k3 = jax.random.split(key, 5)
    x = jax.random.normal(k_x, (N_NODES, IN_DIM), dtype=jnp.float32)
    edge_index = jax.random.randint(k_e, (2, N_EDGES), 0, N_NODES, dtype=jnp.int64)
    s1 = 1.0 / np.sqrt(IN_DIM)
    s2 = 1.0 / np.sqrt(HIDDEN_DIM)
    W1 = jax.random.uniform(k1, (IN_DIM, HIDDEN_DIM), jnp.float32, -s1, s1)
    b1 = jnp.zeros((HIDDEN_DIM,), jnp.float32)
    Wmu = jax.random.uniform(k2, (HIDDEN_DIM, LATENT_DIM), jnp.float32, -s2, s2)
    bmu = jnp.zeros((LATENT_DIM,), jnp.float32)
    Wls = jax.random.uniform(k3, (HIDDEN_DIM, LATENT_DIM), jnp.float32, -s2, s2)
    bls = jnp.zeros((LATENT_DIM,), jnp.float32)
    return {"x": x, "edge_index": edge_index, "W1": W1, "b1": b1, "Wmu": Wmu, "bmu": bmu, "Wls": Wls, "bls": bls}


def reference(x, edge_index, W1, b1, Wmu, bmu, Wls, bls):
    h = jax.nn.relu(gcn_conv(x, edge_index, W1, b1))
    mu = gcn_conv(h, edge_index, Wmu, bmu)
    logstd = gcn_conv(h, edge_index, Wls, bls)
    return (mu, logstd)

if __name__ == "__main__":
    import jax
    _d = setup_inputs()
    print(jax.jit(kernel)(*tuple(_d.values())))

</pallas_src>

<mosaic_0001>
#map = affine_map<(d0, d1) -> (0, 0, 0)>
#map1 = affine_map<(d0, d1) -> (0)>
#map2 = affine_map<(d0, d1) -> (0, 0)>
module attributes {stable_mosaic.version = 14 : i64} {
  func.func @fused_kernel(%arg0: i32, %arg1: i32, %arg2: memref<2x10240x64xf32, #tpu.memory_space<hbm>>, %arg3: memref<16x160x128xi32, #tpu.memory_space<hbm>>, %arg4: memref<16x160x128xi32, #tpu.memory_space<hbm>>, %arg5: memref<10240xf32, #tpu.memory_space<hbm>>, %arg6: memref<2x4x16xf32, #tpu.memory_space<hbm>>, %arg7: memref<10240x64xf32, #tpu.memory_space<hbm>>, %arg8: memref<2x10240x64xf32, #tpu.memory_space<hbm>>, %arg9: memref<2x10240x64xf32, #tpu.memory_space<hbm>>, %arg10: memref<2x128xi32, #tpu.memory_space<vmem>>, %arg11: memref<2x128xi32, #tpu.memory_space<vmem>>, %arg12: memref<160x128xi32, #tpu.memory_space<vmem>>, %arg13: memref<128x64xf32, #tpu.memory_space<vmem>>, %arg14: memref<128x64xf32, #tpu.memory_space<vmem>>, %arg15: memref<64x64xf32, #tpu.memory_space<vmem>>, %arg16: memref<64x64xf32, #tpu.memory_space<vmem>>, %arg17: memref<80xf32, #tpu.memory_space<vmem>>, %arg18: memref<4x16xf32, #tpu.memory_space<vmem>>, %arg19: memref<10240x64xf32, #tpu.memory_space<vmem_shared>>, %arg20: memref<10240x64xf32, #tpu.memory_space<vmem_shared>>, %arg21: memref<10240xf32, #tpu.memory_space<vmem_shared>>, %arg22: memref<!tpu.dma_semaphore, #tpu.memory_space<semaphore_mem>>, %arg23: memref<!tpu.dma_semaphore, #tpu.memory_space<semaphore_mem>>, %arg24: memref<!tpu.dma_semaphore, #tpu.memory_space<semaphore_mem>>, %arg25: memref<!tpu.dma_semaphore, #tpu.memory_space<semaphore_mem>>, %arg26: memref<!tpu.dma_semaphore, #tpu.memory_space<semaphore_mem>>, %arg27: memref<!tpu.dma_semaphore, #tpu.memory_space<semaphore_mem>>, %arg28: memref<!tpu.dma_semaphore, #tpu.memory_space<semaphore_mem>>) attributes {dimension_semantics = [#tpu.dimension_semantics<core_parallel>, #tpu.dimension_semantics<subcore_parallel>], iteration_bounds = array<i64: 2, 16>, scalar_prefetch = 0 : i64, scratch_operands = 19 : i64, tpu.core_type = #tpu.core_type<sc_vector_subcore>, window_params = [{transform_indices = #map}, {transform_indices = #map}, {transform_indices = #map}, {transform_indices = #map1}, {transform_indices = #map}, {transform_indices = #map2}, {transform_indices = #map}, {transform_indices = #map}]} {
    %mul3A = arith.constant 640 : i32
    %mul3A_0 = arith.muli %arg1, %mul3A : i32
    %dma_start3A = arith.constant 0 : i32
    %dma_start3A_1 = tpu.memref_slice %arg20[%mul3A_0, %dma_start3A] : memref<10240x64xf32, #tpu.memory_space<vmem_shared>> -> memref<640x64xf32, #tpu.memory_space<vmem_shared>>
    %dma_start3A_2 = arith.constant 0 : i32
    %dma_start3A_3 = tpu.memref_slice %arg7[%mul3A_0, %dma_start3A_2] : memref<10240x64xf32, #tpu.memory_space<hbm>> -> memref<640x64xf32, #tpu.memory_space<hbm>>
    tpu.enqueue_dma source(%dma_start3A_3 : memref<640x64xf32, #tpu.memory_space<hbm>>) target(%dma_start3A_1 : memref<640x64xf32, #tpu.memory_space<vmem_shared>>) target_semaphore(%arg22 : memref<!tpu.dma_semaphore, #tpu.memory_space<semaphore_mem>>)
    %dma_start3A_4 = arith.constant 0 : i32
    %dma_start3A_5 = tpu.memref_slice %arg19[%mul3A_0, %dma_start3A_4] : memref<10240x64xf32, #tpu.memory_space<vmem_shared>> -> memref<640x64xf32, #tpu.memory_space<vmem_shared>>
    %dma_start3A_6 = arith.constant 0 : i32
    %dma_start3A_7 = tpu.memref_slice %arg2[%arg0, %mul3A_0, %dma_start3A_6] : memref<2x10240x64xf32, #tpu.memory_space<hbm>> -> memref<1x640x64xf32, #tpu.memory_space<hbm>>
    %dma_start3A_8 = tpu.memref_squeeze %dma_start3A_7 : memref<1x640x64xf32, #tpu.memory_space<hbm>> -> memref<640x64xf32, #tpu.memory_space<hbm>>
    tpu.enqueue_dma source(%dma_start3A_8 : memref<640x64xf32, #tpu.memory_space<hbm>>) target(%dma_start3A_5 : memref<640x64xf32, #tpu.memory_space<vmem_shared>>) target_semaphore(%arg22 : memref<!tpu.dma_semaphore, #tpu.memory_space<semaphore_mem>>)
    %dma_start3A_9 = arith.constant 0 : i32
    %dma_start3A_10 = arith.constant 0 : i32
    %dma_start3A_11 = tpu.memref_slice %arg4[%arg1, %dma_start3A_9, %dma_start3A_10] : memref<16x160x128xi32, #tpu.memory_space<hbm>> -> memref<1x160x128xi32, #tpu.memory_space<hbm>>
    %dma_start3A_12 = tpu.memref_squeeze %dma_start3A_11 : memref<1x160x128xi32, #tpu.memory_space<hbm>> -> memref<160x128xi32, #tpu.memory_space<hbm>>
    %dma_start3A_13 = arith.constant 0 : i32
    %dma_start3A_14 = arith.constant 0 : i32
    %dma_start3A_15 = tpu.memref_slice %arg4[%arg1, %dma_start3A_13, %dma_start3A_14] : memref<16x160x128xi32, #tpu.memory_space<hbm>> -> memref<1x160x128xi32, #tpu.memory_space<hbm>>
    %dma_start3A_16 = tpu.memref_squeeze %dma_start3A_15 : memref<1x160x128xi32, #tpu.memory_space<hbm>> -> memref<160x128xi32, #tpu.memory_space<hbm>>
    tpu.enqueue_dma source(%dma_start3A_16 : memref<160x128xi32, #tpu.memory_space<hbm>>) target(%arg12 : memref<160x128xi32, #tpu.memory_space<vmem>>) target_semaphore(%arg22 : memref<!tpu.dma_semaphore, #tpu.memory_space<semaphore_mem>>)
    %dma_start3A_17 = tpu.memref_slice %arg21[%mul3A_0] : memref<10240xf32, #tpu.memory_space<vmem_shared>> -> memref<640xf32, #tpu.memory_space<vmem_shared>>
    %dma_start3A_18 = tpu.memref_slice %arg5[%mul3A_0] : memref<10240xf32, #tpu.memory_space<hbm>> -> memref<640xf32, #tpu.memory_space<hbm>>
    tpu.enqueue_dma source(%dma_start3A_18 : memref<640xf32, #tpu.memory_space<hbm>>) target(%dma_start3A_17 : memref<640xf32, #tpu.memory_space<vmem_shared>>) target_semaphore(%arg22 : memref<!tpu.dma_semaphore, #tpu.memory_space<semaphore_mem>>)
    %dma_start3A_19 = arith.constant 0 : i32
    %dma_start3A_20 = arith.constant 0 : i32
    %dma_start3A_21 = tpu.memref_slice %arg6[%arg0, %dma_start3A_19, %dma_start3A_20] : memref<2x4x16xf32, #tpu.memory_space<hbm>> -> memref<1x4x16xf32, #tpu.memory_space<hbm>>
    %dma_start3A_22 = tpu.memref_squeeze %dma_start3A_21 : memref<1x4x16xf32, #tpu.memory_space<hbm>> -> memref<4x16xf32, #tpu.memory_space<hbm>>
    %dma_start3A_23 = arith.constant 0 : i32
    %dma_start3A_24 = arith.constant 0 : i32
    %dma_start3A_25 = tpu.memref_slice %arg6[%arg0, %dma_start3A_23, %dma_start3A_24] : memref<2x4x16xf32, #tpu.memory_space<hbm>> -> memref<1x4x16xf32, #tpu.memory_space<hbm>>
    %dma_start3A_26 = tpu.memref_squeeze %dma_start3A_25 : memref<1x4x16xf32, #tpu.memory_space<hbm>> -> memref<4x16xf32, #tpu.memory_space<hbm>>
    tpu.enqueue_dma source(%dma_start3A_26 : memref<4x16xf32, #tpu.memory_space<hbm>>) target(%arg18 : memref<4x16xf32, #tpu.memory_space<vmem>>) target_semaphore(%arg22 : memref<!tpu.dma_semaphore, #tpu.memory_space<semaphore_mem>>)
    %dma_wait3A = arith.constant 0 : i32
    %dma_wait3A_27 = tpu.memref_slice %arg20[%mul3A_0, %dma_wait3A] : memref<10240x64xf32, #tpu.memory_space<vmem_shared>> -> memref<640x64xf32, #tpu.memory_space<vmem_shared>>
    %dma_wait3A_28 = arith.constant 0 : i32
    %dma_wait3A_29 = tpu.memref_slice %arg7[%mul3A_0, %dma_wait3A_28] : memref<10240x64xf32, #tpu.memory_space<hbm>> -> memref<640x64xf32, #tpu.memory_space<hbm>>
    tpu.wait_dma2 semaphore(%arg22 : memref<!tpu.dma_semaphore, #tpu.memory_space<semaphore_mem>>) src(%dma_wait3A_29 : memref<640x64xf32, #tpu.memory_space<hbm>>) dst(%dma_wait3A_27 : memref<640x64xf32, #tpu.memory_space<vmem_shared>>)
    %dma_wait3A_30 = arith.constant 0 : i32
    %dma_wait3A_31 = tpu.memref_slice %arg19[%mul3A_0, %dma_wait3A_30] : memref<10240x64xf32, #tpu.memory_space<vmem_shared>> -> memref<640x64xf32, #tpu.memory_space<vmem_shared>>
    %dma_wait3A_32 = arith.constant 0 : i32
    %dma_wait3A_33 = tpu.memref_slice %arg2[%arg0, %mul3A_0, %dma_wait3A_32] : memref<2x10240x64xf32, #tpu.memory_space<hbm>> -> memref<1x640x64xf32, #tpu.memory_space<hbm>>
    %dma_wait3A_34 = tpu.memref_squeeze %dma_wait3A_33 : memref<1x640x64xf32, #tpu.memory_space<hbm>> -> memref<640x64xf32, #tpu.memory_space<hbm>>
    tpu.wait_dma2 semaphore(%arg22 : memref<!tpu.dma_semaphore, #tpu.memory_space<semaphore_mem>>) src(%dma_wait3A_34 : memref<640x64xf32, #tpu.memory_space<hbm>>) dst(%dma_wait3A_31 : memref<640x64xf32, #tpu.memory_space<vmem_shared>>)
    %dma_wait3A_35 = arith.constant 0 : i32
    %dma_wait3A_36 = arith.constant 0 : i32
    %dma_wait3A_37 = tpu.memref_slice %arg4[%arg1, %dma_wait3A_35, %dma_wait3A_36] : memref<16x160x128xi32, #tpu.memory_space<hbm>> -> memref<1x160x128xi32, #tpu.memory_space<hbm>>
    %dma_wait3A_38 = tpu.memref_squeeze %dma_wait3A_37 : memref<1x160x128xi32, #tpu.memory_space<hbm>> -> memref<160x128xi32, #tpu.memory_space<hbm>>
    %dma_wait3A_39 = arith.constant 0 : i32
    %dma_wait3A_40 = arith.constant 0 : i32
    %dma_wait3A_41 = tpu.memref_slice %arg4[%arg1, %dma_wait3A_39, %dma_wait3A_40] : memref<16x160x128xi32, #tpu.memory_space<hbm>> -> memref<1x160x128xi32, #tpu.memory_space<hbm>>
    %dma_wait3A_42 = tpu.memref_squeeze %dma_wait3A_41 : memref<1x160x128xi32, #tpu.memory_space<hbm>> -> memref<160x128xi32, #tpu.memory_space<hbm>>
    tpu.wait_dma2 semaphore(%arg22 : memref<!tpu.dma_semaphore, #tpu.memory_space<semaphore_mem>>) src(%dma_wait3A_42 : memref<160x128xi32, #tpu.memory_space<hbm>>) dst(%arg12 : memref<160x128xi32, #tpu.memory_space<vmem>>)
    %dma_wait3A_43 = tpu.memref_slice %arg21[%mul3A_0] : memref<10240xf32, #tpu.memory_space<vmem_shared>> -> memref<640xf32, #tpu.memory_space<vmem_shared>>
    %dma_wait3A_44 = tpu.memref_slice %arg5[%mul3A_0] : memref<10240xf32, #tpu.memory_space<hbm>> -> memref<640xf32, #tpu.memory_space<hbm>>
    tpu.wait_dma2 semaphore(%arg22 : memref<!tpu.dma_semaphore, #tpu.memory_space<semaphore_mem>>) src(%dma_wait3A_44 : memref<640xf32, #tpu.memory_space<hbm>>) dst(%dma_wait3A_43 : memref<640xf32, #tpu.memory_space<vmem_shared>>)
    %dma_wait3A_45 = arith.constant 0 : i32
    %dma_wait3A_46 = arith.constant 0 : i32
    %dma_wait3A_47 = tpu.memref_slice %arg6[%arg0, %dma_wait3A_45, %dma_wait3A_46] : memref<2x4x16xf32, #tpu.memory_space<hbm>> -> memref<1x4x16xf32, #tpu.memory_space<hbm>>
    %dma_wait3A_48 = tpu.memref_squeeze %dma_wait3A_47 : memref<1x4x16xf32, #tpu.memory_space<hbm>> -> memref<4x16xf32, #tpu.memory_space<hbm>>
    %dma_wait3A_49 = arith.constant 0 : i32
    %dma_wait3A_50 = arith.constant 0 : i32
    %dma_wait3A_51 = tpu.memref_slice %arg6[%arg0, %dma_wait3A_49, %dma_wait3A_50] : memref<2x4x16xf32, #tpu.memory_space<hbm>> -> memref<1x4x16xf32, #tpu.memory_space<hbm>>
    %dma_wait3A_52 = tpu.memref_squeeze %dma_wait3A_51 : memref<1x4x16xf32, #tpu.memory_space<hbm>> -> memref<4x16xf32, #tpu.memory_space<hbm>>
    tpu.wait_dma2 semaphore(%arg22 : memref<!tpu.dma_semaphore, #tpu.memory_space<semaphore_mem>>) src(%dma_wait3A_52 : memref<4x16xf32, #tpu.memory_space<hbm>>) dst(%arg18 : memref<4x16xf32, #tpu.memory_space<vmem>>)
    %barrier3A = arith.constant 0 : index
    tpu.barrier barrier_id(%barrier3A)
    %min3A = arith.constant 0 : i32
    %min3A_53 = arith.constant 158 : i32
    %min3A_54 = arith.minsi %min3A, %min3A_53 : i32
    %dma_start3A_55 = arith.constant 0 : i32
    %dma_start3A_56 = tpu.memref_slice %arg3[%arg1, %min3A_54, %dma_start3A_55] : memref<16x160x128xi32, #tpu.memory_space<hbm>> -> memref<1x2x128xi32, #tpu.memory_space<hbm>>
    %dma_start3A_57 = tpu.memref_squeeze %dma_start3A_56 : memref<1x2x128xi32, #tpu.memory_space<hbm>> -> memref<2x128xi32, #tpu.memory_space<hbm>>
    %dma_start3A_58 = arith.constant 0 : i32
    %dma_start3A_59 = tpu.memref_slice %arg3[%arg1, %min3A_54, %dma_start3A_58] : memref<16x160x128xi32, #tpu.memory_space<hbm>> -> memref<1x2x128xi32, #tpu.memory_space<hbm>>
    %dma_start3A_60 = tpu.memref_squeeze %dma_start3A_59 : memref<1x2x128xi32, #tpu.memory_space<hbm>> -> memref<2x128xi32, #tpu.memory_space<hbm>>
    tpu.enqueue_dma source(%dma_start3A_60 : memref<2x128xi32, #tpu.memory_space<hbm>>) target(%arg10 : memref<2x128xi32, #tpu.memory_space<vmem>>) target_semaphore(%arg22 : memref<!tpu.dma_semaphore, #tpu.memory_space<semaphore_mem>>)
    %min3A_61 = arith.constant 2 : i32
    %min3A_62 = arith.constant 158 : i32
    %min3A_63 = arith.minsi %min3A_61, %min3A_62 : i32
    %dma_start3A_64 = arith.constant 0 : i32
    %dma_start3A_65 = tpu.memref_slice %arg3[%arg1, %min3A_63, %dma_start3A_64] : memref<16x160x128xi32, #tpu.memory_space<hbm>> -> memref<1x2x128xi32, #tpu.memory_space<hbm>>
    %dma_start3A_66 = tpu.memref_squeeze %dma_start3A_65 : memref<1x2x128xi32, #tpu.memory_space<hbm>> -> memref<2x128xi32, #tpu.memory_space<hbm>>
    %dma_start3A_67 = arith.constant 0 : i32
    %dma_start3A_68 = tpu.memref_slice %arg3[%arg1, %min3A_63, %dma_start3A_67] : memref<16x160x128xi32, #tpu.memory_space<hbm>> -> memref<1x2x128xi32, #tpu.memory_space<hbm>>
    %dma_start3A_69 = tpu.memref_squeeze %dma_start3A_68 : memref<1x2x128xi32, #tpu.memory_space<hbm>> -> memref<2x128xi32, #tpu.memory_space<hbm>>
    tpu.enqueue_dma source(%dma_start3A_69 : memref<2x128xi32, #tpu.memory_space<hbm>>) target(%arg11 : memref<2x128xi32, #tpu.memory_space<vmem>>) target_semaphore(%arg23 : memref<!tpu.dma_semaphore, #tpu.memory_space<semaphore_mem>>)
    %dma_wait3A_70 = arith.constant 0 : i32
    %dma_wait3A_71 = arith.constant 0 : i32
    %dma_wait3A_72 = tpu.memref_slice %arg3[%arg1, %dma_wait3A_70, %dma_wait3A_71] : memref<16x160x128xi32, #tpu.memory_space<hbm>> -> memref<1x2x128xi32, #tpu.memory_space<hbm>>
    %dma_wait3A_73 = tpu.memref_squeeze %dma_wait3A_72 : memref<1x2x128xi32, #tpu.memory_space<hbm>> -> memref<2x128xi32, #tpu.memory_space<hbm>>
    %dma_wait3A_74 = arith.constant 0 : i32
    %dma_wait3A_75 = arith.constant 0 : i32
    %dma_wait3A_76 = tpu.memref_slice %arg3[%arg1, %dma_wait3A_74, %dma_wait3A_75] : memref<16x160x128xi32, #tpu.memory_space<hbm>> -> memref<1x2x128xi32, #tpu.memory_space<hbm>>
    %dma_wait3A_77 = tpu.memref_squeeze %dma_wait3A_76 : memref<1x2x128xi32, #tpu.memory_space<hbm>> -> memref<2x128xi32, #tpu.memory_space<hbm>>
    tpu.wait_dma2 semaphore(%arg22 : memref<!tpu.dma_semaphore, #tpu.memory_space<semaphore_mem>>) src(%dma_wait3A_77 : memref<2x128xi32, #tpu.memory_space<hbm>>) dst(%arg10 : memref<2x128xi32, #tpu.memory_space<vmem>>)
    %dma_start3A_78 = arith.constant 0 : i32
    %dma_start3A_79 = arith.constant 0 : i32
    %dma_start3A_80 = tpu.memref_slice %arg10[%dma_start3A_78, %dma_start3A_79] : memref<2x128xi32, #tpu.memory_space<vmem>> -> memref<1x128xi32, #tpu.memory_space<vmem>>
    %dma_start3A_81 = tpu.memref_squeeze %dma_start3A_80 : memref<1x128xi32, #tpu.memory_space<vmem>> -> memref<128xi32, #tpu.memory_space<vmem>>
    %dma_start3A_82 = arith.constant 0 : i32
    %dma_start3A_83 = arith.constant 0 : i32
    %dma_start3A_84 = tpu.memref_slice %arg19[%dma_start3A_82, %dma_start3A_83] : memref<10240x64xf32, #tpu.memory_space<vmem_shared>> -> memref<10240x64xf32, #tpu.memory_space<vmem_shared>>
    tpu.enqueue_indirect_dma source(%dma_start3A_84 : memref<10240x64xf32, #tpu.memory_space<vmem_shared>>) target(%arg13 : memref<128x64xf32, #tpu.memory_space<vmem>>) offsets(%dma_start3A_81 : memref<128xi32, #tpu.memory_space<vmem>>) semaphore(%arg25 : memref<!tpu.dma_semaphore, #tpu.memory_space<semaphore_mem>>)
    %dma_start3A_85 = arith.constant 1 : i32
    %dma_start3A_86 = arith.constant 0 : i32
    %dma_start3A_87 = tpu.memref_slice %arg10[%dma_start3A_85, %dma_start3A_86] : memref<2x128xi32, #tpu.memory_space<vmem>> -> memref<1x128xi32, #tpu.memory_space<vmem>>
    %dma_start3A_88 = tpu.memref_squeeze %dma_start3A_87 : memref<1x128xi32, #tpu.memory_space<vmem>> -> memref<128xi32, #tpu.memory_space<vmem>>
    %dma_start3A_89 = arith.constant 0 : i32
    %dma_start3A_90 = arith.constant 0 : i32
    %dma_start3A_91 = tpu.memref_slice %arg19[%dma_start3A_89, %dma_start3A_90] : memref<10240x64xf32, #tpu.memory_space<vmem_shared>> -> memref<10240x64xf32, #tpu.memory_space<vmem_shared>>
    tpu.enqueue_indirect_dma source(%dma_start3A_91 : memref<10240x64xf32, #tpu.memory_space<vmem_shared>>) target(%arg14 : memref<128x64xf32, #tpu.memory_space<vmem>>) offsets(%dma_start3A_88 : memref<128xi32, #tpu.memory_space<vmem>>) semaphore(%arg26 : memref<!tpu.dma_semaphore, #tpu.memory_space<semaphore_mem>>)
    %dma_wait3A_92 = arith.constant 0 : i32
    %dma_wait3A_93 = arith.constant 0 : i32
    %dma_wait3A_94 = tpu.memref_slice %arg10[%dma_wait3A_92, %dma_wait3A_93] : memref<2x128xi32, #tpu.memory_space<vmem>> -> memref<1x128xi32, #tpu.memory_space<vmem>>
    %dma_wait3A_95 = tpu.memref_squeeze %dma_wait3A_94 : memref<1x128xi32, #tpu.memory_space<vmem>> -> memref<128xi32, #tpu.memory_space<vmem>>
    %dma_wait3A_96 = arith.constant 0 : i32
    %dma_wait3A_97 = arith.constant 0 : i32
    %dma_wait3A_98 = tpu.memref_slice %arg19[%dma_wait3A_96, %dma_wait3A_97] : memref<10240x64xf32, #tpu.memory_space<vmem_shared>> -> memref<10240x64xf32, #tpu.memory_space<vmem_shared>>
    tpu.wait_indirect_dma semaphore(%arg25 : memref<!tpu.dma_semaphore, #tpu.memory_space<semaphore_mem>>) src(%dma_wait3A_98 : memref<10240x64xf32, #tpu.memory_space<vmem_shared>>) dst(%arg13 : memref<128x64xf32, #tpu.memory_space<vmem>>)
    %dma_start3A_99 = arith.constant 0 : i32
    %dma_start3A_100 = arith.constant 0 : i32
    %dma_start3A_101 = tpu.memref_slice %arg12[%dma_start3A_99, %dma_start3A_100] : memref<160x128xi32, #tpu.memory_space<vmem>> -> memref<1x128xi32, #tpu.memory_space<vmem>>
    %dma_start3A_102 = tpu.memref_squeeze %dma_start3A_101 : memref<1x128xi32, #tpu.memory_space<vmem>> -> memref<128xi32, #tpu.memory_space<vmem>>
    %dma_start3A_103 = arith.constant 0 : i32
    %dma_start3A_104 = arith.constant 0 : i32
    %dma_start3A_105 = tpu.memref_slice %arg20[%dma_start3A_103, %dma_start3A_104] : memref<10240x64xf32, #tpu.memory_space<vmem_shared>> -> memref<10240x64xf32, #tpu.memory_space<vmem_shared>>
    tpu.enqueue_indirect_dma source(%arg13 : memref<128x64xf32, #tpu.memory_space<vmem>>) target(%dma_start3A_105 : memref<10240x64xf32, #tpu.memory_space<vmem_shared>>) offsets(%dma_start3A_102 : memref<128xi32, #tpu.memory_space<vmem>>) semaphore(%arg27 : memref<!tpu.dma_semaphore, #tpu.memory_space<semaphore_mem>>) {add = true}
    %dma_wait3A_106 = arith.constant 1 : i32
    %dma_wait3A_107 = arith.constant 0 : i32
    %dma_wait3A_108 = tpu.memref_slice %arg10[%dma_wait3A_106, %dma_wait3A_107] : memref<2x128xi32, #tpu.memory_space<vmem>> -> memref<1x128xi32, #tpu.memory_space<vmem>>
    %dma_wait3A_109 = tpu.memref_squeeze %dma_wait3A_108 : memref<1x128xi32, #tpu.memory_space<vmem>> -> memref<128xi32, #tpu.memory_space<vmem>>
    %dma_wait3A_110 = arith.constant 0 : i32
    %dma_wait3A_111 = arith.constant 0 : i32
    %dma_wait3A_112 = tpu.memref_slice %arg19[%dma_wait3A_110, %dma_wait3A_111] : memref<10240x64xf32, #tpu.memory_space<vmem_shared>> -> memref<10240x64xf32, #tpu.memory_space<vmem_shared>>
    tpu.wait_indirect_dma semaphore(%arg26 : memref<!tpu.dma_semaphore, #tpu.memory_space<semaphore_mem>>) src(%dma_wait3A_112 : memref<10240x64xf32, #tpu.memory_space<vmem_shared>>) dst(%arg14 : memref<128x64xf32, #tpu.memory_space<vmem>>)
    %dma_start3A_113 = arith.constant 1 : i32
    %dma_start3A_114 = arith.constant 0 : i32
    %dma_start3A_115 = tpu.memref_slice %arg12[%dma_start3A_113, %dma_start3A_114] : memref<160x128xi32, #tpu.memory_space<vmem>> -> memref<1x128xi32, #tpu.memory_space<vmem>>
    %dma_start3A_116 = tpu.memref_squeeze %dma_start3A_115 : memref<1x128xi32, #tpu.memory_space<vmem>> -> memref<128xi32, #tpu.memory_space<vmem>>
    %dma_start3A_117 = arith.constant 0 : i32
    %dma_start3A_118 = arith.constant 0 : i32
    %dma_start3A_119 = tpu.memref_slice %arg20[%dma_start3A_117, %dma_start3A_118] : memref<10240x64xf32, #tpu.memory_space<vmem_shared>> -> memref<10240x64xf32, #tpu.memory_space<vmem_shared>>
    tpu.enqueue_indirect_dma source(%arg14 : memref<128x64xf32, #tpu.memory_space<vmem>>) target(%dma_start3A_119 : memref<10240x64xf32, #tpu.memory_space<vmem_shared>>) offsets(%dma_start3A_116 : memref<128xi32, #tpu.memory_space<vmem>>) semaphore(%arg28 : memref<!tpu.dma_semaphore, #tpu.memory_space<semaphore_mem>>) {add = true}
    %min3A_120 = arith.constant 4 : i32
    %min3A_121 = arith.constant 158 : i32
    %min3A_122 = arith.minsi %min3A_120, %min3A_121 : i32
    %dma_start3A_123 = arith.constant 0 : i32
    %dma_start3A_124 = tpu.memref_slice %arg3[%arg1, %min3A_122, %dma_start3A_123] : memref<16x160x128xi32, #tpu.memory_space<hbm>> -> memref<1x2x128xi32, #tpu.memory_space<hbm>>
    %dma_start3A_125 = tpu.memref_squeeze %dma_start3A_124 : memref<1x2x128xi32, #tpu.memory_space<hbm>> -> memref<2x128xi32, #tpu.memory_space<hbm>>
    %dma_start3A_126 = arith.constant 0 : i32
    %dma_start3A_127 = tpu.memref_slice %arg3[%arg1, %min3A_122, %dma_start3A_126] : memref<16x160x128xi32, #tpu.memory_space<hbm>> -> memref<1x2x128xi32, #tpu.memory_space<hbm>>
    %dma_start3A_128 = tpu.memref_squeeze %dma_start3A_127 : memref<1x2x128xi32, #tpu.memory_space<hbm>> -> memref<2x128xi32, #tpu.memory_space<hbm>>
    tpu.enqueue_dma source(%dma_start3A_128 : memref<2x128xi32, #tpu.memory_space<hbm>>) target(%arg10 : memref<2x128xi32, #tpu.memory_space<vmem>>) target_semaphore(%arg22 : memref<!tpu.dma_semaphore, #tpu.memory_space<semaphore_mem>>)
    %dma_wait3A_129 = arith.constant 0 : i32
    %dma_wait3A_130 = arith.constant 0 : i32
    %dma_wait3A_131 = tpu.memref_slice %arg3[%arg1, %dma_wait3A_129, %dma_wait3A_130] : memref<16x160x128xi32, #tpu.memory_space<hbm>> -> memref<1x2x128xi32, #tpu.memory_space<hbm>>
    %dma_wait3A_132 = tpu.memref_squeeze %dma_wait3A_131 : memref<1x2x128xi32, #tpu.memory_space<hbm>> -> memref<2x128xi32, #tpu.memory_space<hbm>>
    %dma_wait3A_133 = arith.constant 0 : i32
    %dma_wait3A_134 = arith.constant 0 : i32
    %dma_wait3A_135 = tpu.memref_slice %arg3[%arg1, %dma_wait3A_133, %dma_wait3A_134] : memref<16x160x128xi32, #tpu.memory_space<hbm>> -> memref<1x2x128xi32, #tpu.memory_space<hbm>>
    %dma_wait3A_136 = tpu.memref_squeeze %dma_wait3A_135 : memref<1x2x128xi32, #tpu.memory_space<hbm>> -> memref<2x128xi32, #tpu.memory_space<hbm>>
    tpu.wait_dma2 semaphore(%arg23 : memref<!tpu.dma_semaphore, #tpu.memory_space<semaphore_mem>>) src(%dma_wait3A_136 : memref<2x128xi32, #tpu.memory_space<hbm>>) dst(%arg11 : memref<2x128xi32, #tpu.memory_space<vmem>>)
    %dma_wait3A_137 = arith.constant 0 : i32
    %dma_wait3A_138 = arith.constant 0 : i32
    %dma_wait3A_139 = tpu.memref_slice %arg12[%dma_wait3A_137, %dma_wait3A_138] : memref<160x128xi32, #tpu.memory_space<vmem>> -> memref<1x128xi32, #tpu.memory_space<vmem>>
    %dma_wait3A_140 = tpu.memref_squeeze %dma_wait3A_139 : memref<1x128xi32, #tpu.memory_space<vmem>> -> memref<128xi32, #tpu.memory_space<vmem>>
    %dma_wait3A_141 = arith.constant 0 : i32
    %dma_wait3A_142 = arith.constant 0 : i32
    %dma_wait3A_143 = tpu.memref_slice %arg20[%dma_wait3A_141, %dma_wait3A_142] : memref<10240x64xf32, #tpu.memory_space<vmem_shared>> -> memref<10240x64xf32, #tpu.memory_space<vmem_shared>>
    tpu.wait_indirect_dma semaphore(%arg27 : memref<!tpu.dma_semaphore, #tpu.memory_space<semaphore_mem>>) src(%arg13 : memref<128x64xf32, #tpu.memory_space<vmem>>) dst(%dma_wait3A_143 : memref<10240x64xf32, #tpu.memory_space<vmem_shared>>)
    %dma_start3A_144 = arith.constant 0 : i32
    %dma_start3A_145 = arith.constant 0 : i32
    %dma_start3A_146 = tpu.memref_slice %arg11[%dma_start3A_144, %dma_start3A_145] : memref<2x128xi32, #tpu.memory_space<vmem>> -> memref<1x128xi32, #tpu.memory_space<vmem>>
    %dma_start3A_147 = tpu.memref_squeeze %dma_start3A_146 : memref<1x128xi32, #tpu.memory_space<vmem>> -> memref<128xi32, #tpu.memory_space<vmem>>
    %dma_start3A_148 = arith.constant 0 : i32
    %dma_start3A_149 = arith.constant 0 : i32
    %dma_start3A_150 = tpu.memref_slice %arg19[%dma_start3A_148, %dma_start3A_149] : memref<10240x64xf32, #tpu.memory_space<vmem_shared>> -> memref<10240x64xf32, #tpu.memory_space<vmem_shared>>
    tpu.enqueue_indirect_dma source(%dma_start3A_150 : memref<10240x64xf32, #tpu.memory_space<vmem_shared>>) target(%arg13 : memref<128x64xf32, #tpu.memory_space<vmem>>) offsets(%dma_start3A_147 : memref<128xi32, #tpu.memory_space<vmem>>) semaphore(%arg25 : memref<!tpu.dma_semaphore, #tpu.memory_space<semaphore_mem>>)
    %dma_wait3A_151 = arith.constant 0 : i32
    %dma_wait3A_152 = arith.constant 0 : i32
    %dma_wait3A_153 = tpu.memref_slice %arg12[%dma_wait3A_151, %dma_wait3A_152] : memref<160x128xi32, #tpu.memory_space<vmem>> -> memref<1x128xi32, #tpu.memory_space<vmem>>
    %dma_wait3A_154 = tpu.memref_squeeze %dma_wait3A_153 : memref<1x128xi32, #tpu.memory_space<vmem>> -> memref<128xi32, #tpu.memory_space<vmem>>
    %dma_wait3A_155 = arith.constant 0 : i32
    %dma_wait3A_156 = arith.constant 0 : i32
    %dma_wait3A_157 = tpu.memref_slice %arg20[%dma_wait3A_155, %dma_wait3A_156] : memref<10240x64xf32, #tpu.memory_space<vmem_shared>> -> memref<10240x64xf32, #tpu.memory_space<vmem_shared>>
    tpu.wait_indirect_dma semaphore(%arg28 : memref<!tpu.dma_semaphore, #tpu.memory_space<semaphore_mem>>) src(%arg14 : memref<128x64xf32, #tpu.memory_space<vmem>>) dst(%dma_wait3A_157 : memref<10240x64xf32, #tpu.memory_space<vmem_shared>>)
    %dma_start3A_158 = arith.constant 1 : i32
    %dma_start3A_159 = arith.constant 0 : i32
    %dma_start3A_160 = tpu.memref_slice %arg11[%dma_start3A_158, %dma_start3A_159] : memref<2x128xi32, #tpu.memory_space<vmem>> -> memref<1x128xi32, #tpu.memory_space<vmem>>
    %dma_start3A_161 = tpu.memref_squeeze %dma_start3A_160 : memref<1x128xi32, #tpu.memory_space<vmem>> -> memref<128xi32, #tpu.memory_space<vmem>>
    %dma_start3A_162 = arith.constant 0 : i32
    %dma_start3A_163 = arith.constant 0 : i32
    %dma_start3A_164 = tpu.memref_slice %arg19[%dma_start3A_162, %dma_start3A_163] : memref<10240x64xf32, #tpu.memory_space<vmem_shared>> -> memref<10240x64xf32, #tpu.memory_space<vmem_shared>>
    tpu.enqueue_indirect_dma source(%dma_start3A_164 : memref<10240x64xf32, #tpu.memory_space<vmem_shared>>) target(%arg14 : memref<128x64xf32, #tpu.memory_space<vmem>>) offsets(%dma_start3A_161 : memref<128xi32, #tpu.memory_space<vmem>>) semaphore(%arg26 : memref<!tpu.dma_semaphore, #tpu.memory_space<semaphore_mem>>)
    %dma_wait3A_165 = arith.constant 0 : i32
    %dma_wait3A_166 = arith.constant 0 : i32
    %dma_wait3A_167 = tpu.memref_slice %arg11[%dma_wait3A_165, %dma_wait3A_166] : memref<2x128xi32, #tpu.memory_space<vmem>> -> memref<1x128xi32, #tpu.memory_space<vmem>>
    %dma_wait3A_168 = tpu.memref_squeeze %dma_wait3A_167 : memref<1x128xi32, #tpu.memory_space<vmem>> -> memref<128xi32, #tpu.memory_space<vmem>>
    %dma_wait3A_169 = arith.constant 0 : i32
    %dma_wait3A_170 = arith.constant 0 : i32
    %dma_wait3A_171 = tpu.memref_slice %arg19[%dma_wait3A_169, %dma_wait3A_170] : memref<10240x64xf32, #tpu.memory_space<vmem_shared>> -> memref<10240x64xf32, #tpu.memory_space<vmem_shared>>
    tpu.wait_indirect_dma semaphore(%arg25 : memref<!tpu.dma_semaphore, #tpu.memory_space<semaphore_mem>>) src(%dma_wait3A_171 : memref<10240x64xf32, #tpu.memory_space<vmem_shared>>) dst(%arg13 : memref<128x64xf32, #tpu.memory_space<vmem>>)
    %dma_start3A_172 = arith.constant 2 : i32
    %dma_start3A_173 = arith.constant 0 : i32
    %dma_start3A_174 = tpu.memref_slice %arg12[%dma_start3A_172, %dma_start3A_173] : memref<160x128xi32, #tpu.memory_space<vmem>> -> memref<1x128xi32, #tpu.memory_space<vmem>>
    %dma_start3A_175 = tpu.memref_squeeze %dma_start3A_174 : memref<1x128xi32, #tpu.memory_space<vmem>> -> memref<128xi32, #tpu.memory_space<vmem>>
    %dma_start3A_176 = arith.constant 0 : i32
    %dma_start3A_177 = arith.constant 0 : i32
    %dma_start3A_178 = tpu.memref_slice %arg20[%dma_start3A_176, %dma_start3A_177] : memref<10240x64xf32, #tpu.memory_space<vmem_shared>> -> memref<10240x64xf32, #tpu.memory_space<vmem_shared>>
    tpu.enqueue_indirect_dma source(%arg13 : memref<128x64xf32, #tpu.memory_space<vmem>>) target(%dma_start3A_178 : memref<10240x64xf32, #tpu.memory_space<vmem_shared>>) offsets(%dma_start3A_175 : memref<128xi32, #tpu.memory_space<vmem>>) semaphore(%arg27 : memref<!tpu.dma_semaphore, #tpu.memory_space<semaphore_mem>>) {add = true}
    %dma_wait3A_179 = arith.constant 1 : i32
    %dma_wait3A_180 = arith.constant 0 : i32
    %dma_wait3A_181 = tpu.memref_slice %arg11[%dma_wait3A_179, %dma_wait3A_180] : memref<2x128xi32, #tpu.memory_space<vmem>> -> memref<1x128xi32, #tpu.memory_space<vmem>>
    %dma_wait3A_182 = tpu.memref_squeeze %dma_wait3A_181 : memref<1x128xi32, #tpu.memory_space<vmem>> -> memref<128xi32, #tpu.memory_space<vmem>>
    %dma_wait3A_183 = arith.constant 0 : i32
    %dma_wait3A_184 = arith.constant 0 : i32
    %dma_wait3A_185 = tpu.memref_slice %arg19[%dma_wait3A_183, %dma_wait3A_184] : memref<10240x64xf32, #tpu.memory_space<vmem_shared>> -> memref<10240x64xf32, #tpu.memory_space<vmem_shared>>
    tpu.wait_indirect_dma semaphore(%arg26 : memref<!tpu.dma_semaphore, #tpu.memory_space<semaphore_mem>>) src(%dma_wait3A_185 : memref<10240x64xf32, #tpu.memory_space<vmem_shared>>) dst(%arg14 : memref<128x64xf32, #tpu.memory_space<vmem>>)
    %dma_start3A_186 = arith.constant 3 : i32
    %dma_start3A_187 = arith.constant 0 : i32
    %dma_start3A_188 = tpu.memref_slice %arg12[%dma_start3A_186, %dma_start3A_187] : memref<160x128xi32, #tpu.memory_space<vmem>> -> memref<1x128xi32, #tpu.memory_space<vmem>>
    %dma_start3A_189 = tpu.memref_squeeze %dma_start3A_188 : memref<1x128xi32, #tpu.memory_space<vmem>> -> memref<128xi32, #tpu.memory_space<vmem>>
    %dma_start3A_190 = arith.constant 0 : i32
    %dma_start3A_191 = arith.constant 0 : i32
    %dma_start3A_192 = tpu.memref_slice %arg20[%dma_start3A_190, %dma_start3A_191] : memref<10240x64xf32, #tpu.memory_space<vmem_shared>> -> memref<10240x64xf32, #tpu.memory_space<vmem_shared>>
    tpu.enqueue_indirect_dma source(%arg14 : memref<128x64xf32, #tpu.memory_space<vmem>>) target(%dma_start3A_192 : memref<10240x64xf32, #tpu.memory_space<vmem_shared>>) offsets(%dma_start3A_189 : memref<128xi32, #tpu.memory_space<vmem>>) semaphore(%arg28 : memref<!tpu.dma_semaphore, #tpu.memory_space<semaphore_mem>>) {add = true}
    %min3A_193 = arith.constant 6 : i32
    %min3A_194 = arith.constant 158 : i32
    %min3A_195 = arith.minsi %min3A_193, %min3A_194 : i32
    %dma_start3A_196 = arith.constant 0 : i32
    %dma_start3A_197 = tpu.memref_slice %arg3[%arg1, %min3A_195, %dma_start3A_196] : memref<16x160x128xi32, #tpu.memory_space<hbm>> -> memref<1x2x128xi32, #tpu.memory_space<hbm>>
    %dma_start3A_198 = tpu.memref_squeeze %dma_start3A_197 : memref<1x2x128xi32, #tpu.memory_space<hbm>> -> memref<2x128xi32, #tpu.memory_space<hbm>>
    %dma_start3A_199 = arith.constant 0 : i32
    %dma_start3A_200 = tpu.memref_slice %arg3[%arg1, %min3A_195, %dma_start3A_199] : memref<16x160x128xi32, #tpu.memory_space<hbm>> -> memref<1x2x128xi32, #tpu.memory_space<hbm>>
    %dma_start3A_201 = tpu.memref_squeeze %dma_start3A_200 : memref<1x2x128xi32, #tpu.memory_space<hbm>> -> memref<2x128xi32, #tpu.memory_space<hbm>>
    tpu.enqueue_dma source(%dma_start3A_201 : memref<2x128xi32, #tpu.memory_space<hbm>>) target(%arg11 : memref<2x128xi32, #tpu.memory_space<vmem>>) target_semaphore(%arg23 : memref<!tpu.dma_semaphore, #tpu.memory_space<semaphore_mem>>)
    %scan3A = arith.constant 0 : i32
    %scan3A_202 = arith.constant 1 : i32
    %scan3A_203 = arith.constant 39 : i32
    %scan3A_204 = arith.addi %scan3A_202, %scan3A_203 : i32
    %scan3A_205 = arith.constant 1 : i32
    scf.for %scan3A_442 = %scan3A_202 to %scan3A_204 step %scan3A_205  : i32 {
      %mul3A_443 = arith.constant 2 : i32
      %mul3A_444 = arith.muli %mul3A_443, %scan3A_442 : i32
      %dma_wait3A_445 = arith.constant 0 : i32
      %dma_wait3A_446 = arith.constant 0 : i32
      %dma_wait3A_447 = tpu.memref_slice %arg3[%arg1, %dma_wait3A_445, %dma_wait3A_446] : memref<16x160x128xi32, #tpu.memory_space<hbm>> -> memref<1x2x128xi32, #tpu.memory_space<hbm>>
      %dma_wait3A_448 = tpu.memref_squeeze %dma_wait3A_447 : memref<1x2x128xi32, #tpu.memory_space<hbm>> -> memref<2x128xi32, #tpu.memory_space<hbm>>
      %dma_wait3A_449 = arith.constant 0 : i32
      %dma_wait3A_450 = arith.constant 0 : i32
      %dma_wait3A_451 = tpu.memref_slice %arg3[%arg1, %dma_wait3A_449, %dma_wait3A_450] : memref<16x160x128xi32, #tpu.memory_space<hbm>> -> memref<1x2x128xi32, #tpu.memory_space<hbm>>
      %dma_wait3A_452 = tpu.memref_squeeze %dma_wait3A_451 : memref<1x2x128xi32, #tpu.memory_space<hbm>> -> memref<2x128xi32, #tpu.memory_space<hbm>>
      tpu.wait_dma2 semaphore(%arg22 : memref<!tpu.dma_semaphore, #tpu.memory_space<semaphore_mem>>) src(%dma_wait3A_452 : memref<2x128xi32, #tpu.memory_space<hbm>>) dst(%arg10 : memref<2x128xi32, #tpu.memory_space<vmem>>)
      %dma_wait3A_453 = arith.constant 0 : i32
      %dma_wait3A_454 = arith.constant 0 : i32
      %dma_wait3A_455 = tpu.memref_slice %arg12[%dma_wait3A_453, %dma_wait3A_454] : memref<160x128xi32, #tpu.memory_space<vmem>> -> memref<1x128xi32, #tpu.memory_space<vmem>>
      %dma_wait3A_456 = tpu.memref_squeeze %dma_wait3A_455 : memref<1x128xi32, #tpu.memory_space<vmem>> -> memref<128xi32, #tpu.memory_space<vmem>>
      %dma_wait3A_457 = arith.constant 0 : i32
      %dma_wait3A_458 = arith.constant 0 : i32
      %dma_wait3A_459 = tpu.memref_slice %arg20[%dma_wait3A_457, %dma_wait3A_458] : memref<10240x64xf32, #tpu.memory_space<vmem_shared>> -> memref<10240x64xf32, #tpu.memory_space<vmem_shared>>
      tpu.wait_indirect_dma semaphore(%arg27 : memref<!tpu.dma_semaphore, #tpu.memory_space<semaphore_mem>>) src(%arg13 : memref<128x64xf32, #tpu.memory_space<vmem>>) dst(%dma_wait3A_459 : memref<10240x64xf32, #tpu.memory_space<vmem_shared>>)
      %dma_start3A_460 = arith.constant 0 : i32
      %dma_start3A_461 = arith.constant 0 : i32
      %dma_start3A_462 = tpu.memref_slice %arg10[%dma_start3A_460, %dma_start3A_461] : memref<2x128xi32, #tpu.memory_space<vmem>> -> memref<1x128xi32, #tpu.memory_space<vmem>>
      %dma_start3A_463 = tpu.memref_squeeze %dma_start3A_462 : memref<1x128xi32, #tpu.memory_space<vmem>> -> memref<128xi32, #tpu.memory_space<vmem>>
      %dma_start3A_464 = arith.constant 0 : i32
      %dma_start3A_465 = arith.constant 0 : i32
      %dma_start3A_466 = tpu.memref_slice %arg19[%dma_start3A_464, %dma_start3A_465] : memref<10240x64xf32, #tpu.memory_space<vmem_shared>> -> memref<10240x64xf32, #tpu.memory_space<vmem_shared>>
      tpu.enqueue_indirect_dma source(%dma_start3A_466 : memref<10240x64xf32, #tpu.memory_space<vmem_shared>>) target(%arg13 : memref<128x64xf32, #tpu.memory_space<vmem>>) offsets(%dma_start3A_463 : memref<128xi32, #tpu.memory_space<vmem>>) semaphore(%arg25 : memref<!tpu.dma_semaphore, #tpu.memory_space<semaphore_mem>>)
      %dma_wait3A_467 = arith.constant 0 : i32
      %dma_wait3A_468 = arith.constant 0 : i32
      %dma_wait3A_469 = tpu.memref_slice %arg12[%dma_wait3A_467, %dma_wait3A_468] : memref<160x128xi32, #tpu.memory_space<vmem>> -> memref<1x128xi32, #tpu.memory_space<vmem>>
      %dma_wait3A_470 = tpu.memref_squeeze %dma_wait3A_469 : memref<1x128xi32, #tpu.memory_space<vmem>> -> memref<128xi32, #tpu.memory_space<vmem>>
      %dma_wait3A_471 = arith.constant 0 : i32
      %dma_wait3A_472 = arith.constant 0 : i32
      %dma_wait3A_473 = tpu.memref_slice %arg20[%dma_wait3A_471, %dma_wait3A_472] : memref<10240x64xf32, #tpu.memory_space<vmem_shared>> -> memref<10240x64xf32, #tpu.memory_space<vmem_shared>>
      tpu.wait_indirect_dma semaphore(%arg28 : memref<!tpu.dma_semaphore, #tpu.memory_space<semaphore_mem>>) src(%arg14 : memref<128x64xf32, #tpu.memory_space<vmem>>) dst(%dma_wait3A_473 : memref<10240x64xf32, #tpu.memory_space<vmem_shared>>)
      %dma_start3A_474 = arith.constant 1 : i32
      %dma_start3A_475 = arith.constant 0 : i32
      %dma_start3A_476 = tpu.memref_slice %arg10[%dma_start3A_474, %dma_start3A_475] : memref<2x128xi32, #tpu.memory_space<vmem>> -> memref<1x128xi32, #tpu.memory_space<vmem>>
      %dma_start3A_477 = tpu.memref_squeeze %dma_start3A_476 : memref<1x128xi32, #tpu.memory_space<vmem>> -> memref<128xi32, #tpu.memory_space<vmem>>
      %dma_start3A_478 = arith.constant 0 : i32
      %dma_start3A_479 = arith.constant 0 : i32
      %dma_start3A_480 = tpu.memref_slice %arg19[%dma_start3A_478, %dma_start3A_479] : memref<10240x64xf32, #tpu.memory_space<vmem_shared>> -> memref<10240x64xf32, #tpu.memory_space<vmem_shared>>
      tpu.enqueue_indirect_dma source(%dma_start3A_480 : memref<10240x64xf32, #tpu.memory_space<vmem_shared>>) target(%arg14 : memref<128x64xf32, #tpu.memory_space<vmem>>) offsets(%dma_start3A_477 : memref<128xi32, #tpu.memory_space<vmem>>) semaphore(%arg26 : memref<!tpu.dma_semaphore, #tpu.memory_space<semaphore_mem>>)
      %dma_wait3A_481 = arith.constant 0 : i32
      %dma_wait3A_482 = arith.constant 0 : i32
      %dma_wait3A_483 = tpu.memref_slice %arg10[%dma_wait3A_481, %dma_wait3A_482] : memref<2x128xi32, #tpu.memory_space<vmem>> -> memref<1x128xi32, #tpu.memory_space<vmem>>
      %dma_wait3A_484 = tpu.memref_squeeze %dma_wait3A_483 : memref<1x128xi32, #tpu.memory_space<vmem>> -> memref<128xi32, #tpu.memory_space<vmem>>
      %dma_wait3A_485 = arith.constant 0 : i32
      %dma_wait3A_486 = arith.constant 0 : i32
      %dma_wait3A_487 = tpu.memref_slice %arg19[%dma_wait3A_485, %dma_wait3A_486] : memref<10240x64xf32, #tpu.memory_space<vmem_shared>> -> memref<10240x64xf32, #tpu.memory_space<vmem_shared>>
      tpu.wait_indirect_dma semaphore(%arg25 : memref<!tpu.dma_semaphore, #tpu.memory_space<semaphore_mem>>) src(%dma_wait3A_487 : memref<10240x64xf32, #tpu.memory_space<vmem_shared>>) dst(%arg13 : memref<128x64xf32, #tpu.memory_space<vmem>>)
      %mul3A_488 = arith.constant 2 : i32
      %mul3A_489 = arith.muli %mul3A_444, %mul3A_488 : i32
      %add3A = arith.constant 0 : i32
      %add3A_490 = arith.addi %mul3A_489, %add3A : i32
      %dma_start3A_491 = arith.constant 0 : i32
      %dma_start3A_492 = tpu.memref_slice %arg12[%add3A_490, %dma_start3A_491] : memref<160x128xi32, #tpu.memory_space<vmem>> -> memref<1x128xi32, #tpu.memory_space<vmem>>
      %dma_start3A_493 = tpu.memref_squeeze %dma_start3A_492 : memref<1x128xi32, #tpu.memory_space<vmem>> -> memref<128xi32, #tpu.memory_space<vmem>>
      %dma_start3A_494 = arith.constant 0 : i32
      %dma_start3A_495 = arith.constant 0 : i32
      %dma_start3A_496 = tpu.memref_slice %arg20[%dma_start3A_494, %dma_start3A_495] : memref<10240x64xf32, #tpu.memory_space<vmem_shared>> -> memref<10240x64xf32, #tpu.memory_space<vmem_shared>>
      tpu.enqueue_indirect_dma source(%arg13 : memref<128x64xf32, #tpu.memory_space<vmem>>) target(%dma_start3A_496 : memref<10240x64xf32, #tpu.memory_space<vmem_shared>>) offsets(%dma_start3A_493 : memref<128xi32, #tpu.memory_space<vmem>>) semaphore(%arg27 : memref<!tpu.dma_semaphore, #tpu.memory_space<semaphore_mem>>) {add = true}
      %dma_wait3A_497 = arith.constant 1 : i32
      %dma_wait3A_498 = arith.constant 0 : i32
      %dma_wait3A_499 = tpu.memref_slice %arg10[%dma_wait3A_497, %dma_wait3A_498] : memref<2x128xi32, #tpu.memory_space<vmem>> -> memref<1x128xi32, #tpu.memory_space<vmem>>
      %dma_wait3A_500 = tpu.memref_squeeze %dma_wait3A_499 : memref<1x128xi32, #tpu.memory_space<vmem>> -> memref<128xi32, #tpu.memory_space<vmem>>
      %dma_wait3A_501 = arith.constant 0 : i32
      %dma_wait3A_502 = arith.constant 0 : i32
      %dma_wait3A_503 = tpu.memref_slice %arg19[%dma_wait3A_501, %dma_wait3A_502] : memref<10240x64xf32, #tpu.memory_space<vmem_shared>> -> memref<10240x64xf32, #tpu.memory_space<vmem_shared>>
      tpu.wait_indirect_dma semaphore(%arg26 : memref<!tpu.dma_semaphore, #tpu.memory_space<semaphore_mem>>) src(%dma_wait3A_503 : memref<10240x64xf32, #tpu.memory_space<vmem_shared>>) dst(%arg14 : memref<128x64xf32, #tpu.memory_space<vmem>>)
      %mul3A_504 = arith.constant 2 : i32
      %mul3A_505 = arith.muli %mul3A_444, %mul3A_504 : i32
      %add3A_506 = arith.constant 1 : i32
      %add3A_507 = arith.addi %mul3A_505, %add3A_506 : i32
      %dma_start3A_508 = arith.constant 0 : i32
      %dma_start3A_509 = tpu.memref_slice %arg12[%add3A_507, %dma_start3A_508] : memref<160x128xi32, #tpu.memory_space<vmem>> -> memref<1x128xi32, #tpu.memory_space<vmem>>
      %dma_start3A_510 = tpu.memref_squeeze %dma_start3A_509 : memref<1x128xi32, #tpu.memory_space<vmem>> -> memref<128xi32, #tpu.memory_space<vmem>>
      %dma_start3A_511 = arith.constant 0 : i32
      %dma_start3A_512 = arith.constant 0 : i32
      %dma_start3A_513 = tpu.memref_slice %arg20[%dma_start3A_511, %dma_start3A_512] : memref<10240x64xf32, #tpu.memory_space<vmem_shared>> -> memref<10240x64xf32, #tpu.memory_space<vmem_shared>>
      tpu.enqueue_indirect_dma source(%arg14 : memref<128x64xf32, #tpu.memory_space<vmem>>) target(%dma_start3A_513 : memref<10240x64xf32, #tpu.memory_space<vmem_shared>>) offsets(%dma_start3A_510 : memref<128xi32, #tpu.memory_space<vmem>>) semaphore(%arg28 : memref<!tpu.dma_semaphore, #tpu.memory_space<semaphore_mem>>) {add = true}
      %add3A_514 = arith.constant 2 : i32
      %add3A_515 = arith.addi %mul3A_444, %add3A_514 : i32
      %mul3A_516 = arith.constant 2 : i32
      %mul3A_517 = arith.muli %add3A_515, %mul3A_516 : i32
      %min3A_518 = arith.constant 158 : i32
      %min3A_519 = arith.minsi %mul3A_517, %min3A_518 : i32
      %dma_start3A_520 = arith.constant 0 : i32
      %dma_start3A_521 = tpu.memref_slice %arg3[%arg1, %min3A_519, %dma_start3A_520] : memref<16x160x128xi32, #tpu.memory_space<hbm>> -> memref<1x2x128xi32, #tpu.memory_space<hbm>>
      %dma_start3A_522 = tpu.memref_squeeze %dma_start3A_521 : memref<1x2x128xi32, #tpu.memory_space<hbm>> -> memref<2x128xi32, #tpu.memory_space<hbm>>
      %dma_start3A_523 = arith.constant 0 : i32
      %dma_start3A_524 = tpu.memref_slice %arg3[%arg1, %min3A_519, %dma_start3A_523] : memref<16x160x128xi32, #tpu.memory_space<hbm>> -> memref<1x2x128xi32, #tpu.memory_space<hbm>>
      %dma_start3A_525 = tpu.memref_squeeze %dma_start3A_524 : memref<1x2x128xi32, #tpu.memory_space<hbm>> -> memref<2x128xi32, #tpu.memory_space<hbm>>
      tpu.enqueue_dma source(%dma_start3A_525 : memref<2x128xi32, #tpu.memory_space<hbm>>) target(%arg10 : memref<2x128xi32, #tpu.memory_space<vmem>>) target_semaphore(%arg22 : memref<!tpu.dma_semaphore, #tpu.memory_space<semaphore_mem>>)
      %mul3A_526 = arith.constant 2 : i32
      %mul3A_527 = arith.muli %mul3A_526, %scan3A_442 : i32
      %add3A_528 = arith.constant 1 : i32
      %add3A_529 = arith.addi %mul3A_527, %add3A_528 : i32
      %dma_wait3A_530 = arith.constant 0 : i32
      %dma_wait3A_531 = arith.constant 0 : i32
      %dma_wait3A_532 = tpu.memref_slice %arg3[%arg1, %dma_wait3A_530, %dma_wait3A_531] : memref<16x160x128xi32, #tpu.memory_space<hbm>> -> memref<1x2x128xi32, #tpu.memory_space<hbm>>
      %dma_wait3A_533 = tpu.memref_squeeze %dma_wait3A_532 : memref<1x2x128xi32, #tpu.memory_space<hbm>> -> memref<2x128xi32, #tpu.memory_space<hbm>>
      %dma_wait3A_534 = arith.constant 0 : i32
      %dma_wait3A_535 = arith.constant 0 : i32
      %dma_wait3A_536 = tpu.memref_slice %arg3[%arg1, %dma_wait3A_534, %dma_wait3A_535] : memref<16x160x128xi32, #tpu.memory_space<hbm>> -> memref<1x2x128xi32, #tpu.memory_space<hbm>>
      %dma_wait3A_537 = tpu.memref_squeeze %dma_wait3A_536 : memref<1x2x128xi32, #tpu.memory_space<hbm>> -> memref<2x128xi32, #tpu.memory_space<hbm>>
      tpu.wait_dma2 semaphore(%arg23 : memref<!tpu.dma_semaphore, #tpu.memory_space<semaphore_mem>>) src(%dma_wait3A_537 : memref<2x128xi32, #tpu.memory_space<hbm>>) dst(%arg11 : memref<2x128xi32, #tpu.memory_space<vmem>>)
      %dma_wait3A_538 = arith.constant 0 : i32
      %dma_wait3A_539 = arith.constant 0 : i32
      %dma_wait3A_540 = tpu.memref_slice %arg12[%dma_wait3A_538, %dma_wait3A_539] : memref<160x128xi32, #tpu.memory_space<vmem>> -> memref<1x128xi32, #tpu.memory_space<vmem>>
      %dma_wait3A_541 = tpu.memref_squeeze %dma_wait3A_540 : memref<1x128xi32, #tpu.memory_space<vmem>> -> memref<128xi32, #tpu.memory_space<vmem>>
      %dma_wait3A_542 = arith.constant 0 : i32
      %dma_wait3A_543 = arith.constant 0 : i32
      %dma_wait3A_544 = tpu.memref_slice %arg20[%dma_wait3A_542, %dma_wait3A_543] : memref<10240x64xf32, #tpu.memory_space<vmem_shared>> -> memref<10240x64xf32, #tpu.memory_space<vmem_shared>>
      tpu.wait_indirect_dma semaphore(%arg27 : memref<!tpu.dma_semaphore, #tpu.memory_space<semaphore_mem>>) src(%arg13 : memref<128x64xf32, #tpu.memory_space<vmem>>) dst(%dma_wait3A_544 : memref<10240x64xf32, #tpu.memory_space<vmem_shared>>)
      %dma_start3A_545 = arith.constant 0 : i32
      %dma_start3A_546 = arith.constant 0 : i32
      %dma_start3A_547 = tpu.memref_slice %arg11[%dma_start3A_545, %dma_start3A_546] : memref<2x128xi32, #tpu.memory_space<vmem>> -> memref<1x128xi32, #tpu.memory_space<vmem>>
      %dma_start3A_548 = tpu.memref_squeeze %dma_start3A_547 : memref<1x128xi32, #tpu.memory_space<vmem>> -> memref<128xi32, #tpu.memory_space<vmem>>
      %dma_start3A_549 = arith.constant 0 : i32
      %dma_start3A_550 = arith.constant 0 : i32
      %dma_start3A_551 = tpu.memref_slice %arg19[%dma_start3A_549, %dma_start3A_550] : memref<10240x64xf32, #tpu.memory_space<vmem_shared>> -> memref<10240x64xf32, #tpu.memory_space<vmem_shared>>
      tpu.enqueue_indirect_dma source(%dma_start3A_551 : memref<10240x64xf32, #tpu.memory_space<vmem_shared>>) target(%arg13 : memref<128x64xf32, #tpu.memory_space<vmem>>) offsets(%dma_start3A_548 : memref<128xi32, #tpu.memory_space<vmem>>) semaphore(%arg25 : memref<!tpu.dma_semaphore, #tpu.memory_space<semaphore_mem>>)
      %dma_wait3A_552 = arith.constant 0 : i32
      %dma_wait3A_553 = arith.constant 0 : i32
      %dma_wait3A_554 = tpu.memref_slice %arg12[%dma_wait3A_552, %dma_wait3A_553] : memref<160x128xi32, #tpu.memory_space<vmem>> -> memref<1x128xi32, #tpu.memory_space<vmem>>
      %dma_wait3A_555 = tpu.memref_squeeze %dma_wait3A_554 : memref<1x128xi32, #tpu.memory_space<vmem>> -> memref<128xi32, #tpu.memory_space<vmem>>
      %dma_wait3A_556 = arith.constant 0 : i32
      %dma_wait3A_557 = arith.constant 0 : i32
      %dma_wait3A_558 = tpu.memref_slice %arg20[%dma_wait3A_556, %dma_wait3A_557] : memref<10240x64xf32, #tpu.memory_space<vmem_shared>> -> memref<10240x64xf32, #tpu.memory_space<vmem_shared>>
      tpu.wait_indirect_dma semaphore(%arg28 : memref<!tpu.dma_semaphore, #tpu.memory_space<semaphore_mem>>) src(%arg14 : memref<128x64xf32, #tpu.memory_space<vmem>>) dst(%dma_wait3A_558 : memref<10240x64xf32, #tpu.memory_space<vmem_shared>>)
      %dma_start3A_559 = arith.constant 1 : i32
      %dma_start3A_560 = arith.constant 0 : i32
      %dma_start3A_561 = tpu.memref_slice %arg11[%dma_start3A_559, %dma_start3A_560] : memref<2x128xi32, #tpu.memory_space<vmem>> -> memref<1x128xi32, #tpu.memory_space<vmem>>
      %dma_start3A_562 = tpu.memref_squeeze %dma_start3A_561 : memref<1x128xi32, #tpu.memory_space<vmem>> -> memref<128xi32, #tpu.memory_space<vmem>>
      %dma_start3A_563 = arith.constant 0 : i32
      %dma_start3A_564 = arith.constant 0 : i32
      %dma_start3A_565 = tpu.memref_slice %arg19[%dma_start3A_563, %dma_start3A_564] : memref<10240x64xf32, #tpu.memory_space<vmem_shared>> -> memref<10240x64xf32, #tpu.memory_space<vmem_shared>>
      tpu.enqueue_indirect_dma source(%dma_start3A_565 : memref<10240x64xf32, #tpu.memory_space<vmem_shared>>) target(%arg14 : memref<128x64xf32, #tpu.memory_space<vmem>>) offsets(%dma_start3A_562 : memref<128xi32, #tpu.memory_space<vmem>>) semaphore(%arg26 : memref<!tpu.dma_semaphore, #tpu.memory_space<semaphore_mem>>)
      %dma_wait3A_566 = arith.constant 0 : i32
      %dma_wait3A_567 = arith.constant 0 : i32
      %dma_wait3A_568 = tpu.memref_slice %arg11[%dma_wait3A_566, %dma_wait3A_567] : memref<2x128xi32, #tpu.memory_space<vmem>> -> memref<1x128xi32, #tpu.memory_space<vmem>>
      %dma_wait3A_569 = tpu.memref_squeeze %dma_wait3A_568 : memref<1x128xi32, #tpu.memory_space<vmem>> -> memref<128xi32, #tpu.memory_space<vmem>>
      %dma_wait3A_570 = arith.constant 0 : i32
      %dma_wait3A_571 = arith.constant 0 : i32
      %dma_wait3A_572 = tpu.memref_slice %arg19[%dma_wait3A_570, %dma_wait3A_571] : memref<10240x64xf32, #tpu.memory_space<vmem_shared>> -> memref<10240x64xf32, #tpu.memory_space<vmem_shared>>
      tpu.wait_indirect_dma semaphore(%arg25 : memref<!tpu.dma_semaphore, #tpu.memory_space<semaphore_mem>>) src(%dma_wait3A_572 : memref<10240x64xf32, #tpu.memory_space<vmem_shared>>) dst(%arg13 : memref<128x64xf32, #tpu.memory_space<vmem>>)
      %mul3A_573 = arith.constant 2 : i32
      %mul3A_574 = arith.muli %add3A_529, %mul3A_573 : i32
      %add3A_575 = arith.constant 0 : i32
      %add3A_576 = arith.addi %mul3A_574, %add3A_575 : i32
      %dma_start3A_577 = arith.constant 0 : i32
      %dma_start3A_578 = tpu.memref_slice %arg12[%add3A_576, %dma_start3A_577] : memref<160x128xi32, #tpu.memory_space<vmem>> -> memref<1x128xi32, #tpu.memory_space<vmem>>
      %dma_start3A_579 = tpu.memref_squeeze %dma_start3A_578 : memref<1x128xi32, #tpu.memory_space<vmem>> -> memref<128xi32, #tpu.memory_space<vmem>>
      %dma_start3A_580 = arith.constant 0 : i32
      %dma_start3A_581 = arith.constant 0 : i32
      %dma_start3A_582 = tpu.memref_slice %arg20[%dma_start3A_580, %dma_start3A_581] : memref<10240x64xf32, #tpu.memory_space<vmem_shared>> -> memref<10240x64xf32, #tpu.memory_space<vmem_shared>>
      tpu.enqueue_indirect_dma source(%arg13 : memref<128x64xf32, #tpu.memory_space<vmem>>) target(%dma_start3A_582 : memref<10240x64xf32, #tpu.memory_space<vmem_shared>>) offsets(%dma_start3A_579 : memref<128xi32, #tpu.memory_space<vmem>>) semaphore(%arg27 : memref<!tpu.dma_semaphore, #tpu.memory_space<semaphore_mem>>) {add = true}
      %dma_wait3A_583 = arith.constant 1 : i32
      %dma_wait3A_584 = arith.constant 0 : i32
      %dma_wait3A_585 = tpu.memref_slice %arg11[%dma_wait3A_583, %dma_wait3A_584] : memref<2x128xi32, #tpu.memory_space<vmem>> -> memref<1x128xi32, #tpu.memory_space<vmem>>
      %dma_wait3A_586 = tpu.memref_squeeze %dma_wait3A_585 : memref<1x128xi32, #tpu.memory_space<vmem>> -> memref<128xi32, #tpu.memory_space<vmem>>
      %dma_wait3A_587 = arith.constant 0 : i32
      %dma_wait3A_588 = arith.constant 0 : i32
      %dma_wait3A_589 = tpu.memref_slice %arg19[%dma_wait3A_587, %dma_wait3A_588] : memref<10240x64xf32, #tpu.memory_space<vmem_shared>> -> memref<10240x64xf32, #tpu.memory_space<vmem_shared>>
      tpu.wait_indirect_dma semaphore(%arg26 : memref<!tpu.dma_semaphore, #tpu.memory_space<semaphore_mem>>) src(%dma_wait3A_589 : memref<10240x64xf32, #tpu.memory_space<vmem_shared>>) dst(%arg14 : memref<128x64xf32, #tpu.memory_space<vmem>>)
      %mul3A_590 = arith.constant 2 : i32
      %mul3A_591 = arith.muli %add3A_529, %mul3A_590 : i32
      %add3A_592 = arith.constant 1 : i32
      %add3A_593 = arith.addi %mul3A_591, %add3A_592 : i32
      %dma_start3A_594 = arith.constant 0 : i32
      %dma_start3A_595 = tpu.memref_slice %arg12[%add3A_593, %dma_start3A_594] : memref<160x128xi32, #tpu.memory_space<vmem>> -> memref<1x128xi32, #tpu.memory_space<vmem>>
      %dma_start3A_596 = tpu.memref_squeeze %dma_start3A_595 : memref<1x128xi32, #tpu.memory_space<vmem>> -> memref<128xi32, #tpu.memory_space<vmem>>
      %dma_start3A_597 = arith.constant 0 : i32
      %dma_start3A_598 = arith.constant 0 : i32
      %dma_start3A_599 = tpu.memref_slice %arg20[%dma_start3A_597, %dma_start3A_598] : memref<10240x64xf32, #tpu.memory_space<vmem_shared>> -> memref<10240x64xf32, #tpu.memory_space<vmem_shared>>
      tpu.enqueue_indirect_dma source(%arg14 : memref<128x64xf32, #tpu.memory_space<vmem>>) target(%dma_start3A_599 : memref<10240x64xf32, #tpu.memory_space<vmem_shared>>) offsets(%dma_start3A_596 : memref<128xi32, #tpu.memory_space<vmem>>) semaphore(%arg28 : memref<!tpu.dma_semaphore, #tpu.memory_space<semaphore_mem>>) {add = true}
      %add3A_600 = arith.constant 2 : i32
      %add3A_601 = arith.addi %add3A_529, %add3A_600 : i32
      %mul3A_602 = arith.constant 2 : i32
      %mul3A_603 = arith.muli %add3A_601, %mul3A_602 : i32
      %min3A_604 = arith.constant 158 : i32
      %min3A_605 = arith.minsi %mul3A_603, %min3A_604 : i32
      %dma_start3A_606 = arith.constant 0 : i32
      %dma_start3A_607 = tpu.memref_slice %arg3[%arg1, %min3A_605, %dma_start3A_606] : memref<16x160x128xi32, #tpu.memory_space<hbm>> -> memref<1x2x128xi32, #tpu.memory_space<hbm>>
      %dma_start3A_608 = tpu.memref_squeeze %dma_start3A_607 : memref<1x2x128xi32, #tpu.memory_space<hbm>> -> memref<2x128xi32, #tpu.memory_space<hbm>>
      %dma_start3A_609 = arith.constant 0 : i32
      %dma_start3A_610 = tpu.memref_slice %arg3[%arg1, %min3A_605, %dma_start3A_609] : memref<16x160x128xi32, #tpu.memory_space<hbm>> -> memref<1x2x128xi32, #tpu.memory_space<hbm>>
      %dma_start3A_611 = tpu.memref_squeeze %dma_start3A_610 : memref<1x2x128xi32, #tpu.memory_space<hbm>> -> memref<2x128xi32, #tpu.memory_space<hbm>>
      tpu.enqueue_dma source(%dma_start3A_611 : memref<2x128xi32, #tpu.memory_space<hbm>>) target(%arg11 : memref<2x128xi32, #tpu.memory_space<vmem>>) target_semaphore(%arg23 : memref<!tpu.dma_semaphore, #tpu.memory_space<semaphore_mem>>)
    }
    %scan3A_206 = arith.constant 39 : i32
    %dma_wait3A_207 = arith.constant 0 : i32
    %dma_wait3A_208 = arith.constant 0 : i32
    %dma_wait3A_209 = tpu.memref_slice %arg12[%dma_wait3A_207, %dma_wait3A_208] : memref<160x128xi32, #tpu.memory_space<vmem>> -> memref<1x128xi32, #tpu.memory_space<vmem>>
    %dma_wait3A_210 = tpu.memref_squeeze %dma_wait3A_209 : memref<1x128xi32, #tpu.memory_space<vmem>> -> memref<128xi32, #tpu.memory_space<vmem>>
    %dma_wait3A_211 = arith.constant 0 : i32
    %dma_wait3A_212 = arith.constant 0 : i32
    %dma_wait3A_213 = tpu.memref_slice %arg20[%dma_wait3A_211, %dma_wait3A_212] : memref<10240x64xf32, #tpu.memory_space<vmem_shared>> -> memref<10240x64xf32, #tpu.memory_space<vmem_shared>>
    tpu.wait_indirect_dma semaphore(%arg27 : memref<!tpu.dma_semaphore, #tpu.memory_space<semaphore_mem>>) src(%arg13 : memref<128x64xf32, #tpu.memory_space<vmem>>) dst(%dma_wait3A_213 : memref<10240x64xf32, #tpu.memory_space<vmem_shared>>)
    %dma_wait3A_214 = arith.constant 0 : i32
    %dma_wait3A_215 = arith.constant 0 : i32
    %dma_wait3A_216 = tpu.memref_slice %arg12[%dma_wait3A_214, %dma_wait3A_215] : memref<160x128xi32, #tpu.memory_space<vmem>> -> memref<1x128xi32, #tpu.memory_space<vmem>>
    %dma_wait3A_217 = tpu.memref_squeeze %dma_wait3A_216 : memref<1x128xi32, #tpu.memory_space<vmem>> -> memref<128xi32, #tpu.memory_space<vmem>>
    %dma_wait3A_218 = arith.constant 0 : i32
    %dma_wait3A_219 = arith.constant 0 : i32
    %dma_wait3A_220 = tpu.memref_slice %arg20[%dma_wait3A_218, %dma_wait3A_219] : memref<10240x64xf32, #tpu.memory_space<vmem_shared>> -> memref<10240x64xf32, #tpu.memory_space<vmem_shared>>
    tpu.wait_indirect_dma semaphore(%arg28 : memref<!tpu.dma_semaphore, #tpu.memory_space<semaphore_mem>>) src(%arg14 : memref<128x64xf32, #tpu.memory_space<vmem>>) dst(%dma_wait3A_220 : memref<10240x64xf32, #tpu.memory_space<vmem_shared>>)
    %dma_wait3A_221 = arith.constant 0 : i32
    %dma_wait3A_222 = arith.constant 0 : i32
    %dma_wait3A_223 = tpu.memref_slice %arg3[%arg1, %dma_wait3A_221, %dma_wait3A_222] : memref<16x160x128xi32, #tpu.memory_space<hbm>> -> memref<1x2x128xi32, #tpu.memory_space<hbm>>
    %dma_wait3A_224 = tpu.memref_squeeze %dma_wait3A_223 : memref<1x2x128xi32, #tpu.memory_space<hbm>> -> memref<2x128xi32, #tpu.memory_space<hbm>>
    %dma_wait3A_225 = arith.constant 0 : i32
    %dma_wait3A_226 = arith.constant 0 : i32
    %dma_wait3A_227 = tpu.memref_slice %arg3[%arg1, %dma_wait3A_225, %dma_wait3A_226] : memref<16x160x128xi32, #tpu.memory_space<hbm>> -> memref<1x2x128xi32, #tpu.memory_space<hbm>>
    %dma_wait3A_228 = tpu.memref_squeeze %dma_wait3A_227 : memref<1x2x128xi32, #tpu.memory_space<hbm>> -> memref<2x128xi32, #tpu.memory_space<hbm>>
    tpu.wait_dma2 semaphore(%arg22 : memref<!tpu.dma_semaphore, #tpu.memory_space<semaphore_mem>>) src(%dma_wait3A_228 : memref<2x128xi32, #tpu.memory_space<hbm>>) dst(%arg10 : memref<2x128xi32, #tpu.memory_space<vmem>>)
    %dma_wait3A_229 = arith.constant 0 : i32
    %dma_wait3A_230 = arith.constant 0 : i32
    %dma_wait3A_231 = tpu.memref_slice %arg3[%arg1, %dma_wait3A_229, %dma_wait3A_230] : memref<16x160x128xi32, #tpu.memory_space<hbm>> -> memref<1x2x128xi32, #tpu.memory_space<hbm>>
    %dma_wait3A_232 = tpu.memref_squeeze %dma_wait3A_231 : memref<1x2x128xi32, #tpu.memory_space<hbm>> -> memref<2x128xi32, #tpu.memory_space<hbm>>
    %dma_wait3A_233 = arith.constant 0 : i32
    %dma_wait3A_234 = arith.constant 0 : i32
    %dma_wait3A_235 = tpu.memref_slice %arg3[%arg1, %dma_wait3A_233, %dma_wait3A_234] : memref<16x160x128xi32, #tpu.memory_space<hbm>> -> memref<1x2x128xi32, #tpu.memory_space<hbm>>
    %dma_wait3A_236 = tpu.memref_squeeze %dma_wait3A_235 : memref<1x2x128xi32, #tpu.memory_space<hbm>> -> memref<2x128xi32, #tpu.memory_space<hbm>>
    tpu.wait_dma2 semaphore(%arg23 : memref<!tpu.dma_semaphore, #tpu.memory_space<semaphore_mem>>) src(%dma_wait3A_236 : memref<2x128xi32, #tpu.memory_space<hbm>>) dst(%arg11 : memref<2x128xi32, #tpu.memory_space<vmem>>)
    %barrier3A_237 = arith.constant 0 : index
    tpu.barrier barrier_id(%barrier3A_237)
    %scan3A_238 = arith.constant 0 : i32
    %scan3A_239 = arith.constant 0 : i32
    %scan3A_240 = arith.constant 10 : i32
    %scan3A_241 = arith.addi %scan3A_239, %scan3A_240 : i32
    %scan3A_242 = arith.constant 1 : i32
    scf.for %scan3A_442 = %scan3A_239 to %scan3A_241 step %scan3A_242  : i32 {
      %mul3A_443 = arith.constant 64 : i32
      %mul3A_444 = arith.muli %scan3A_442, %mul3A_443 : i32
      %add3A = arith.addi %mul3A_0, %mul3A_444 : i32
      "tpu.region"() ({
        %run_scoped3A = tpu.sem_alloc : memref<!tpu.dma_semaphore, #tpu.memory_space<semaphore_mem>>
        %dma_start3A_451 = arith.constant 0 : i32
        %dma_start3A_452 = tpu.memref_slice %arg20[%add3A, %dma_start3A_451] : memref<10240x64xf32, #tpu.memory_space<vmem_shared>> -> memref<64x64xf32, #tpu.memory_space<vmem_shared>>
        %dma_start3A_453 = arith.constant 0 : i32
        %dma_start3A_454 = tpu.memref_slice %arg20[%add3A, %dma_start3A_453] : memref<10240x64xf32, #tpu.memory_space<vmem_shared>> -> memref<64x64xf32, #tpu.memory_space<vmem_shared>>
        tpu.enqueue_dma source(%dma_start3A_454 : memref<64x64xf32, #tpu.memory_space<vmem_shared>>) target(%arg15 : memref<64x64xf32, #tpu.memory_space<vmem>>) target_semaphore(%run_scoped3A : memref<!tpu.dma_semaphore, #tpu.memory_space<semaphore_mem>>)
        %dma_wait3A_455 = arith.constant 0 : i32
        %dma_wait3A_456 = tpu.memref_slice %arg20[%add3A, %dma_wait3A_455] : memref<10240x64xf32, #tpu.memory_space<vmem_shared>> -> memref<64x64xf32, #tpu.memory_space<vmem_shared>>
        %dma_wait3A_457 = arith.constant 0 : i32
        %dma_wait3A_458 = tpu.memref_slice %arg20[%add3A, %dma_wait3A_457] : memref<10240x64xf32, #tpu.memory_space<vmem_shared>> -> memref<64x64xf32, #tpu.memory_space<vmem_shared>>
        tpu.wait_dma2 semaphore(%run_scoped3A : memref<!tpu.dma_semaphore, #tpu.memory_space<semaphore_mem>>) src(%dma_wait3A_458 : memref<64x64xf32, #tpu.memory_space<vmem_shared>>) dst(%arg15 : memref<64x64xf32, #tpu.memory_space<vmem>>)
        tpu.yield
      }) : () -> ()
      "tpu.region"() ({
        %run_scoped3A = tpu.sem_alloc : memref<!tpu.dma_semaphore, #tpu.memory_space<semaphore_mem>>
        %dma_start3A_451 = arith.constant 0 : i32
        %dma_start3A_452 = tpu.memref_slice %arg19[%add3A, %dma_start3A_451] : memref<10240x64xf32, #tpu.memory_space<vmem_shared>> -> memref<64x64xf32, #tpu.memory_space<vmem_shared>>
        %dma_start3A_453 = arith.constant 0 : i32
        %dma_start3A_454 = tpu.memref_slice %arg19[%add3A, %dma_start3A_453] : memref<10240x64xf32, #tpu.memory_space<vmem_shared>> -> memref<64x64xf32, #tpu.memory_space<vmem_shared>>
        tpu.enqueue_dma source(%dma_start3A_454 : memref<64x64xf32, #tpu.memory_space<vmem_shared>>) target(%arg16 : memref<64x64xf32, #tpu.memory_space<vmem>>) target_semaphore(%run_scoped3A : memref<!tpu.dma_semaphore, #tpu.memory_space<semaphore_mem>>)
        %dma_wait3A_455 = arith.constant 0 : i32
        %dma_wait3A_456 = tpu.memref_slice %arg19[%add3A, %dma_wait3A_455] : memref<10240x64xf32, #tpu.memory_space<vmem_shared>> -> memref<64x64xf32, #tpu.memory_space<vmem_shared>>
        %dma_wait3A_457 = arith.constant 0 : i32
        %dma_wait3A_458 = tpu.memref_slice %arg19[%add3A, %dma_wait3A_457] : memref<10240x64xf32, #tpu.memory_space<vmem_shared>> -> memref<64x64xf32, #tpu.memory_space<vmem_shared>>
        tpu.wait_dma2 semaphore(%run_scoped3A : memref<!tpu.dma_semaphore, #tpu.memory_space<semaphore_mem>>) src(%dma_wait3A_458 : memref<64x64xf32, #tpu.memory_space<vmem_shared>>) dst(%arg16 : memref<64x64xf32, #tpu.memory_space<vmem>>)
        tpu.yield
      }) : () -> ()
      "tpu.region"() ({
        %run_scoped3A = tpu.sem_alloc : memref<!tpu.dma_semaphore, #tpu.memory_space<semaphore_mem>>
        %dma_start3A_451 = arith.constant 0 : i32
        %dma_start3A_452 = tpu.memref_slice %arg17[%dma_start3A_451] : memref<80xf32, #tpu.memory_space<vmem>> -> memref<64xf32, #tpu.memory_space<vmem>>
        %dma_start3A_453 = tpu.memref_slice %arg21[%add3A] : memref<10240xf32, #tpu.memory_space<vmem_shared>> -> memref<64xf32, #tpu.memory_space<vmem_shared>>
        %dma_start3A_454 = arith.constant 0 : i32
        %dma_start3A_455 = tpu.memref_slice %arg17[%dma_start3A_454] : memref<80xf32, #tpu.memory_space<vmem>> -> memref<64xf32, #tpu.memory_space<vmem>>
        %dma_start3A_456 = tpu.memref_slice %arg21[%add3A] : memref<10240xf32, #tpu.memory_space<vmem_shared>> -> memref<64xf32, #tpu.memory_space<vmem_shared>>
        tpu.enqueue_dma source(%dma_start3A_456 : memref<64xf32, #tpu.memory_space<vmem_shared>>) target(%dma_start3A_455 : memref<64xf32, #tpu.memory_space<vmem>>) target_semaphore(%run_scoped3A : memref<!tpu.dma_semaphore, #tpu.memory_space<semaphore_mem>>)
        %dma_wait3A_457 = arith.constant 0 : i32
        %dma_wait3A_458 = tpu.memref_slice %arg17[%dma_wait3A_457] : memref<80xf32, #tpu.memory_space<vmem>> -> memref<64xf32, #tpu.memory_space<vmem>>
        %dma_wait3A_459 = tpu.memref_slice %arg21[%add3A] : memref<10240xf32, #tpu.memory_space<vmem_shared>> -> memref<64xf32, #tpu.memory_space<vmem_shared>>
        %dma_wait3A_460 = arith.constant 0 : i32
        %dma_wait3A_461 = tpu.memref_slice %arg17[%dma_wait3A_460] : memref<80xf32, #tpu.memory_space<vmem>> -> memref<64xf32, #tpu.memory_space<vmem>>
        %dma_wait3A_462 = tpu.memref_slice %arg21[%add3A] : memref<10240xf32, #tpu.memory_space<vmem_shared>> -> memref<64xf32, #tpu.memory_space<vmem_shared>>
        tpu.wait_dma2 semaphore(%run_scoped3A : memref<!tpu.dma_semaphore, #tpu.memory_space<semaphore_mem>>) src(%dma_wait3A_462 : memref<64xf32, #tpu.memory_space<vmem_shared>>) dst(%dma_wait3A_461 : memref<64xf32, #tpu.memory_space<vmem>>)
        tpu.yield
      }) : () -> ()
      %scan3A_445 = arith.constant 0 : i32
      %scan3A_446 = arith.constant 0 : i32
      %scan3A_447 = arith.constant 64 : i32
      %scan3A_448 = arith.addi %scan3A_446, %scan3A_447 : i32
      %scan3A_449 = arith.constant 1 : i32
      scf.for %scan3A_451 = %scan3A_446 to %scan3A_448 step %scan3A_449  : i32 {
        %get3A = arith.index_cast %scan3A_451 : i32 to index
        %get3A_452 = tpu.vector_load %arg17[%get3A] {strides = array<i32>} : memref<80xf32, #tpu.memory_space<vmem>>, vector<16xf32>,
        %get3A_453 = vector.shape_cast %get3A_452 : vector<16xf32> to vector<16xf32>
        %slice3A = vector.extract_strided_slice %get3A_453 {offsets = [0], sizes = [1], strides = [1]} : vector<16xf32> to vector<1xf32>
        %broadcast_in_dim3A = vector.shape_cast %slice3A : vector<1xf32> to vector<1xf32>
        %broadcast_in_dim3A_454 = vector.broadcast %broadcast_in_dim3A : vector<1xf32> to vector<16xf32>
        %get3A_455 = arith.index_cast %scan3A_451 : i32 to index
        %get3A_456 = arith.constant 0 : index
        %get3A_457 = tpu.vector_load %arg15[%get3A_455, %get3A_456] {strides = array<i32>} : memref<64x64xf32, #tpu.memory_space<vmem>>, vector<1x16xf32>,
        %get3A_458 = vector.shape_cast %get3A_457 : vector<1x16xf32> to vector<16xf32>
        %get3A_459 = arith.index_cast %scan3A_451 : i32 to index
        %get3A_460 = arith.constant 0 : index
        %get3A_461 = tpu.vector_load %arg16[%get3A_459, %get3A_460] {strides = array<i32>} : memref<64x64xf32, #tpu.memory_space<vmem>>, vector<1x16xf32>,
        %get3A_462 = vector.shape_cast %get3A_461 : vector<1x16xf32> to vector<16xf32>
        %add3A_463 = arith.addf %get3A_458, %get3A_462 : vector<16xf32>
        %mul3A_464 = arith.mulf %add3A_463, %broadcast_in_dim3A_454 : vector<16xf32>
        %get3A_465 = arith.constant 0 : i32
        %get3A_466 = arith.index_cast %get3A_465 : i32 to index
        %get3A_467 = arith.constant 0 : index
        %get3A_468 = tpu.vector_load %arg18[%get3A_466, %get3A_467] {strides = array<i32>} : memref<4x16xf32, #tpu.memory_space<vmem>>, vector<1x16xf32>,
        %get3A_469 = vector.shape_cast %get3A_468 : vector<1x16xf32> to vector<16xf32>
        %add3A_470 = arith.addf %mul3A_464, %get3A_469 : vector<16xf32>
        %max3A = arith.constant 0.000000e+00 : f32
        %max3A_471 = vector.broadcast %max3A : f32 to vector<16xf32>
        %max3A_472 = arith.maximumf %add3A_470, %max3A_471 : vector<16xf32>
        %mul3A_473 = arith.mulf %max3A_472, %broadcast_in_dim3A_454 : vector<16xf32>
        %swap3A = arith.index_cast %scan3A_451 : i32 to index
        %swap3A_474 = arith.constant 0 : index
        %swap3A_475 = tpu.vector_load %arg16[%swap3A, %swap3A_474] {strides = array<i32>} : memref<64x64xf32, #tpu.memory_space<vmem>>, vector<1x16xf32>,
        %swap3A_476 = vector.shape_cast %swap3A_475 : vector<1x16xf32> to vector<16xf32>
        %swap3A_477 = vector.shape_cast %mul3A_473 : vector<16xf32> to vector<1x16xf32>
        tpu.vector_store %arg16[%swap3A, %swap3A_474], %swap3A_477 {strides = array<i32>} : memref<64x64xf32, #tpu.memory_space<vmem>>, vector<1x16xf32>,
        %get3A_478 = arith.index_cast %scan3A_451 : i32 to index
        %get3A_479 = arith.constant 16 : index
        %get3A_480 = tpu.vector_load %arg15[%get3A_478, %get3A_479] {strides = array<i32>} : memref<64x64xf32, #tpu.memory_space<vmem>>, vector<1x16xf32>,
        %get3A_481 = vector.shape_cast %get3A_480 : vector<1x16xf32> to vector<16xf32>
        %get3A_482 = arith.index_cast %scan3A_451 : i32 to index
        %get3A_483 = arith.constant 16 : index
        %get3A_484 = tpu.vector_load %arg16[%get3A_482, %get3A_483] {strides = array<i32>} : memref<64x64xf32, #tpu.memory_space<vmem>>, vector<1x16xf32>,
        %get3A_485 = vector.shape_cast %get3A_484 : vector<1x16xf32> to vector<16xf32>
        %add3A_486 = arith.addf %get3A_481, %get3A_485 : vector<16xf32>
        %mul3A_487 = arith.mulf %add3A_486, %broadcast_in_dim3A_454 : vector<16xf32>
        %get3A_488 = arith.constant 1 : i32
        %get3A_489 = arith.index_cast %get3A_488 : i32 to index
        %get3A_490 = arith.constant 0 : index
        %get3A_491 = tpu.vector_load %arg18[%get3A_489, %get3A_490] {strides = array<i32>} : memref<4x16xf32, #tpu.memory_space<vmem>>, vector<1x16xf32>,
        %get3A_492 = vector.shape_cast %get3A_491 : vector<1x16xf32> to vector<16xf32>
        %add3A_493 = arith.addf %mul3A_487, %get3A_492 : vector<16xf32>
        %max3A_494 = arith.constant 0.000000e+00 : f32
        %max3A_495 = vector.broadcast %max3A_494 : f32 to vector<16xf32>
        %max3A_496 = arith.maximumf %add3A_493, %max3A_495 : vector<16xf32>
        %mul3A_497 = arith.mulf %max3A_496, %broadcast_in_dim3A_454 : vector<16xf32>
        %swap3A_498 = arith.index_cast %scan3A_451 : i32 to index
        %swap3A_499 = arith.constant 16 : index
        %swap3A_500 = tpu.vector_load %arg16[%swap3A_498, %swap3A_499] {strides = array<i32>} : memref<64x64xf32, #tpu.memory_space<vmem>>, vector<1x16xf32>,
        %swap3A_501 = vector.shape_cast %swap3A_500 : vector<1x16xf32> to vector<16xf32>
        %swap3A_502 = vector.shape_cast %mul3A_497 : vector<16xf32> to vector<1x16xf32>
        tpu.vector_store %arg16[%swap3A_498, %swap3A_499], %swap3A_502 {strides = array<i32>} : memref<64x64xf32, #tpu.memory_space<vmem>>, vector<1x16xf32>,
        %get3A_503 = arith.index_cast %scan3A_451 : i32 to index
        %get3A_504 = arith.constant 32 : index
        %get3A_505 = tpu.vector_load %arg15[%get3A_503, %get3A_504] {strides = array<i32>} : memref<64x64xf32, #tpu.memory_space<vmem>>, vector<1x16xf32>,
        %get3A_506 = vector.shape_cast %get3A_505 : vector<1x16xf32> to vector<16xf32>
        %get3A_507 = arith.index_cast %scan3A_451 : i32 to index
        %get3A_508 = arith.constant 32 : index
        %get3A_509 = tpu.vector_load %arg16[%get3A_507, %get3A_508] {strides = array<i32>} : memref<64x64xf32, #tpu.memory_space<vmem>>, vector<1x16xf32>,
        %get3A_510 = vector.shape_cast %get3A_509 : vector<1x16xf32> to vector<16xf32>
        %add3A_511 = arith.addf %get3A_506, %get3A_510 : vector<16xf32>
        %mul3A_512 = arith.mulf %add3A_511, %broadcast_in_dim3A_454 : vector<16xf32>
        %get3A_513 = arith.constant 2 : i32
        %get3A_514 = arith.index_cast %get3A_513 : i32 to index
        %get3A_515 = arith.constant 0 : index
        %get3A_516 = tpu.vector_load %arg18[%get3A_514, %get3A_515] {strides = array<i32>} : memref<4x16xf32, #tpu.memory_space<vmem>>, vector<1x16xf32>,
        %get3A_517 = vector.shape_cast %get3A_516 : vector<1x16xf32> to vector<16xf32>
        %add3A_518 = arith.addf %mul3A_512, %get3A_517 : vector<16xf32>
        %max3A_519 = arith.constant 0.000000e+00 : f32
        %max3A_520 = vector.broadcast %max3A_519 : f32 to vector<16xf32>
        %max3A_521 = arith.maximumf %add3A_518, %max3A_520 : vector<16xf32>
        %mul3A_522 = arith.mulf %max3A_521, %broadcast_in_dim3A_454 : vector<16xf32>
        %swap3A_523 = arith.index_cast %scan3A_451 : i32 to index
        %swap3A_524 = arith.constant 32 : index
        %swap3A_525 = tpu.vector_load %arg16[%swap3A_523, %swap3A_524] {strides = array<i32>} : memref<64x64xf32, #tpu.memory_space<vmem>>, vector<1x16xf32>,
        %swap3A_526 = vector.shape_cast %swap3A_525 : vector<1x16xf32> to vector<16xf32>
        %swap3A_527 = vector.shape_cast %mul3A_522 : vector<16xf32> to vector<1x16xf32>
        tpu.vector_store %arg16[%swap3A_523, %swap3A_524], %swap3A_527 {strides = array<i32>} : memref<64x64xf32, #tpu.memory_space<vmem>>, vector<1x16xf32>,
        %get3A_528 = arith.index_cast %scan3A_451 : i32 to index
        %get3A_529 = arith.constant 48 : index
        %get3A_530 = tpu.vector_load %arg15[%get3A_528, %get3A_529] {strides = array<i32>} : memref<64x64xf32, #tpu.memory_space<vmem>>, vector<1x16xf32>,
        %get3A_531 = vector.shape_cast %get3A_530 : vector<1x16xf32> to vector<16xf32>
        %get3A_532 = arith.index_cast %scan3A_451 : i32 to index
        %get3A_533 = arith.constant 48 : index
        %get3A_534 = tpu.vector_load %arg16[%get3A_532, %get3A_533] {strides = array<i32>} : memref<64x64xf32, #tpu.memory_space<vmem>>, vector<1x16xf32>,
        %get3A_535 = vector.shape_cast %get3A_534 : vector<1x16xf32> to vector<16xf32>
        %add3A_536 = arith.addf %get3A_531, %get3A_535 : vector<16xf32>
        %mul3A_537 = arith.mulf %add3A_536, %broadcast_in_dim3A_454 : vector<16xf32>
        %get3A_538 = arith.constant 3 : i32
        %get3A_539 = arith.index_cast %get3A_538 : i32 to index
        %get3A_540 = arith.constant 0 : index
        %get3A_541 = tpu.vector_load %arg18[%get3A_539, %get3A_540] {strides = array<i32>} : memref<4x16xf32, #tpu.memory_space<vmem>>, vector<1x16xf32>,
        %get3A_542 = vector.shape_cast %get3A_541 : vector<1x16xf32> to vector<16xf32>
        %add3A_543 = arith.addf %mul3A_537, %get3A_542 : vector<16xf32>
        %max3A_544 = arith.constant 0.000000e+00 : f32
        %max3A_545 = vector.broadcast %max3A_544 : f32 to vector<16xf32>
        %max3A_546 = arith.maximumf %add3A_543, %max3A_545 : vector<16xf32>
        %mul3A_547 = arith.mulf %max3A_546, %broadcast_in_dim3A_454 : vector<16xf32>
        %swap3A_548 = arith.index_cast %scan3A_451 : i32 to index
        %swap3A_549 = arith.constant 48 : index
        %swap3A_550 = tpu.vector_load %arg16[%swap3A_548, %swap3A_549] {strides = array<i32>} : memref<64x64xf32, #tpu.memory_space<vmem>>, vector<1x16xf32>,
        %swap3A_551 = vector.shape_cast %swap3A_550 : vector<1x16xf32> to vector<16xf32>
        %swap3A_552 = vector.shape_cast %mul3A_547 : vector<16xf32> to vector<1x16xf32>
        tpu.vector_store %arg16[%swap3A_548, %swap3A_549], %swap3A_552 {strides = array<i32>} : memref<64x64xf32, #tpu.memory_space<vmem>>, vector<1x16xf32>,
      }
      %scan3A_450 = arith.constant 64 : i32
      "tpu.region"() ({
        %run_scoped3A = tpu.sem_alloc : memref<!tpu.dma_semaphore, #tpu.memory_space<semaphore_mem>>
        %dma_start3A_451 = arith.constant 0 : i32
        %dma_start3A_452 = tpu.memref_slice %arg19[%add3A, %dma_start3A_451] : memref<10240x64xf32, #tpu.memory_space<vmem_shared>> -> memref<64x64xf32, #tpu.memory_space<vmem_shared>>
        %dma_start3A_453 = arith.constant 0 : i32
        %dma_start3A_454 = tpu.memref_slice %arg19[%add3A, %dma_start3A_453] : memref<10240x64xf32, #tpu.memory_space<vmem_shared>> -> memref<64x64xf32, #tpu.memory_space<vmem_shared>>
        tpu.enqueue_dma source(%arg16 : memref<64x64xf32, #tpu.memory_space<vmem>>) target(%dma_start3A_454 : memref<64x64xf32, #tpu.memory_space<vmem_shared>>) target_semaphore(%run_scoped3A : memref<!tpu.dma_semaphore, #tpu.memory_space<semaphore_mem>>)
        %dma_wait3A_455 = arith.constant 0 : i32
        %dma_wait3A_456 = tpu.memref_slice %arg19[%add3A, %dma_wait3A_455] : memref<10240x64xf32, #tpu.memory_space<vmem_shared>> -> memref<64x64xf32, #tpu.memory_space<vmem_shared>>
        %dma_wait3A_457 = arith.constant 0 : i32
        %dma_wait3A_458 = tpu.memref_slice %arg19[%add3A, %dma_wait3A_457] : memref<10240x64xf32, #tpu.memory_space<vmem_shared>> -> memref<64x64xf32, #tpu.memory_space<vmem_shared>>
        tpu.wait_dma2 semaphore(%run_scoped3A : memref<!tpu.dma_semaphore, #tpu.memory_space<semaphore_mem>>) src(%arg16 : memref<64x64xf32, #tpu.memory_space<vmem>>) dst(%dma_wait3A_458 : memref<64x64xf32, #tpu.memory_space<vmem_shared>>)
        tpu.yield
      }) : () -> ()
    }
    %scan3A_243 = arith.constant 10 : i32
    %dma_start3A_244 = arith.constant 0 : i32
    %dma_start3A_245 = tpu.memref_slice %arg8[%arg0, %mul3A_0, %dma_start3A_244] : memref<2x10240x64xf32, #tpu.memory_space<hbm>> -> memref<1x640x64xf32, #tpu.memory_space<hbm>>
    %dma_start3A_246 = tpu.memref_squeeze %dma_start3A_245 : memref<1x640x64xf32, #tpu.memory_space<hbm>> -> memref<640x64xf32, #tpu.memory_space<hbm>>
    %dma_start3A_247 = arith.constant 0 : i32
    %dma_start3A_248 = tpu.memref_slice %arg19[%mul3A_0, %dma_start3A_247] : memref<10240x64xf32, #tpu.memory_space<vmem_shared>> -> memref<640x64xf32, #tpu.memory_space<vmem_shared>>
    tpu.enqueue_dma source(%dma_start3A_248 : memref<640x64xf32, #tpu.memory_space<vmem_shared>>) target(%dma_start3A_246 : memref<640x64xf32, #tpu.memory_space<hbm>>) target_semaphore(%arg24 : memref<!tpu.dma_semaphore, #tpu.memory_space<semaphore_mem>>)
    "tpu.region"() ({
      %run_scoped3A = tpu.sem_alloc : memref<!tpu.dma_semaphore, #tpu.memory_space<semaphore_mem>>
      %dma_start3A_442 = arith.constant 0 : i32
      %dma_start3A_443 = tpu.memref_slice %arg20[%mul3A_0, %dma_start3A_442] : memref<10240x64xf32, #tpu.memory_space<vmem_shared>> -> memref<640x64xf32, #tpu.memory_space<vmem_shared>>
      %dma_start3A_444 = arith.constant 0 : i32
      %dma_start3A_445 = tpu.memref_slice %arg7[%mul3A_0, %dma_start3A_444] : memref<10240x64xf32, #tpu.memory_space<hbm>> -> memref<640x64xf32, #tpu.memory_space<hbm>>
      tpu.enqueue_dma source(%dma_start3A_445 : memref<640x64xf32, #tpu.memory_space<hbm>>) target(%dma_start3A_443 : memref<640x64xf32, #tpu.memory_space<vmem_shared>>) target_semaphore(%run_scoped3A : memref<!tpu.dma_semaphore, #tpu.memory_space<semaphore_mem>>)
      %dma_wait3A_446 = arith.constant 0 : i32
      %dma_wait3A_447 = tpu.memref_slice %arg20[%mul3A_0, %dma_wait3A_446] : memref<10240x64xf32, #tpu.memory_space<vmem_shared>> -> memref<640x64xf32, #tpu.memory_space<vmem_shared>>
      %dma_wait3A_448 = arith.constant 0 : i32
      %dma_wait3A_449 = tpu.memref_slice %arg7[%mul3A_0, %dma_wait3A_448] : memref<10240x64xf32, #tpu.memory_space<hbm>> -> memref<640x64xf32, #tpu.memory_space<hbm>>
      tpu.wait_dma2 semaphore(%run_scoped3A : memref<!tpu.dma_semaphore, #tpu.memory_space<semaphore_mem>>) src(%dma_wait3A_449 : memref<640x64xf32, #tpu.memory_space<hbm>>) dst(%dma_wait3A_447 : memref<640x64xf32, #tpu.memory_space<vmem_shared>>)
      tpu.yield
    }) : () -> ()
    %barrier3A_249 = arith.constant 0 : index
    tpu.barrier barrier_id(%barrier3A_249)
    %min3A_250 = arith.constant 0 : i32
    %min3A_251 = arith.constant 158 : i32
    %min3A_252 = arith.minsi %min3A_250, %min3A_251 : i32
    %dma_start3A_253 = arith.constant 0 : i32
    %dma_start3A_254 = tpu.memref_slice %arg3[%arg1, %min3A_252, %dma_start3A_253] : memref<16x160x128xi32, #tpu.memory_space<hbm>> -> memref<1x2x128xi32, #tpu.memory_space<hbm>>
    %dma_start3A_255 = tpu.memref_squeeze %dma_start3A_254 : memref<1x2x128xi32, #tpu.memory_space<hbm>> -> memref<2x128xi32, #tpu.memory_space<hbm>>
    %dma_start3A_256 = arith.constant 0 : i32
    %dma_start3A_257 = tpu.memref_slice %arg3[%arg1, %min3A_252, %dma_start3A_256] : memref<16x160x128xi32, #tpu.memory_space<hbm>> -> memref<1x2x128xi32, #tpu.memory_space<hbm>>
    %dma_start3A_258 = tpu.memref_squeeze %dma_start3A_257 : memref<1x2x128xi32, #tpu.memory_space<hbm>> -> memref<2x128xi32, #tpu.memory_space<hbm>>
    tpu.enqueue_dma source(%dma_start3A_258 : memref<2x128xi32, #tpu.memory_space<hbm>>) target(%arg10 : memref<2x128xi32, #tpu.memory_space<vmem>>) target_semaphore(%arg22 : memref<!tpu.dma_semaphore, #tpu.memory_space<semaphore_mem>>)
    %min3A_259 = arith.constant 2 : i32
    %min3A_260 = arith.constant 158 : i32
    %min3A_261 = arith.minsi %min3A_259, %min3A_260 : i32
    %dma_start3A_262 = arith.constant 0 : i32
    %dma_start3A_263 = tpu.memref_slice %arg3[%arg1, %min3A_261, %dma_start3A_262] : memref<16x160x128xi32, #tpu.memory_space<hbm>> -> memref<1x2x128xi32, #tpu.memory_space<hbm>>
    %dma_start3A_264 = tpu.memref_squeeze %dma_start3A_263 : memref<1x2x128xi32, #tpu.memory_space<hbm>> -> memref<2x128xi32, #tpu.memory_space<hbm>>
    %dma_start3A_265 = arith.constant 0 : i32
    %dma_start3A_266 = tpu.memref_slice %arg3[%arg1, %min3A_261, %dma_start3A_265] : memref<16x160x128xi32, #tpu.memory_space<hbm>> -> memref<1x2x128xi32, #tpu.memory_space<hbm>>
    %dma_start3A_267 = tpu.memref_squeeze %dma_start3A_266 : memref<1x2x128xi32, #tpu.memory_space<hbm>> -> memref<2x128xi32, #tpu.memory_space<hbm>>
    tpu.enqueue_dma source(%dma_start3A_267 : memref<2x128xi32, #tpu.memory_space<hbm>>) target(%arg11 : memref<2x128xi32, #tpu.memory_space<vmem>>) target_semaphore(%arg23 : memref<!tpu.dma_semaphore, #tpu.memory_space<semaphore_mem>>)
    %dma_wait3A_268 = arith.constant 0 : i32
    %dma_wait3A_269 = arith.constant 0 : i32
    %dma_wait3A_270 = tpu.memref_slice %arg3[%arg1, %dma_wait3A_268, %dma_wait3A_269] : memref<16x160x128xi32, #tpu.memory_space<hbm>> -> memref<1x2x128xi32, #tpu.memory_space<hbm>>
    %dma_wait3A_271 = tpu.memref_squeeze %dma_wait3A_270 : memref<1x2x128xi32, #tpu.memory_space<hbm>> -> memref<2x128xi32, #tpu.memory_space<hbm>>
    %dma_wait3A_272 = arith.constant 0 : i32
    %dma_wait3A_273 = arith.constant 0 : i32
    %dma_wait3A_274 = tpu.memref_slice %arg3[%arg1, %dma_wait3A_272, %dma_wait3A_273] : memref<16x160x128xi32, #tpu.memory_space<hbm>> -> memref<1x2x128xi32, #tpu.memory_space<hbm>>
    %dma_wait3A_275 = tpu.memref_squeeze %dma_wait3A_274 : memref<1x2x128xi32, #tpu.memory_space<hbm>> -> memref<2x128xi32, #tpu.memory_space<hbm>>
    tpu.wait_dma2 semaphore(%arg22 : memref<!tpu.dma_semaphore, #tpu.memory_space<semaphore_mem>>) src(%dma_wait3A_275 : memref<2x128xi32, #tpu.memory_space<hbm>>) dst(%arg10 : memref<2x128xi32, #tpu.memory_space<vmem>>)
    %dma_start3A_276 = arith.constant 0 : i32
    %dma_start3A_277 = arith.constant 0 : i32
    %dma_start3A_278 = tpu.memref_slice %arg10[%dma_start3A_276, %dma_start3A_277] : memref<2x128xi32, #tpu.memory_space<vmem>> -> memref<1x128xi32, #tpu.memory_space<vmem>>
    %dma_start3A_279 = tpu.memref_squeeze %dma_start3A_278 : memref<1x128xi32, #tpu.memory_space<vmem>> -> memref<128xi32, #tpu.memory_space<vmem>>
    %dma_start3A_280 = arith.constant 0 : i32
    %dma_start3A_281 = arith.constant 0 : i32
    %dma_start3A_282 = tpu.memref_slice %arg19[%dma_start3A_280, %dma_start3A_281] : memref<10240x64xf32, #tpu.memory_space<vmem_shared>> -> memref<10240x64xf32, #tpu.memory_space<vmem_shared>>
    tpu.enqueue_indirect_dma source(%dma_start3A_282 : memref<10240x64xf32, #tpu.memory_space<vmem_shared>>) target(%arg13 : memref<128x64xf32, #tpu.memory_space<vmem>>) offsets(%dma_start3A_279 : memref<128xi32, #tpu.memory_space<vmem>>) semaphore(%arg25 : memref<!tpu.dma_semaphore, #tpu.memory_space<semaphore_mem>>)
    %dma_start3A_283 = arith.constant 1 : i32
    %dma_start3A_284 = arith.constant 0 : i32
    %dma_start3A_285 = tpu.memref_slice %arg10[%dma_start3A_283, %dma_start3A_284] : memref<2x128xi32, #tpu.memory_space<vmem>> -> memref<1x128xi32, #tpu.memory_space<vmem>>
    %dma_start3A_286 = tpu.memref_squeeze %dma_start3A_285 : memref<1x128xi32, #tpu.memory_space<vmem>> -> memref<128xi32, #tpu.memory_space<vmem>>
    %dma_start3A_287 = arith.constant 0 : i32
    %dma_start3A_288 = arith.constant 0 : i32
    %dma_start3A_289 = tpu.memref_slice %arg19[%dma_start3A_287, %dma_start3A_288] : memref<10240x64xf32, #tpu.memory_space<vmem_shared>> -> memref<10240x64xf32, #tpu.memory_space<vmem_shared>>
    tpu.enqueue_indirect_dma source(%dma_start3A_289 : memref<10240x64xf32, #tpu.memory_space<vmem_shared>>) target(%arg14 : memref<128x64xf32, #tpu.memory_space<vmem>>) offsets(%dma_start3A_286 : memref<128xi32, #tpu.memory_space<vmem>>) semaphore(%arg26 : memref<!tpu.dma_semaphore, #tpu.memory_space<semaphore_mem>>)
    %dma_wait3A_290 = arith.constant 0 : i32
    %dma_wait3A_291 = arith.constant 0 : i32
    %dma_wait3A_292 = tpu.memref_slice %arg10[%dma_wait3A_290, %dma_wait3A_291] : memref<2x128xi32, #tpu.memory_space<vmem>> -> memref<1x128xi32, #tpu.memory_space<vmem>>
    %dma_wait3A_293 = tpu.memref_squeeze %dma_wait3A_292 : memref<1x128xi32, #tpu.memory_space<vmem>> -> memref<128xi32, #tpu.memory_space<vmem>>
    %dma_wait3A_294 = arith.constant 0 : i32
    %dma_wait3A_295 = arith.constant 0 : i32
    %dma_wait3A_296 = tpu.memref_slice %arg19[%dma_wait3A_294, %dma_wait3A_295] : memref<10240x64xf32, #tpu.memory_space<vmem_shared>> -> memref<10240x64xf32, #tpu.memory_space<vmem_shared>>
    tpu.wait_indirect_dma semaphore(%arg25 : memref<!tpu.dma_semaphore, #tpu.memory_space<semaphore_mem>>) src(%dma_wait3A_296 : memref<10240x64xf32, #tpu.memory_space<vmem_shared>>) dst(%arg13 : memref<128x64xf32, #tpu.memory_space<vmem>>)
    %dma_start3A_297 = arith.constant 0 : i32
    %dma_start3A_298 = arith.constant 0 : i32
    %dma_start3A_299 = tpu.memref_slice %arg12[%dma_start3A_297, %dma_start3A_298] : memref<160x128xi32, #tpu.memory_space<vmem>> -> memref<1x128xi32, #tpu.memory_space<vmem>>
    %dma_start3A_300 = tpu.memref_squeeze %dma_start3A_299 : memref<1x128xi32, #tpu.memory_space<vmem>> -> memref<128xi32, #tpu.memory_space<vmem>>
    %dma_start3A_301 = arith.constant 0 : i32
    %dma_start3A_302 = arith.constant 0 : i32
    %dma_start3A_303 = tpu.memref_slice %arg20[%dma_start3A_301, %dma_start3A_302] : memref<10240x64xf32, #tpu.memory_space<vmem_shared>> -> memref<10240x64xf32, #tpu.memory_space<vmem_shared>>
    tpu.enqueue_indirect_dma source(%arg13 : memref<128x64xf32, #tpu.memory_space<vmem>>) target(%dma_start3A_303 : memref<10240x64xf32, #tpu.memory_space<vmem_shared>>) offsets(%dma_start3A_300 : memref<128xi32, #tpu.memory_space<vmem>>) semaphore(%arg27 : memref<!tpu.dma_semaphore, #tpu.memory_space<semaphore_mem>>) {add = true}
    %dma_wait3A_304 = arith.constant 1 : i32
    %dma_wait3A_305 = arith.constant 0 : i32
    %dma_wait3A_306 = tpu.memref_slice %arg10[%dma_wait3A_304, %dma_wait3A_305] : memref<2x128xi32, #tpu.memory_space<vmem>> -> memref<1x128xi32, #tpu.memory_space<vmem>>
    %dma_wait3A_307 = tpu.memref_squeeze %dma_wait3A_306 : memref<1x128xi32, #tpu.memory_space<vmem>> -> memref<128xi32, #tpu.memory_space<vmem>>
    %dma_wait3A_308 = arith.constant 0 : i32
    %dma_wait3A_309 = arith.constant 0 : i32
    %dma_wait3A_310 = tpu.memref_slice %arg19[%dma_wait3A_308, %dma_wait3A_309] : memref<10240x64xf32, #tpu.memory_space<vmem_shared>> -> memref<10240x64xf32, #tpu.memory_space<vmem_shared>>
    tpu.wait_indirect_dma semaphore(%arg26 : memref<!tpu.dma_semaphore, #tpu.memory_space<semaphore_mem>>) src(%dma_wait3A_310 : memref<10240x64xf32, #tpu.memory_space<vmem_shared>>) dst(%arg14 : memref<128x64xf32, #tpu.memory_space<vmem>>)
    %dma_start3A_311 = arith.constant 1 : i32
    %dma_start3A_312 = arith.constant 0 : i32
    %dma_start3A_313 = tpu.memref_slice %arg12[%dma_start3A_311, %dma_start3A_312] : memref<160x128xi32, #tpu.memory_space<vmem>> -> memref<1x128xi32, #tpu.memory_space<vmem>>
    %dma_start3A_314 = tpu.memref_squeeze %dma_start3A_313 : memref<1x128xi32, #tpu.memory_space<vmem>> -> memref<128xi32, #tpu.memory_space<vmem>>
    %dma_start3A_315 = arith.constant 0 : i32
    %dma_start3A_316 = arith.constant 0 : i32
    %dma_start3A_317 = tpu.memref_slice %arg20[%dma_start3A_315, %dma_start3A_316] : memref<10240x64xf32, #tpu.memory_space<vmem_shared>> -> memref<10240x64xf32, #tpu.memory_space<vmem_shared>>
    tpu.enqueue_indirect_dma source(%arg14 : memref<128x64xf32, #tpu.memory_space<vmem>>) target(%dma_start3A_317 : memref<10240x64xf32, #tpu.memory_space<vmem_shared>>) offsets(%dma_start3A_314 : memref<128xi32, #tpu.memory_space<vmem>>) semaphore(%arg28 : memref<!tpu.dma_semaphore, #tpu.memory_space<semaphore_mem>>) {add = true}
    %min3A_318 = arith.constant 4 : i32
    %min3A_319 = arith.constant 158 : i32
    %min3A_320 = arith.minsi %min3A_318, %min3A_319 : i32
    %dma_start3A_321 = arith.constant 0 : i32
    %dma_start3A_322 = tpu.memref_slice %arg3[%arg1, %min3A_320, %dma_start3A_321] : memref<16x160x128xi32, #tpu.memory_space<hbm>> -> memref<1x2x128xi32, #tpu.memory_space<hbm>>
    %dma_start3A_323 = tpu.memref_squeeze %dma_start3A_322 : memref<1x2x128xi32, #tpu.memory_space<hbm>> -> memref<2x128xi32, #tpu.memory_space<hbm>>
    %dma_start3A_324 = arith.constant 0 : i32
    %dma_start3A_325 = tpu.memref_slice %arg3[%arg1, %min3A_320, %dma_start3A_324] : memref<16x160x128xi32, #tpu.memory_space<hbm>> -> memref<1x2x128xi32, #tpu.memory_space<hbm>>
    %dma_start3A_326 = tpu.memref_squeeze %dma_start3A_325 : memref<1x2x128xi32, #tpu.memory_space<hbm>> -> memref<2x128xi32, #tpu.memory_space<hbm>>
    tpu.enqueue_dma source(%dma_start3A_326 : memref<2x128xi32, #tpu.memory_space<hbm>>) target(%arg10 : memref<2x128xi32, #tpu.memory_space<vmem>>) target_semaphore(%arg22 : memref<!tpu.dma_semaphore, #tpu.memory_space<semaphore_mem>>)
    %dma_wait3A_327 = arith.constant 0 : i32
    %dma_wait3A_328 = arith.constant 0 : i32
    %dma_wait3A_329 = tpu.memref_slice %arg3[%arg1, %dma_wait3A_327, %dma_wait3A_328] : memref<16x160x128xi32, #tpu.memory_space<hbm>> -> memref<1x2x128xi32, #tpu.memory_space<hbm>>
    %dma_wait3A_330 = tpu.memref_squeeze %dma_wait3A_329 : memref<1x2x128xi32, #tpu.memory_space<hbm>> -> memref<2x128xi32, #tpu.memory_space<hbm>>
    %dma_wait3A_331 = arith.constant 0 : i32
    %dma_wait3A_332 = arith.constant 0 : i32
    %dma_wait3A_333 = tpu.memref_slice %arg3[%arg1, %dma_wait3A_331, %dma_wait3A_332] : memref<16x160x128xi32, #tpu.memory_space<hbm>> -> memref<1x2x128xi32, #tpu.memory_space<hbm>>
    %dma_wait3A_334 = tpu.memref_squeeze %dma_wait3A_333 : memref<1x2x128xi32, #tpu.memory_space<hbm>> -> memref<2x128xi32, #tpu.memory_space<hbm>>
    tpu.wait_dma2 semaphore(%arg23 : memref<!tpu.dma_semaphore, #tpu.memory_space<semaphore_mem>>) src(%dma_wait3A_334 : memref<2x128xi32, #tpu.memory_space<hbm>>) dst(%arg11 : memref<2x128xi32, #tpu.memory_space<vmem>>)
    %dma_wait3A_335 = arith.constant 0 : i32
    %dma_wait3A_336 = arith.constant 0 : i32
    %dma_wait3A_337 = tpu.memref_slice %arg12[%dma_wait3A_335, %dma_wait3A_336] : memref<160x128xi32, #tpu.memory_space<vmem>> -> memref<1x128xi32, #tpu.memory_space<vmem>>
    %dma_wait3A_338 = tpu.memref_squeeze %dma_wait3A_337 : memref<1x128xi32, #tpu.memory_space<vmem>> -> memref<128xi32, #tpu.memory_space<vmem>>
    %dma_wait3A_339 = arith.constant 0 : i32
    %dma_wait3A_340 = arith.constant 0 : i32
    %dma_wait3A_341 = tpu.memref_slice %arg20[%dma_wait3A_339, %dma_wait3A_340] : memref<10240x64xf32, #tpu.memory_space<vmem_shared>> -> memref<10240x64xf32, #tpu.memory_space<vmem_shared>>
    tpu.wait_indirect_dma semaphore(%arg27 : memref<!tpu.dma_semaphore, #tpu.memory_space<semaphore_mem>>) src(%arg13 : memref<128x64xf32, #tpu.memory_space<vmem>>) dst(%dma_wait3A_341 : memref<10240x64xf32, #tpu.memory_space<vmem_shared>>)
    %dma_start3A_342 = arith.constant 0 : i32
    %dma_start3A_343 = arith.constant 0 : i32
    %dma_start3A_344 = tpu.memref_slice %arg11[%dma_start3A_342, %dma_start3A_343] : memref<2x128xi32, #tpu.memory_space<vmem>> -> memref<1x128xi32, #tpu.memory_space<vmem>>
    %dma_start3A_345 = tpu.memref_squeeze %dma_start3A_344 : memref<1x128xi32, #tpu.memory_space<vmem>> -> memref<128xi32, #tpu.memory_space<vmem>>
    %dma_start3A_346 = arith.constant 0 : i32
    %dma_start3A_347 = arith.constant 0 : i32
    %dma_start3A_348 = tpu.memref_slice %arg19[%dma_start3A_346, %dma_start3A_347] : memref<10240x64xf32, #tpu.memory_space<vmem_shared>> -> memref<10240x64xf32, #tpu.memory_space<vmem_shared>>
    tpu.enqueue_indirect_dma source(%dma_start3A_348 : memref<10240x64xf32, #tpu.memory_space<vmem_shared>>) target(%arg13 : memref<128x64xf32, #tpu.memory_space<vmem>>) offsets(%dma_start3A_345 : memref<128xi32, #tpu.memory_space<vmem>>) semaphore(%arg25 : memref<!tpu.dma_semaphore, #tpu.memory_space<semaphore_mem>>)
    %dma_wait3A_349 = arith.constant 0 : i32
    %dma_wait3A_350 = arith.constant 0 : i32
    %dma_wait3A_351 = tpu.memref_slice %arg12[%dma_wait3A_349, %dma_wait3A_350] : memref<160x128xi32, #tpu.memory_space<vmem>> -> memref<1x128xi32, #tpu.memory_space<vmem>>
    %dma_wait3A_352 = tpu.memref_squeeze %dma_wait3A_351 : memref<1x128xi32, #tpu.memory_space<vmem>> -> memref<128xi32, #tpu.memory_space<vmem>>
    %dma_wait3A_353 = arith.constant 0 : i32
    %dma_wait3A_354 = arith.constant 0 : i32
    %dma_wait3A_355 = tpu.memref_slice %arg20[%dma_wait3A_353, %dma_wait3A_354] : memref<10240x64xf32, #tpu.memory_space<vmem_shared>> -> memref<10240x64xf32, #tpu.memory_space<vmem_shared>>
    tpu.wait_indirect_dma semaphore(%arg28 : memref<!tpu.dma_semaphore, #tpu.memory_space<semaphore_mem>>) src(%arg14 : memref<128x64xf32, #tpu.memory_space<vmem>>) dst(%dma_wait3A_355 : memref<10240x64xf32, #tpu.memory_space<vmem_shared>>)
    %dma_start3A_356 = arith.constant 1 : i32
    %dma_start3A_357 = arith.constant 0 : i32
    %dma_start3A_358 = tpu.memref_slice %arg11[%dma_start3A_356, %dma_start3A_357] : memref<2x128xi32, #tpu.memory_space<vmem>> -> memref<1x128xi32, #tpu.memory_space<vmem>>
    %dma_start3A_359 = tpu.memref_squeeze %dma_start3A_358 : memref<1x128xi32, #tpu.memory_space<vmem>> -> memref<128xi32, #tpu.memory_space<vmem>>
    %dma_start3A_360 = arith.constant 0 : i32
    %dma_start3A_361 = arith.constant 0 : i32
    %dma_start3A_362 = tpu.memref_slice %arg19[%dma_start3A_360, %dma_start3A_361] : memref<10240x64xf32, #tpu.memory_space<vmem_shared>> -> memref<10240x64xf32, #tpu.memory_space<vmem_shared>>
    tpu.enqueue_indirect_dma source(%dma_start3A_362 : memref<10240x64xf32, #tpu.memory_space<vmem_shared>>) target(%arg14 : memref<128x64xf32, #tpu.memory_space<vmem>>) offsets(%dma_start3A_359 : memref<128xi32, #tpu.memory_space<vmem>>) semaphore(%arg26 : memref<!tpu.dma_semaphore, #tpu.memory_space<semaphore_mem>>)
    %dma_wait3A_363 = arith.constant 0 : i32
    %dma_wait3A_364 = arith.constant 0 : i32
    %dma_wait3A_365 = tpu.memref_slice %arg11[%dma_wait3A_363, %dma_wait3A_364] : memref<2x128xi32, #tpu.memory_space<vmem>> -> memref<1x128xi32, #tpu.memory_space<vmem>>
    %dma_wait3A_366 = tpu.memref_squeeze %dma_wait3A_365 : memref<1x128xi32, #tpu.memory_space<vmem>> -> memref<128xi32, #tpu.memory_space<vmem>>
    %dma_wait3A_367 = arith.constant 0 : i32
    %dma_wait3A_368 = arith.constant 0 : i32
    %dma_wait3A_369 = tpu.memref_slice %arg19[%dma_wait3A_367, %dma_wait3A_368] : memref<10240x64xf32, #tpu.memory_space<vmem_shared>> -> memref<10240x64xf32, #tpu.memory_space<vmem_shared>>
    tpu.wait_indirect_dma semaphore(%arg25 : memref<!tpu.dma_semaphore, #tpu.memory_space<semaphore_mem>>) src(%dma_wait3A_369 : memref<10240x64xf32, #tpu.memory_space<vmem_shared>>) dst(%arg13 : memref<128x64xf32, #tpu.memory_space<vmem>>)
    %dma_start3A_370 = arith.constant 2 : i32
    %dma_start3A_371 = arith.constant 0 : i32
    %dma_start3A_372 = tpu.memref_slice %arg12[%dma_start3A_370, %dma_start3A_371] : memref<160x128xi32, #tpu.memory_space<vmem>> -> memref<1x128xi32, #tpu.memory_space<vmem>>
    %dma_start3A_373 = tpu.memref_squeeze %dma_start3A_372 : memref<1x128xi32, #tpu.memory_space<vmem>> -> memref<128xi32, #tpu.memory_space<vmem>>
    %dma_start3A_374 = arith.constant 0 : i32
    %dma_start3A_375 = arith.constant 0 : i32
    %dma_start3A_376 = tpu.memref_slice %arg20[%dma_start3A_374, %dma_start3A_375] : memref<10240x64xf32, #tpu.memory_space<vmem_shared>> -> memref<10240x64xf32, #tpu.memory_space<vmem_shared>>
    tpu.enqueue_indirect_dma source(%arg13 : memref<128x64xf32, #tpu.memory_space<vmem>>) target(%dma_start3A_376 : memref<10240x64xf32, #tpu.memory_space<vmem_shared>>) offsets(%dma_start3A_373 : memref<128xi32, #tpu.memory_space<vmem>>) semaphore(%arg27 : memref<!tpu.dma_semaphore, #tpu.memory_space<semaphore_mem>>) {add = true}
    %dma_wait3A_377 = arith.constant 1 : i32
    %dma_wait3A_378 = arith.constant 0 : i32
    %dma_wait3A_379 = tpu.memref_slice %arg11[%dma_wait3A_377, %dma_wait3A_378] : memref<2x128xi32, #tpu.memory_space<vmem>> -> memref<1x128xi32, #tpu.memory_space<vmem>>
    %dma_wait3A_380 = tpu.memref_squeeze %dma_wait3A_379 : memref<1x128xi32, #tpu.memory_space<vmem>> -> memref<128xi32, #tpu.memory_space<vmem>>
    %dma_wait3A_381 = arith.constant 0 : i32
    %dma_wait3A_382 = arith.constant 0 : i32
    %dma_wait3A_383 = tpu.memref_slice %arg19[%dma_wait3A_381, %dma_wait3A_382] : memref<10240x64xf32, #tpu.memory_space<vmem_shared>> -> memref<10240x64xf32, #tpu.memory_space<vmem_shared>>
    tpu.wait_indirect_dma semaphore(%arg26 : memref<!tpu.dma_semaphore, #tpu.memory_space<semaphore_mem>>) src(%dma_wait3A_383 : memref<10240x64xf32, #tpu.memory_space<vmem_shared>>) dst(%arg14 : memref<128x64xf32, #tpu.memory_space<vmem>>)
    %dma_start3A_384 = arith.constant 3 : i32
    %dma_start3A_385 = arith.constant 0 : i32
    %dma_start3A_386 = tpu.memref_slice %arg12[%dma_start3A_384, %dma_start3A_385] : memref<160x128xi32, #tpu.memory_space<vmem>> -> memref<1x128xi32, #tpu.memory_space<vmem>>
    %dma_start3A_387 = tpu.memref_squeeze %dma_start3A_386 : memref<1x128xi32, #tpu.memory_space<vmem>> -> memref<128xi32, #tpu.memory_space<vmem>>
    %dma_start3A_388 = arith.constant 0 : i32
    %dma_start3A_389 = arith.constant 0 : i32
    %dma_start3A_390 = tpu.memref_slice %arg20[%dma_start3A_388, %dma_start3A_389] : memref<10240x64xf32, #tpu.memory_space<vmem_shared>> -> memref<10240x64xf32, #tpu.memory_space<vmem_shared>>
    tpu.enqueue_indirect_dma source(%arg14 : memref<128x64xf32, #tpu.memory_space<vmem>>) target(%dma_start3A_390 : memref<10240x64xf32, #tpu.memory_space<vmem_shared>>) offsets(%dma_start3A_387 : memref<128xi32, #tpu.memory_space<vmem>>) semaphore(%arg28 : memref<!tpu.dma_semaphore, #tpu.memory_space<semaphore_mem>>) {add = true}
    %min3A_391 = arith.constant 6 : i32
    %min3A_392 = arith.constant 158 : i32
    %min3A_393 = arith.minsi %min3A_391, %min3A_392 : i32
    %dma_start3A_394 = arith.constant 0 : i32
    %dma_start3A_395 = tpu.memref_slice %arg3[%arg1, %min3A_393, %dma_start3A_394] : memref<16x160x128xi32, #tpu.memory_space<hbm>> -> memref<1x2x128xi32, #tpu.memory_space<hbm>>
    %dma_start3A_396 = tpu.memref_squeeze %dma_start3A_395 : memref<1x2x128xi32, #tpu.memory_space<hbm>> -> memref<2x128xi32, #tpu.memory_space<hbm>>
    %dma_start3A_397 = arith.constant 0 : i32
    %dma_start3A_398 = tpu.memref_slice %arg3[%arg1, %min3A_393, %dma_start3A_397] : memref<16x160x128xi32, #tpu.memory_space<hbm>> -> memref<1x2x128xi32, #tpu.memory_space<hbm>>
    %dma_start3A_399 = tpu.memref_squeeze %dma_start3A_398 : memref<1x2x128xi32, #tpu.memory_space<hbm>> -> memref<2x128xi32, #tpu.memory_space<hbm>>
    tpu.enqueue_dma source(%dma_start3A_399 : memref<2x128xi32, #tpu.memory_space<hbm>>) target(%arg11 : memref<2x128xi32, #tpu.memory_space<vmem>>) target_semaphore(%arg23 : memref<!tpu.dma_semaphore, #tpu.memory_space<semaphore_mem>>)
    %scan3A_400 = arith.constant 0 : i32
    %scan3A_401 = arith.constant 1 : i32
    %scan3A_402 = arith.constant 39 : i32
    %scan3A_403 = arith.addi %scan3A_401, %scan3A_402 : i32
    %scan3A_404 = arith.constant 1 : i32
    scf.for %scan3A_442 = %scan3A_401 to %scan3A_403 step %scan3A_404  : i32 {
      %mul3A_443 = arith.constant 2 : i32
      %mul3A_444 = arith.muli %mul3A_443, %scan3A_442 : i32
      %dma_wait3A_445 = arith.constant 0 : i32
      %dma_wait3A_446 = arith.constant 0 : i32
      %dma_wait3A_447 = tpu.memref_slice %arg3[%arg1, %dma_wait3A_445, %dma_wait3A_446] : memref<16x160x128xi32, #tpu.memory_space<hbm>> -> memref<1x2x128xi32, #tpu.memory_space<hbm>>
      %dma_wait3A_448 = tpu.memref_squeeze %dma_wait3A_447 : memref<1x2x128xi32, #tpu.memory_space<hbm>> -> memref<2x128xi32, #tpu.memory_space<hbm>>
      %dma_wait3A_449 = arith.constant 0 : i32
      %dma_wait3A_450 = arith.constant 0 : i32
      %dma_wait3A_451 = tpu.memref_slice %arg3[%arg1, %dma_wait3A_449, %dma_wait3A_450] : memref<16x160x128xi32, #tpu.memory_space<hbm>> -> memref<1x2x128xi32, #tpu.memory_space<hbm>>
      %dma_wait3A_452 = tpu.memref_squeeze %dma_wait3A_451 : memref<1x2x128xi32, #tpu.memory_space<hbm>> -> memref<2x128xi32, #tpu.memory_space<hbm>>
      tpu.wait_dma2 semaphore(%arg22 : memref<!tpu.dma_semaphore, #tpu.memory_space<semaphore_mem>>) src(%dma_wait3A_452 : memref<2x128xi32, #tpu.memory_space<hbm>>) dst(%arg10 : memref<2x128xi32, #tpu.memory_space<vmem>>)
      %dma_wait3A_453 = arith.constant 0 : i32
      %dma_wait3A_454 = arith.constant 0 : i32
      %dma_wait3A_455 = tpu.memref_slice %arg12[%dma_wait3A_453, %dma_wait3A_454] : memref<160x128xi32, #tpu.memory_space<vmem>> -> memref<1x128xi32, #tpu.memory_space<vmem>>
      %dma_wait3A_456 = tpu.memref_squeeze %dma_wait3A_455 : memref<1x128xi32, #tpu.memory_space<vmem>> -> memref<128xi32, #tpu.memory_space<vmem>>
      %dma_wait3A_457 = arith.constant 0 : i32
      %dma_wait3A_458 = arith.constant 0 : i32
      %dma_wait3A_459 = tpu.memref_slice %arg20[%dma_wait3A_457, %dma_wait3A_458] : memref<10240x64xf32, #tpu.memory_space<vmem_shared>> -> memref<10240x64xf32, #tpu.memory_space<vmem_shared>>
      tpu.wait_indirect_dma semaphore(%arg27 : memref<!tpu.dma_semaphore, #tpu.memory_space<semaphore_mem>>) src(%arg13 : memref<128x64xf32, #tpu.memory_space<vmem>>) dst(%dma_wait3A_459 : memref<10240x64xf32, #tpu.memory_space<vmem_shared>>)
      %dma_start3A_460 = arith.constant 0 : i32
      %dma_start3A_461 = arith.constant 0 : i32
      %dma_start3A_462 = tpu.memref_slice %arg10[%dma_start3A_460, %dma_start3A_461] : memref<2x128xi32, #tpu.memory_space<vmem>> -> memref<1x128xi32, #tpu.memory_space<vmem>>
      %dma_start3A_463 = tpu.memref_squeeze %dma_start3A_462 : memref<1x128xi32, #tpu.memory_space<vmem>> -> memref<128xi32, #tpu.memory_space<vmem>>
      %dma_start3A_464 = arith.constant 0 : i32
      %dma_start3A_465 = arith.constant 0 : i32
      %dma_start3A_466 = tpu.memref_slice %arg19[%dma_start3A_464, %dma_start3A_465] : memref<10240x64xf32, #tpu.memory_space<vmem_shared>> -> memref<10240x64xf32, #tpu.memory_space<vmem_shared>>
      tpu.enqueue_indirect_dma source(%dma_start3A_466 : memref<10240x64xf32, #tpu.memory_space<vmem_shared>>) target(%arg13 : memref<128x64xf32, #tpu.memory_space<vmem>>) offsets(%dma_start3A_463 : memref<128xi32, #tpu.memory_space<vmem>>) semaphore(%arg25 : memref<!tpu.dma_semaphore, #tpu.memory_space<semaphore_mem>>)
      %dma_wait3A_467 = arith.constant 0 : i32
      %dma_wait3A_468 = arith.constant 0 : i32
      %dma_wait3A_469 = tpu.memref_slice %arg12[%dma_wait3A_467, %dma_wait3A_468] : memref<160x128xi32, #tpu.memory_space<vmem>> -> memref<1x128xi32, #tpu.memory_space<vmem>>
      %dma_wait3A_470 = tpu.memref_squeeze %dma_wait3A_469 : memref<1x128xi32, #tpu.memory_space<vmem>> -> memref<128xi32, #tpu.memory_space<vmem>>
      %dma_wait3A_471 = arith.constant 0 : i32
      %dma_wait3A_472 = arith.constant 0 : i32
      %dma_wait3A_473 = tpu.memref_slice %arg20[%dma_wait3A_471, %dma_wait3A_472] : memref<10240x64xf32, #tpu.memory_space<vmem_shared>> -> memref<10240x64xf32, #tpu.memory_space<vmem_shared>>
      tpu.wait_indirect_dma semaphore(%arg28 : memref<!tpu.dma_semaphore, #tpu.memory_space<semaphore_mem>>) src(%arg14 : memref<128x64xf32, #tpu.memory_space<vmem>>) dst(%dma_wait3A_473 : memref<10240x64xf32, #tpu.memory_space<vmem_shared>>)
      %dma_start3A_474 = arith.constant 1 : i32
      %dma_start3A_475 = arith.constant 0 : i32
      %dma_start3A_476 = tpu.memref_slice %arg10[%dma_start3A_474, %dma_start3A_475] : memref<2x128xi32, #tpu.memory_space<vmem>> -> memref<1x128xi32, #tpu.memory_space<vmem>>
      %dma_start3A_477 = tpu.memref_squeeze %dma_start3A_476 : memref<1x128xi32, #tpu.memory_space<vmem>> -> memref<128xi32, #tpu.memory_space<vmem>>
      %dma_start3A_478 = arith.constant 0 : i32
      %dma_start3A_479 = arith.constant 0 : i32
      %dma_start3A_480 = tpu.memref_slice %arg19[%dma_start3A_478, %dma_start3A_479] : memref<10240x64xf32, #tpu.memory_space<vmem_shared>> -> memref<10240x64xf32, #tpu.memory_space<vmem_shared>>
      tpu.enqueue_indirect_dma source(%dma_start3A_480 : memref<10240x64xf32, #tpu.memory_space<vmem_shared>>) target(%arg14 : memref<128x64xf32, #tpu.memory_space<vmem>>) offsets(%dma_start3A_477 : memref<128xi32, #tpu.memory_space<vmem>>) semaphore(%arg26 : memref<!tpu.dma_semaphore, #tpu.memory_space<semaphore_mem>>)
      %dma_wait3A_481 = arith.constant 0 : i32
      %dma_wait3A_482 = arith.constant 0 : i32
      %dma_wait3A_483 = tpu.memref_slice %arg10[%dma_wait3A_481, %dma_wait3A_482] : memref<2x128xi32, #tpu.memory_space<vmem>> -> memref<1x128xi32, #tpu.memory_space<vmem>>
      %dma_wait3A_484 = tpu.memref_squeeze %dma_wait3A_483 : memref<1x128xi32, #tpu.memory_space<vmem>> -> memref<128xi32, #tpu.memory_space<vmem>>
      %dma_wait3A_485 = arith.constant 0 : i32
      %dma_wait3A_486 = arith.constant 0 : i32
      %dma_wait3A_487 = tpu.memref_slice %arg19[%dma_wait3A_485, %dma_wait3A_486] : memref<10240x64xf32, #tpu.memory_space<vmem_shared>> -> memref<10240x64xf32, #tpu.memory_space<vmem_shared>>
      tpu.wait_indirect_dma semaphore(%arg25 : memref<!tpu.dma_semaphore, #tpu.memory_space<semaphore_mem>>) src(%dma_wait3A_487 : memref<10240x64xf32, #tpu.memory_space<vmem_shared>>) dst(%arg13 : memref<128x64xf32, #tpu.memory_space<vmem>>)
      %mul3A_488 = arith.constant 2 : i32
      %mul3A_489 = arith.muli %mul3A_444, %mul3A_488 : i32
      %add3A = arith.constant 0 : i32
      %add3A_490 = arith.addi %mul3A_489, %add3A : i32
      %dma_start3A_491 = arith.constant 0 : i32
      %dma_start3A_492 = tpu.memref_slice %arg12[%add3A_490, %dma_start3A_491] : memref<160x128xi32, #tpu.memory_space<vmem>> -> memref<1x128xi32, #tpu.memory_space<vmem>>
      %dma_start3A_493 = tpu.memref_squeeze %dma_start3A_492 : memref<1x128xi32, #tpu.memory_space<vmem>> -> memref<128xi32, #tpu.memory_space<vmem>>
      %dma_start3A_494 = arith.constant 0 : i32
      %dma_start3A_495 = arith.constant 0 : i32
      %dma_start3A_496 = tpu.memref_slice %arg20[%dma_start3A_494, %dma_start3A_495] : memref<10240x64xf32, #tpu.memory_space<vmem_shared>> -> memref<10240x64xf32, #tpu.memory_space<vmem_shared>>
      tpu.enqueue_indirect_dma source(%arg13 : memref<128x64xf32, #tpu.memory_space<vmem>>) target(%dma_start3A_496 : memref<10240x64xf32, #tpu.memory_space<vmem_shared>>) offsets(%dma_start3A_493 : memref<128xi32, #tpu.memory_space<vmem>>) semaphore(%arg27 : memref<!tpu.dma_semaphore, #tpu.memory_space<semaphore_mem>>) {add = true}
      %dma_wait3A_497 = arith.constant 1 : i32
      %dma_wait3A_498 = arith.constant 0 : i32
      %dma_wait3A_499 = tpu.memref_slice %arg10[%dma_wait3A_497, %dma_wait3A_498] : memref<2x128xi32, #tpu.memory_space<vmem>> -> memref<1x128xi32, #tpu.memory_space<vmem>>
      %dma_wait3A_500 = tpu.memref_squeeze %dma_wait3A_499 : memref<1x128xi32, #tpu.memory_space<vmem>> -> memref<128xi32, #tpu.memory_space<vmem>>
      %dma_wait3A_501 = arith.constant 0 : i32
      %dma_wait3A_502 = arith.constant 0 : i32
      %dma_wait3A_503 = tpu.memref_slice %arg19[%dma_wait3A_501, %dma_wait3A_502] : memref<10240x64xf32, #tpu.memory_space<vmem_shared>> -> memref<10240x64xf32, #tpu.memory_space<vmem_shared>>
      tpu.wait_indirect_dma semaphore(%arg26 : memref<!tpu.dma_semaphore, #tpu.memory_space<semaphore_mem>>) src(%dma_wait3A_503 : memref<10240x64xf32, #tpu.memory_space<vmem_shared>>) dst(%arg14 : memref<128x64xf32, #tpu.memory_space<vmem>>)
      %mul3A_504 = arith.constant 2 : i32
      %mul3A_505 = arith.muli %mul3A_444, %mul3A_504 : i32
      %add3A_506 = arith.constant 1 : i32
      %add3A_507 = arith.addi %mul3A_505, %add3A_506 : i32
      %dma_start3A_508 = arith.constant 0 : i32
      %dma_start3A_509 = tpu.memref_slice %arg12[%add3A_507, %dma_start3A_508] : memref<160x128xi32, #tpu.memory_space<vmem>> -> memref<1x128xi32, #tpu.memory_space<vmem>>
      %dma_start3A_510 = tpu.memref_squeeze %dma_start3A_509 : memref<1x128xi32, #tpu.memory_space<vmem>> -> memref<128xi32, #tpu.memory_space<vmem>>
      %dma_start3A_511 = arith.constant 0 : i32
      %dma_start3A_512 = arith.constant 0 : i32
      %dma_start3A_513 = tpu.memref_slice %arg20[%dma_start3A_511, %dma_start3A_512] : memref<10240x64xf32, #tpu.memory_space<vmem_shared>> -> memref<10240x64xf32, #tpu.memory_space<vmem_shared>>
      tpu.enqueue_indirect_dma source(%arg14 : memref<128x64xf32, #tpu.memory_space<vmem>>) target(%dma_start3A_513 : memref<10240x64xf32, #tpu.memory_space<vmem_shared>>) offsets(%dma_start3A_510 : memref<128xi32, #tpu.memory_space<vmem>>) semaphore(%arg28 : memref<!tpu.dma_semaphore, #tpu.memory_space<semaphore_mem>>) {add = true}
      %add3A_514 = arith.constant 2 : i32
      %add3A_515 = arith.addi %mul3A_444, %add3A_514 : i32
      %mul3A_516 = arith.constant 2 : i32
      %mul3A_517 = arith.muli %add3A_515, %mul3A_516 : i32
      %min3A_518 = arith.constant 158 : i32
      %min3A_519 = arith.minsi %mul3A_517, %min3A_518 : i32
      %dma_start3A_520 = arith.constant 0 : i32
      %dma_start3A_521 = tpu.memref_slice %arg3[%arg1, %min3A_519, %dma_start3A_520] : memref<16x160x128xi32, #tpu.memory_space<hbm>> -> memref<1x2x128xi32, #tpu.memory_space<hbm>>
      %dma_start3A_522 = tpu.memref_squeeze %dma_start3A_521 : memref<1x2x128xi32, #tpu.memory_space<hbm>> -> memref<2x128xi32, #tpu.memory_space<hbm>>
      %dma_start3A_523 = arith.constant 0 : i32
      %dma_start3A_524 = tpu.memref_slice %arg3[%arg1, %min3A_519, %dma_start3A_523] : memref<16x160x128xi32, #tpu.memory_space<hbm>> -> memref<1x2x128xi32, #tpu.memory_space<hbm>>
      %dma_start3A_525 = tpu.memref_squeeze %dma_start3A_524 : memref<1x2x128xi32, #tpu.memory_space<hbm>> -> memref<2x128xi32, #tpu.memory_space<hbm>>
      tpu.enqueue_dma source(%dma_start3A_525 : memref<2x128xi32, #tpu.memory_space<hbm>>) target(%arg10 : memref<2x128xi32, #tpu.memory_space<vmem>>) target_semaphore(%arg22 : memref<!tpu.dma_semaphore, #tpu.memory_space<semaphore_mem>>)
      %mul3A_526 = arith.constant 2 : i32
      %mul3A_527 = arith.muli %mul3A_526, %scan3A_442 : i32
      %add3A_528 = arith.constant 1 : i32
      %add3A_529 = arith.addi %mul3A_527, %add3A_528 : i32
      %dma_wait3A_530 = arith.constant 0 : i32
      %dma_wait3A_531 = arith.constant 0 : i32
      %dma_wait3A_532 = tpu.memref_slice %arg3[%arg1, %dma_wait3A_530, %dma_wait3A_531] : memref<16x160x128xi32, #tpu.memory_space<hbm>> -> memref<1x2x128xi32, #tpu.memory_space<hbm>>
      %dma_wait3A_533 = tpu.memref_squeeze %dma_wait3A_532 : memref<1x2x128xi32, #tpu.memory_space<hbm>> -> memref<2x128xi32, #tpu.memory_space<hbm>>
      %dma_wait3A_534 = arith.constant 0 : i32
      %dma_wait3A_535 = arith.constant 0 : i32
      %dma_wait3A_536 = tpu.memref_slice %arg3[%arg1, %dma_wait3A_534, %dma_wait3A_535] : memref<16x160x128xi32, #tpu.memory_space<hbm>> -> memref<1x2x128xi32, #tpu.memory_space<hbm>>
      %dma_wait3A_537 = tpu.memref_squeeze %dma_wait3A_536 : memref<1x2x128xi32, #tpu.memory_space<hbm>> -> memref<2x128xi32, #tpu.memory_space<hbm>>
      tpu.wait_dma2 semaphore(%arg23 : memref<!tpu.dma_semaphore, #tpu.memory_space<semaphore_mem>>) src(%dma_wait3A_537 : memref<2x128xi32, #tpu.memory_space<hbm>>) dst(%arg11 : memref<2x128xi32, #tpu.memory_space<vmem>>)
      %dma_wait3A_538 = arith.constant 0 : i32
      %dma_wait3A_539 = arith.constant 0 : i32
      %dma_wait3A_540 = tpu.memref_slice %arg12[%dma_wait3A_538, %dma_wait3A_539] : memref<160x128xi32, #tpu.memory_space<vmem>> -> memref<1x128xi32, #tpu.memory_space<vmem>>
      %dma_wait3A_541 = tpu.memref_squeeze %dma_wait3A_540 : memref<1x128xi32, #tpu.memory_space<vmem>> -> memref<128xi32, #tpu.memory_space<vmem>>
      %dma_wait3A_542 = arith.constant 0 : i32
      %dma_wait3A_543 = arith.constant 0 : i32
      %dma_wait3A_544 = tpu.memref_slice %arg20[%dma_wait3A_542, %dma_wait3A_543] : memref<10240x64xf32, #tpu.memory_space<vmem_shared>> -> memref<10240x64xf32, #tpu.memory_space<vmem_shared>>
      tpu.wait_indirect_dma semaphore(%arg27 : memref<!tpu.dma_semaphore, #tpu.memory_space<semaphore_mem>>) src(%arg13 : memref<128x64xf32, #tpu.memory_space<vmem>>) dst(%dma_wait3A_544 : memref<10240x64xf32, #tpu.memory_space<vmem_shared>>)
      %dma_start3A_545 = arith.constant 0 : i32
      %dma_start3A_546 = arith.constant 0 : i32
      %dma_start3A_547 = tpu.memref_slice %arg11[%dma_start3A_545, %dma_start3A_546] : memref<2x128xi32, #tpu.memory_space<vmem>> -> memref<1x128xi32, #tpu.memory_space<vmem>>
      %dma_start3A_548 = tpu.memref_squeeze %dma_start3A_547 : memref<1x128xi32, #tpu.memory_space<vmem>> -> memref<128xi32, #tpu.memory_space<vmem>>
      %dma_start3A_549 = arith.constant 0 : i32
      %dma_start3A_550 = arith.constant 0 : i32
      %dma_start3A_551 = tpu.memref_slice %arg19[%dma_start3A_549, %dma_start3A_550] : memref<10240x64xf32, #tpu.memory_space<vmem_shared>> -> memref<10240x64xf32, #tpu.memory_space<vmem_shared>>
      tpu.enqueue_indirect_dma source(%dma_start3A_551 : memref<10240x64xf32, #tpu.memory_space<vmem_shared>>) target(%arg13 : memref<128x64xf32, #tpu.memory_space<vmem>>) offsets(%dma_start3A_548 : memref<128xi32, #tpu.memory_space<vmem>>) semaphore(%arg25 : memref<!tpu.dma_semaphore, #tpu.memory_space<semaphore_mem>>)
      %dma_wait3A_552 = arith.constant 0 : i32
      %dma_wait3A_553 = arith.constant 0 : i32
      %dma_wait3A_554 = tpu.memref_slice %arg12[%dma_wait3A_552, %dma_wait3A_553] : memref<160x128xi32, #tpu.memory_space<vmem>> -> memref<1x128xi32, #tpu.memory_space<vmem>>
      %dma_wait3A_555 = tpu.memref_squeeze %dma_wait3A_554 : memref<1x128xi32, #tpu.memory_space<vmem>> -> memref<128xi32, #tpu.memory_space<vmem>>
      %dma_wait3A_556 = arith.constant 0 : i32
      %dma_wait3A_557 = arith.constant 0 : i32
      %dma_wait3A_558 = tpu.memref_slice %arg20[%dma_wait3A_556, %dma_wait3A_557] : memref<10240x64xf32, #tpu.memory_space<vmem_shared>> -> memref<10240x64xf32, #tpu.memory_space<vmem_shared>>
      tpu.wait_indirect_dma semaphore(%arg28 : memref<!tpu.dma_semaphore, #tpu.memory_space<semaphore_mem>>) src(%arg14 : memref<128x64xf32, #tpu.memory_space<vmem>>) dst(%dma_wait3A_558 : memref<10240x64xf32, #tpu.memory_space<vmem_shared>>)
      %dma_start3A_559 = arith.constant 1 : i32
      %dma_start3A_560 = arith.constant 0 : i32
      %dma_start3A_561 = tpu.memref_slice %arg11[%dma_start3A_559, %dma_start3A_560] : memref<2x128xi32, #tpu.memory_space<vmem>> -> memref<1x128xi32, #tpu.memory_space<vmem>>
      %dma_start3A_562 = tpu.memref_squeeze %dma_start3A_561 : memref<1x128xi32, #tpu.memory_space<vmem>> -> memref<128xi32, #tpu.memory_space<vmem>>
      %dma_start3A_563 = arith.constant 0 : i32
      %dma_start3A_564 = arith.constant 0 : i32
      %dma_start3A_565 = tpu.memref_slice %arg19[%dma_start3A_563, %dma_start3A_564] : memref<10240x64xf32, #tpu.memory_space<vmem_shared>> -> memref<10240x64xf32, #tpu.memory_space<vmem_shared>>
      tpu.enqueue_indirect_dma source(%dma_start3A_565 : memref<10240x64xf32, #tpu.memory_space<vmem_shared>>) target(%arg14 : memref<128x64xf32, #tpu.memory_space<vmem>>) offsets(%dma_start3A_562 : memref<128xi32, #tpu.memory_space<vmem>>) semaphore(%arg26 : memref<!tpu.dma_semaphore, #tpu.memory_space<semaphore_mem>>)
      %dma_wait3A_566 = arith.constant 0 : i32
      %dma_wait3A_567 = arith.constant 0 : i32
      %dma_wait3A_568 = tpu.memref_slice %arg11[%dma_wait3A_566, %dma_wait3A_567] : memref<2x128xi32, #tpu.memory_space<vmem>> -> memref<1x128xi32, #tpu.memory_space<vmem>>
      %dma_wait3A_569 = tpu.memref_squeeze %dma_wait3A_568 : memref<1x128xi32, #tpu.memory_space<vmem>> -> memref<128xi32, #tpu.memory_space<vmem>>
      %dma_wait3A_570 = arith.constant 0 : i32
      %dma_wait3A_571 = arith.constant 0 : i32
      %dma_wait3A_572 = tpu.memref_slice %arg19[%dma_wait3A_570, %dma_wait3A_571] : memref<10240x64xf32, #tpu.memory_space<vmem_shared>> -> memref<10240x64xf32, #tpu.memory_space<vmem_shared>>
      tpu.wait_indirect_dma semaphore(%arg25 : memref<!tpu.dma_semaphore, #tpu.memory_space<semaphore_mem>>) src(%dma_wait3A_572 : memref<10240x64xf32, #tpu.memory_space<vmem_shared>>) dst(%arg13 : memref<128x64xf32, #tpu.memory_space<vmem>>)
      %mul3A_573 = arith.constant 2 : i32
      %mul3A_574 = arith.muli %add3A_529, %mul3A_573 : i32
      %add3A_575 = arith.constant 0 : i32
      %add3A_576 = arith.addi %mul3A_574, %add3A_575 : i32
      %dma_start3A_577 = arith.constant 0 : i32
      %dma_start3A_578 = tpu.memref_slice %arg12[%add3A_576, %dma_start3A_577] : memref<160x128xi32, #tpu.memory_space<vmem>> -> memref<1x128xi32, #tpu.memory_space<vmem>>
      %dma_start3A_579 = tpu.memref_squeeze %dma_start3A_578 : memref<1x128xi32, #tpu.memory_space<vmem>> -> memref<128xi32, #tpu.memory_space<vmem>>
      %dma_start3A_580 = arith.constant 0 : i32
      %dma_start3A_581 = arith.constant 0 : i32
      %dma_start3A_582 = tpu.memref_slice %arg20[%dma_start3A_580, %dma_start3A_581] : memref<10240x64xf32, #tpu.memory_space<vmem_shared>> -> memref<10240x64xf32, #tpu.memory_space<vmem_shared>>
      tpu.enqueue_indirect_dma source(%arg13 : memref<128x64xf32, #tpu.memory_space<vmem>>) target(%dma_start3A_582 : memref<10240x64xf32, #tpu.memory_space<vmem_shared>>) offsets(%dma_start3A_579 : memref<128xi32, #tpu.memory_space<vmem>>) semaphore(%arg27 : memref<!tpu.dma_semaphore, #tpu.memory_space<semaphore_mem>>) {add = true}
      %dma_wait3A_583 = arith.constant 1 : i32
      %dma_wait3A_584 = arith.constant 0 : i32
      %dma_wait3A_585 = tpu.memref_slice %arg11[%dma_wait3A_583, %dma_wait3A_584] : memref<2x128xi32, #tpu.memory_space<vmem>> -> memref<1x128xi32, #tpu.memory_space<vmem>>
      %dma_wait3A_586 = tpu.memref_squeeze %dma_wait3A_585 : memref<1x128xi32, #tpu.memory_space<vmem>> -> memref<128xi32, #tpu.memory_space<vmem>>
      %dma_wait3A_587 = arith.constant 0 : i32
      %dma_wait3A_588 = arith.constant 0 : i32
      %dma_wait3A_589 = tpu.memref_slice %arg19[%dma_wait3A_587, %dma_wait3A_588] : memref<10240x64xf32, #tpu.memory_space<vmem_shared>> -> memref<10240x64xf32, #tpu.memory_space<vmem_shared>>
      tpu.wait_indirect_dma semaphore(%arg26 : memref<!tpu.dma_semaphore, #tpu.memory_space<semaphore_mem>>) src(%dma_wait3A_589 : memref<10240x64xf32, #tpu.memory_space<vmem_shared>>) dst(%arg14 : memref<128x64xf32, #tpu.memory_space<vmem>>)
      %mul3A_590 = arith.constant 2 : i32
      %mul3A_591 = arith.muli %add3A_529, %mul3A_590 : i32
      %add3A_592 = arith.constant 1 : i32
      %add3A_593 = arith.addi %mul3A_591, %add3A_592 : i32
      %dma_start3A_594 = arith.constant 0 : i32
      %dma_start3A_595 = tpu.memref_slice %arg12[%add3A_593, %dma_start3A_594] : memref<160x128xi32, #tpu.memory_space<vmem>> -> memref<1x128xi32, #tpu.memory_space<vmem>>
      %dma_start3A_596 = tpu.memref_squeeze %dma_start3A_595 : memref<1x128xi32, #tpu.memory_space<vmem>> -> memref<128xi32, #tpu.memory_space<vmem>>
      %dma_start3A_597 = arith.constant 0 : i32
      %dma_start3A_598 = arith.constant 0 : i32
      %dma_start3A_599 = tpu.memref_slice %arg20[%dma_start3A_597, %dma_start3A_598] : memref<10240x64xf32, #tpu.memory_space<vmem_shared>> -> memref<10240x64xf32, #tpu.memory_space<vmem_shared>>
      tpu.enqueue_indirect_dma source(%arg14 : memref<128x64xf32, #tpu.memory_space<vmem>>) target(%dma_start3A_599 : memref<10240x64xf32, #tpu.memory_space<vmem_shared>>) offsets(%dma_start3A_596 : memref<128xi32, #tpu.memory_space<vmem>>) semaphore(%arg28 : memref<!tpu.dma_semaphore, #tpu.memory_space<semaphore_mem>>) {add = true}
      %add3A_600 = arith.constant 2 : i32
      %add3A_601 = arith.addi %add3A_529, %add3A_600 : i32
      %mul3A_602 = arith.constant 2 : i32
      %mul3A_603 = arith.muli %add3A_601, %mul3A_602 : i32
      %min3A_604 = arith.constant 158 : i32
      %min3A_605 = arith.minsi %mul3A_603, %min3A_604 : i32
      %dma_start3A_606 = arith.constant 0 : i32
      %dma_start3A_607 = tpu.memref_slice %arg3[%arg1, %min3A_605, %dma_start3A_606] : memref<16x160x128xi32, #tpu.memory_space<hbm>> -> memref<1x2x128xi32, #tpu.memory_space<hbm>>
      %dma_start3A_608 = tpu.memref_squeeze %dma_start3A_607 : memref<1x2x128xi32, #tpu.memory_space<hbm>> -> memref<2x128xi32, #tpu.memory_space<hbm>>
      %dma_start3A_609 = arith.constant 0 : i32
      %dma_start3A_610 = tpu.memref_slice %arg3[%arg1, %min3A_605, %dma_start3A_609] : memref<16x160x128xi32, #tpu.memory_space<hbm>> -> memref<1x2x128xi32, #tpu.memory_space<hbm>>
      %dma_start3A_611 = tpu.memref_squeeze %dma_start3A_610 : memref<1x2x128xi32, #tpu.memory_space<hbm>> -> memref<2x128xi32, #tpu.memory_space<hbm>>
      tpu.enqueue_dma source(%dma_start3A_611 : memref<2x128xi32, #tpu.memory_space<hbm>>) target(%arg11 : memref<2x128xi32, #tpu.memory_space<vmem>>) target_semaphore(%arg23 : memref<!tpu.dma_semaphore, #tpu.memory_space<semaphore_mem>>)
    }
    %scan3A_405 = arith.constant 39 : i32
    %dma_wait3A_406 = arith.constant 0 : i32
    %dma_wait3A_407 = arith.constant 0 : i32
    %dma_wait3A_408 = tpu.memref_slice %arg12[%dma_wait3A_406, %dma_wait3A_407] : memref<160x128xi32, #tpu.memory_space<vmem>> -> memref<1x128xi32, #tpu.memory_space<vmem>>
    %dma_wait3A_409 = tpu.memref_squeeze %dma_wait3A_408 : memref<1x128xi32, #tpu.memory_space<vmem>> -> memref<128xi32, #tpu.memory_space<vmem>>
    %dma_wait3A_410 = arith.constant 0 : i32
    %dma_wait3A_411 = arith.constant 0 : i32
    %dma_wait3A_412 = tpu.memref_slice %arg20[%dma_wait3A_410, %dma_wait3A_411] : memref<10240x64xf32, #tpu.memory_space<vmem_shared>> -> memref<10240x64xf32, #tpu.memory_space<vmem_shared>>
    tpu.wait_indirect_dma semaphore(%arg27 : memref<!tpu.dma_semaphore, #tpu.memory_space<semaphore_mem>>) src(%arg13 : memref<128x64xf32, #tpu.memory_space<vmem>>) dst(%dma_wait3A_412 : memref<10240x64xf32, #tpu.memory_space<vmem_shared>>)
    %dma_wait3A_413 = arith.constant 0 : i32
    %dma_wait3A_414 = arith.constant 0 : i32
    %dma_wait3A_415 = tpu.memref_slice %arg12[%dma_wait3A_413, %dma_wait3A_414] : memref<160x128xi32, #tpu.memory_space<vmem>> -> memref<1x128xi32, #tpu.memory_space<vmem>>
    %dma_wait3A_416 = tpu.memref_squeeze %dma_wait3A_415 : memref<1x128xi32, #tpu.memory_space<vmem>> -> memref<128xi32, #tpu.memory_space<vmem>>
    %dma_wait3A_417 = arith.constant 0 : i32
    %dma_wait3A_418 = arith.constant 0 : i32
    %dma_wait3A_419 = tpu.memref_slice %arg20[%dma_wait3A_417, %dma_wait3A_418] : memref<10240x64xf32, #tpu.memory_space<vmem_shared>> -> memref<10240x64xf32, #tpu.memory_space<vmem_shared>>
    tpu.wait_indirect_dma semaphore(%arg28 : memref<!tpu.dma_semaphore, #tpu.memory_space<semaphore_mem>>) src(%arg14 : memref<128x64xf32, #tpu.memory_space<vmem>>) dst(%dma_wait3A_419 : memref<10240x64xf32, #tpu.memory_space<vmem_shared>>)
    %dma_wait3A_420 = arith.constant 0 : i32
    %dma_wait3A_421 = arith.constant 0 : i32
    %dma_wait3A_422 = tpu.memref_slice %arg3[%arg1, %dma_wait3A_420, %dma_wait3A_421] : memref<16x160x128xi32, #tpu.memory_space<hbm>> -> memref<1x2x128xi32, #tpu.memory_space<hbm>>
    %dma_wait3A_423 = tpu.memref_squeeze %dma_wait3A_422 : memref<1x2x128xi32, #tpu.memory_space<hbm>> -> memref<2x128xi32, #tpu.memory_space<hbm>>
    %dma_wait3A_424 = arith.constant 0 : i32
    %dma_wait3A_425 = arith.constant 0 : i32
    %dma_wait3A_426 = tpu.memref_slice %arg3[%arg1, %dma_wait3A_424, %dma_wait3A_425] : memref<16x160x128xi32, #tpu.memory_space<hbm>> -> memref<1x2x128xi32, #tpu.memory_space<hbm>>
    %dma_wait3A_427 = tpu.memref_squeeze %dma_wait3A_426 : memref<1x2x128xi32, #tpu.memory_space<hbm>> -> memref<2x128xi32, #tpu.memory_space<hbm>>
    tpu.wait_dma2 semaphore(%arg22 : memref<!tpu.dma_semaphore, #tpu.memory_space<semaphore_mem>>) src(%dma_wait3A_427 : memref<2x128xi32, #tpu.memory_space<hbm>>) dst(%arg10 : memref<2x128xi32, #tpu.memory_space<vmem>>)
    %dma_wait3A_428 = arith.constant 0 : i32
    %dma_wait3A_429 = arith.constant 0 : i32
    %dma_wait3A_430 = tpu.memref_slice %arg3[%arg1, %dma_wait3A_428, %dma_wait3A_429] : memref<16x160x128xi32, #tpu.memory_space<hbm>> -> memref<1x2x128xi32, #tpu.memory_space<hbm>>
    %dma_wait3A_431 = tpu.memref_squeeze %dma_wait3A_430 : memref<1x2x128xi32, #tpu.memory_space<hbm>> -> memref<2x128xi32, #tpu.memory_space<hbm>>
    %dma_wait3A_432 = arith.constant 0 : i32
    %dma_wait3A_433 = arith.constant 0 : i32
    %dma_wait3A_434 = tpu.memref_slice %arg3[%arg1, %dma_wait3A_432, %dma_wait3A_433] : memref<16x160x128xi32, #tpu.memory_space<hbm>> -> memref<1x2x128xi32, #tpu.memory_space<hbm>>
    %dma_wait3A_435 = tpu.memref_squeeze %dma_wait3A_434 : memref<1x2x128xi32, #tpu.memory_space<hbm>> -> memref<2x128xi32, #tpu.memory_space<hbm>>
    tpu.wait_dma2 semaphore(%arg23 : memref<!tpu.dma_semaphore, #tpu.memory_space<semaphore_mem>>) src(%dma_wait3A_435 : memref<2x128xi32, #tpu.memory_space<hbm>>) dst(%arg11 : memref<2x128xi32, #tpu.memory_space<vmem>>)
    %barrier3A_436 = arith.constant 0 : index
    tpu.barrier barrier_id(%barrier3A_436)
    "tpu.region"() ({
      %run_scoped3A = tpu.sem_alloc : memref<!tpu.dma_semaphore, #tpu.memory_space<semaphore_mem>>
      %dma_start3A_442 = arith.constant 0 : i32
      %dma_start3A_443 = tpu.memref_slice %arg9[%arg0, %mul3A_0, %dma_start3A_442] : memref<2x10240x64xf32, #tpu.memory_space<hbm>> -> memref<1x640x64xf32, #tpu.memory_space<hbm>>
      %dma_start3A_444 = tpu.memref_squeeze %dma_start3A_443 : memref<1x640x64xf32, #tpu.memory_space<hbm>> -> memref<640x64xf32, #tpu.memory_space<hbm>>
      %dma_start3A_445 = arith.constant 0 : i32
      %dma_start3A_446 = tpu.memref_slice %arg20[%mul3A_0, %dma_start3A_445] : memref<10240x64xf32, #tpu.memory_space<vmem_shared>> -> memref<640x64xf32, #tpu.memory_space<vmem_shared>>
      tpu.enqueue_dma source(%dma_start3A_446 : memref<640x64xf32, #tpu.memory_space<vmem_shared>>) target(%dma_start3A_444 : memref<640x64xf32, #tpu.memory_space<hbm>>) target_semaphore(%run_scoped3A : memref<!tpu.dma_semaphore, #tpu.memory_space<semaphore_mem>>)
      %dma_wait3A_447 = arith.constant 0 : i32
      %dma_wait3A_448 = tpu.memref_slice %arg9[%arg0, %mul3A_0, %dma_wait3A_447] : memref<2x10240x64xf32, #tpu.memory_space<hbm>> -> memref<1x640x64xf32, #tpu.memory_space<hbm>>
      %dma_wait3A_449 = tpu.memref_squeeze %dma_wait3A_448 : memref<1x640x64xf32, #tpu.memory_space<hbm>> -> memref<640x64xf32, #tpu.memory_space<hbm>>
      %dma_wait3A_450 = arith.constant 0 : i32
      %dma_wait3A_451 = tpu.memref_slice %arg20[%mul3A_0, %dma_wait3A_450] : memref<10240x64xf32, #tpu.memory_space<vmem_shared>> -> memref<640x64xf32, #tpu.memory_space<vmem_shared>>
      tpu.wait_dma2 semaphore(%run_scoped3A : memref<!tpu.dma_semaphore, #tpu.memory_space<semaphore_mem>>) src(%dma_wait3A_451 : memref<640x64xf32, #tpu.memory_space<vmem_shared>>) dst(%dma_wait3A_449 : memref<640x64xf32, #tpu.memory_space<hbm>>)
      tpu.yield
    }) : () -> ()
    %dma_wait3A_437 = arith.constant 0 : i32
    %dma_wait3A_438 = tpu.memref_slice %arg8[%arg0, %mul3A_0, %dma_wait3A_437] : memref<2x10240x64xf32, #tpu.memory_space<hbm>> -> memref<1x640x64xf32, #tpu.memory_space<hbm>>
    %dma_wait3A_439 = tpu.memref_squeeze %dma_wait3A_438 : memref<1x640x64xf32, #tpu.memory_space<hbm>> -> memref<640x64xf32, #tpu.memory_space<hbm>>
    %dma_wait3A_440 = arith.constant 0 : i32
    %dma_wait3A_441 = tpu.memref_slice %arg19[%mul3A_0, %dma_wait3A_440] : memref<10240x64xf32, #tpu.memory_space<vmem_shared>> -> memref<640x64xf32, #tpu.memory_space<vmem_shared>>
    tpu.wait_dma2 semaphore(%arg24 : memref<!tpu.dma_semaphore, #tpu.memory_space<semaphore_mem>>) src(%dma_wait3A_441 : memref<640x64xf32, #tpu.memory_space<vmem_shared>>) dst(%dma_wait3A_439 : memref<640x64xf32, #tpu.memory_space<hbm>>)
    return
  }
}

#map = affine_map<(d0, d1) -> (0, 0, 0)>
#map1 = affine_map<(d0, d1) -> (0, 0)>
module attributes {stable_mosaic.version = 14 : i64} {
  func.func @deg_kernel(%arg0: i32, %arg1: i32, %arg2: memref<16x160x128xi32, #tpu.memory_space<hbm>>, %arg3: memref<10240x16xf32, #tpu.memory_space<hbm>>, %arg4: memref<128x16xf32, #tpu.memory_space<hbm>>, %arg5: memref<2x10240x16xf32, #tpu.memory_space<hbm>>, %arg6: memref<160x128xi32, #tpu.memory_space<vmem>>, %arg7: memref<128x16xf32, #tpu.memory_space<vmem>>, %arg8: memref<10240x16xf32, #tpu.memory_space<vmem_shared>>, %arg9: memref<!tpu.dma_semaphore, #tpu.memory_space<semaphore_mem>>) attributes {dimension_semantics = [#tpu.dimension_semantics<core_parallel>, #tpu.dimension_semantics<subcore_parallel>], iteration_bounds = array<i64: 2, 16>, scalar_prefetch = 0 : i64, scratch_operands = 4 : i64, tpu.core_type = #tpu.core_type<sc_vector_subcore>, window_params = [{transform_indices = #map}, {transform_indices = #map1}, {transform_indices = #map1}, {transform_indices = #map}]} {
    %mul3A = arith.constant 640 : i32
    %mul3A_0 = arith.muli %arg1, %mul3A : i32
    %mul3A_1 = arith.constant 640 : i32
    %mul3A_2 = arith.muli %arg1, %mul3A_1 : i32
    "tpu.region"() ({
      %run_scoped3A = tpu.sem_alloc : memref<!tpu.dma_semaphore, #tpu.memory_space<semaphore_mem>>
      %dma_start3A = arith.constant 0 : i32
      %dma_start3A_19 = tpu.memref_slice %arg8[%mul3A_2, %dma_start3A] : memref<10240x16xf32, #tpu.memory_space<vmem_shared>> -> memref<640x16xf32, #tpu.memory_space<vmem_shared>>
      %dma_start3A_20 = arith.constant 0 : i32
      %dma_start3A_21 = tpu.memref_slice %arg3[%mul3A_0, %dma_start3A_20] : memref<10240x16xf32, #tpu.memory_space<hbm>> -> memref<640x16xf32, #tpu.memory_space<hbm>>
      tpu.enqueue_dma source(%dma_start3A_21 : memref<640x16xf32, #tpu.memory_space<hbm>>) target(%dma_start3A_19 : memref<640x16xf32, #tpu.memory_space<vmem_shared>>) target_semaphore(%run_scoped3A : memref<!tpu.dma_semaphore, #tpu.memory_space<semaphore_mem>>)
      %dma_wait3A = arith.constant 0 : i32
      %dma_wait3A_22 = tpu.memref_slice %arg8[%mul3A_2, %dma_wait3A] : memref<10240x16xf32, #tpu.memory_space<vmem_shared>> -> memref<640x16xf32, #tpu.memory_space<vmem_shared>>
      %dma_wait3A_23 = arith.constant 0 : i32
      %dma_wait3A_24 = tpu.memref_slice %arg3[%mul3A_0, %dma_wait3A_23] : memref<10240x16xf32, #tpu.memory_space<hbm>> -> memref<640x16xf32, #tpu.memory_space<hbm>>
      tpu.wait_dma2 semaphore(%run_scoped3A : memref<!tpu.dma_semaphore, #tpu.memory_space<semaphore_mem>>) src(%dma_wait3A_24 : memref<640x16xf32, #tpu.memory_space<hbm>>) dst(%dma_wait3A_22 : memref<640x16xf32, #tpu.memory_space<vmem_shared>>)
      tpu.yield
    }) : () -> ()
    "tpu.region"() ({
      %run_scoped3A = tpu.sem_alloc : memref<!tpu.dma_semaphore, #tpu.memory_space<semaphore_mem>>
      %dma_start3A = arith.constant 0 : i32
      %dma_start3A_19 = arith.constant 0 : i32
      %dma_start3A_20 = tpu.memref_slice %arg2[%arg1, %dma_start3A, %dma_start3A_19] : memref<16x160x128xi32, #tpu.memory_space<hbm>> -> memref<1x160x128xi32, #tpu.memory_space<hbm>>
      %dma_start3A_21 = tpu.memref_squeeze %dma_start3A_20 : memref<1x160x128xi32, #tpu.memory_space<hbm>> -> memref<160x128xi32, #tpu.memory_space<hbm>>
      %dma_start3A_22 = arith.constant 0 : i32
      %dma_start3A_23 = arith.constant 0 : i32
      %dma_start3A_24 = tpu.memref_slice %arg2[%arg1, %dma_start3A_22, %dma_start3A_23] : memref<16x160x128xi32, #tpu.memory_space<hbm>> -> memref<1x160x128xi32, #tpu.memory_space<hbm>>
      %dma_start3A_25 = tpu.memref_squeeze %dma_start3A_24 : memref<1x160x128xi32, #tpu.memory_space<hbm>> -> memref<160x128xi32, #tpu.memory_space<hbm>>
      tpu.enqueue_dma source(%dma_start3A_25 : memref<160x128xi32, #tpu.memory_space<hbm>>) target(%arg6 : memref<160x128xi32, #tpu.memory_space<vmem>>) target_semaphore(%run_scoped3A : memref<!tpu.dma_semaphore, #tpu.memory_space<semaphore_mem>>)
      %dma_wait3A = arith.constant 0 : i32
      %dma_wait3A_26 = arith.constant 0 : i32
      %dma_wait3A_27 = tpu.memref_slice %arg2[%arg1, %dma_wait3A, %dma_wait3A_26] : memref<16x160x128xi32, #tpu.memory_space<hbm>> -> memref<1x160x128xi32, #tpu.memory_space<hbm>>
      %dma_wait3A_28 = tpu.memref_squeeze %dma_wait3A_27 : memref<1x160x128xi32, #tpu.memory_space<hbm>> -> memref<160x128xi32, #tpu.memory_space<hbm>>
      %dma_wait3A_29 = arith.constant 0 : i32
      %dma_wait3A_30 = arith.constant 0 : i32
      %dma_wait3A_31 = tpu.memref_slice %arg2[%arg1, %dma_wait3A_29, %dma_wait3A_30] : memref<16x160x128xi32, #tpu.memory_space<hbm>> -> memref<1x160x128xi32, #tpu.memory_space<hbm>>
      %dma_wait3A_32 = tpu.memref_squeeze %dma_wait3A_31 : memref<1x160x128xi32, #tpu.memory_space<hbm>> -> memref<160x128xi32, #tpu.memory_space<hbm>>
      tpu.wait_dma2 semaphore(%run_scoped3A : memref<!tpu.dma_semaphore, #tpu.memory_space<semaphore_mem>>) src(%dma_wait3A_32 : memref<160x128xi32, #tpu.memory_space<hbm>>) dst(%arg6 : memref<160x128xi32, #tpu.memory_space<vmem>>)
      tpu.yield
    }) : () -> ()
    "tpu.region"() ({
      %run_scoped3A = tpu.sem_alloc : memref<!tpu.dma_semaphore, #tpu.memory_space<semaphore_mem>>
      tpu.enqueue_dma source(%arg4 : memref<128x16xf32, #tpu.memory_space<hbm>>) target(%arg7 : memref<128x16xf32, #tpu.memory_space<vmem>>) target_semaphore(%run_scoped3A : memref<!tpu.dma_semaphore, #tpu.memory_space<semaphore_mem>>)
      tpu.wait_dma2 semaphore(%run_scoped3A : memref<!tpu.dma_semaphore, #tpu.memory_space<semaphore_mem>>) src(%arg4 : memref<128x16xf32, #tpu.memory_space<hbm>>) dst(%arg7 : memref<128x16xf32, #tpu.memory_space<vmem>>)
      tpu.yield
    }) : () -> ()
    %barrier3A = arith.constant 0 : index
    tpu.barrier barrier_id(%barrier3A)
    %scan3A = arith.constant 0 : i32
    %scan3A_3 = arith.constant 0 : i32
    %scan3A_4 = arith.constant 80 : i32
    %scan3A_5 = arith.addi %scan3A_3, %scan3A_4 : i32
    %scan3A_6 = arith.constant 1 : i32
    scf.for %scan3A_19 = %scan3A_3 to %scan3A_5 step %scan3A_6  : i32 {
      %mul3A_20 = arith.constant 80 : i32
      %mul3A_21 = arith.muli %arg0, %mul3A_20 : i32
      %add3A = arith.addi %mul3A_21, %scan3A_19 : i32
      %dma_start3A = arith.constant 0 : i32
      %dma_start3A_22 = tpu.memref_slice %arg6[%add3A, %dma_start3A] : memref<160x128xi32, #tpu.memory_space<vmem>> -> memref<1x128xi32, #tpu.memory_space<vmem>>
      %dma_start3A_23 = tpu.memref_squeeze %dma_start3A_22 : memref<1x128xi32, #tpu.memory_space<vmem>> -> memref<128xi32, #tpu.memory_space<vmem>>
      %dma_start3A_24 = arith.constant 0 : i32
      %dma_start3A_25 = arith.constant 0 : i32
      %dma_start3A_26 = tpu.memref_slice %arg8[%dma_start3A_24, %dma_start3A_25] : memref<10240x16xf32, #tpu.memory_space<vmem_shared>> -> memref<10240x16xf32, #tpu.memory_space<vmem_shared>>
      tpu.enqueue_indirect_dma source(%arg7 : memref<128x16xf32, #tpu.memory_space<vmem>>) target(%dma_start3A_26 : memref<10240x16xf32, #tpu.memory_space<vmem_shared>>) offsets(%dma_start3A_23 : memref<128xi32, #tpu.memory_space<vmem>>) semaphore(%arg9 : memref<!tpu.dma_semaphore, #tpu.memory_space<semaphore_mem>>) {add = true}
    }
    %scan3A_7 = arith.constant 80 : i32
    %scan3A_8 = arith.constant 0 : i32
    %scan3A_9 = arith.constant 0 : i32
    %scan3A_10 = arith.constant 80 : i32
    %scan3A_11 = arith.addi %scan3A_9, %scan3A_10 : i32
    %scan3A_12 = arith.constant 1 : i32
    scf.for %scan3A_19 = %scan3A_9 to %scan3A_11 step %scan3A_12  : i32 {
      %dma_wait3A = arith.constant 0 : i32
      %dma_wait3A_20 = arith.constant 0 : i32
      %dma_wait3A_21 = tpu.memref_slice %arg6[%dma_wait3A, %dma_wait3A_20] : memref<160x128xi32, #tpu.memory_space<vmem>> -> memref<1x128xi32, #tpu.memory_space<vmem>>
      %dma_wait3A_22 = tpu.memref_squeeze %dma_wait3A_21 : memref<1x128xi32, #tpu.memory_space<vmem>> -> memref<128xi32, #tpu.memory_space<vmem>>
      %dma_wait3A_23 = arith.constant 0 : i32
      %dma_wait3A_24 = arith.constant 0 : i32
      %dma_wait3A_25 = tpu.memref_slice %arg8[%dma_wait3A_23, %dma_wait3A_24] : memref<10240x16xf32, #tpu.memory_space<vmem_shared>> -> memref<10240x16xf32, #tpu.memory_space<vmem_shared>>
      tpu.wait_indirect_dma semaphore(%arg9 : memref<!tpu.dma_semaphore, #tpu.memory_space<semaphore_mem>>) src(%arg7 : memref<128x16xf32, #tpu.memory_space<vmem>>) dst(%dma_wait3A_25 : memref<10240x16xf32, #tpu.memory_space<vmem_shared>>)
    }
    %scan3A_13 = arith.constant 80 : i32
    %barrier3A_14 = arith.constant 0 : index
    tpu.barrier barrier_id(%barrier3A_14)
    %mul3A_15 = arith.constant 640 : i32
    %mul3A_16 = arith.muli %arg1, %mul3A_15 : i32
    %mul3A_17 = arith.constant 640 : i32
    %mul3A_18 = arith.muli %arg1, %mul3A_17 : i32
    "tpu.region"() ({
      %run_scoped3A = tpu.sem_alloc : memref<!tpu.dma_semaphore, #tpu.memory_space<semaphore_mem>>
      %dma_start3A = arith.constant 0 : i32
      %dma_start3A_19 = tpu.memref_slice %arg5[%arg0, %mul3A_18, %dma_start3A] : memref<2x10240x16xf32, #tpu.memory_space<hbm>> -> memref<1x640x16xf32, #tpu.memory_space<hbm>>
      %dma_start3A_20 = tpu.memref_squeeze %dma_start3A_19 : memref<1x640x16xf32, #tpu.memory_space<hbm>> -> memref<640x16xf32, #tpu.memory_space<hbm>>
      %dma_start3A_21 = arith.constant 0 : i32
      %dma_start3A_22 = tpu.memref_slice %arg8[%mul3A_16, %dma_start3A_21] : memref<10240x16xf32, #tpu.memory_space<vmem_shared>> -> memref<640x16xf32, #tpu.memory_space<vmem_shared>>
      tpu.enqueue_dma source(%dma_start3A_22 : memref<640x16xf32, #tpu.memory_space<vmem_shared>>) target(%dma_start3A_20 : memref<640x16xf32, #tpu.memory_space<hbm>>) target_semaphore(%run_scoped3A : memref<!tpu.dma_semaphore, #tpu.memory_space<semaphore_mem>>)
      %dma_wait3A = arith.constant 0 : i32
      %dma_wait3A_23 = tpu.memref_slice %arg5[%arg0, %mul3A_18, %dma_wait3A] : memref<2x10240x16xf32, #tpu.memory_space<hbm>> -> memref<1x640x16xf32, #tpu.memory_space<hbm>>
      %dma_wait3A_24 = tpu.memref_squeeze %dma_wait3A_23 : memref<1x640x16xf32, #tpu.memory_space<hbm>> -> memref<640x16xf32, #tpu.memory_space<hbm>>
      %dma_wait3A_25 = arith.constant 0 : i32
      %dma_wait3A_26 = tpu.memref_slice %arg8[%mul3A_16, %dma_wait3A_25] : memref<10240x16xf32, #tpu.memory_space<vmem_shared>> -> memref<640x16xf32, #tpu.memory_space<vmem_shared>>
      tpu.wait_dma2 semaphore(%run_scoped3A : memref<!tpu.dma_semaphore, #tpu.memory_space<semaphore_mem>>) src(%dma_wait3A_26 : memref<640x16xf32, #tpu.memory_space<vmem_shared>>) dst(%dma_wait3A_24 : memref<640x16xf32, #tpu.memory_space<hbm>>)
      tpu.yield
    }) : () -> ()
    return
  }
}

module attributes {stable_mosaic.version = 14 : i64} {
  func.func @body(%arg0: i32, %arg1: memref<512x128xf32, #tpu.memory_space<vmem>>, %arg2: memref<128x128xf32, #tpu.memory_space<vmem>>, %arg3: memref<2x512x16xf32, #tpu.memory_space<vmem>>, %arg4: memref<2x512x64xf32, #tpu.memory_space<vmem>>, %arg5: memref<512x16xf32, #tpu.memory_space<vmem>>) attributes {dimension_semantics = [#tpu.dimension_semantics<arbitrary>], iteration_bounds = array<i64: 20>, scalar_prefetch = 0 : i64, scratch_operands = 0 : i64, tpu.core_type = #tpu.core_type<tc>, window_params = [{transform_indices = @transform_0, window_bounds = array<i64: 512, 128>}, {pipeline_mode = #tpu.pipeline_mode<synchronous>, transform_indices = @transform_1, window_bounds = array<i64: 128, 128>}, {transform_indices = @transform_2, window_bounds = array<i64: 2, 512, 16>}, {transform_indices = @transform_3, window_bounds = array<i64: 2, 512, 64>}, {transform_indices = @transform_4, window_bounds = array<i64: 512, 16>}]} {
    %get3A = arith.constant 0 : index
    %get3A_0 = arith.constant 0 : index
    %get3A_1 = arith.constant 0 : index
    %get3A_2 = vector.load %arg3[%get3A, %get3A_0, %get3A_1] : memref<2x512x16xf32, #tpu.memory_space<vmem>>, vector<2x512x16xf32>
    %slice3A = vector.extract_strided_slice %get3A_2 {offsets = [0, 0, 0], sizes = [1, 512, 1], strides = [1, 1, 1]} : vector<2x512x16xf32> to vector<1x512x1xf32>
    %squeeze3A = vector.shape_cast %slice3A : vector<1x512x1xf32> to vector<512x1xf32>
    %slice3A_3 = vector.extract_strided_slice %get3A_2 {offsets = [1, 0, 0], sizes = [1, 512, 1], strides = [1, 1, 1]} : vector<2x512x16xf32> to vector<1x512x1xf32>
    %squeeze3A_4 = vector.shape_cast %slice3A_3 : vector<1x512x1xf32> to vector<512x1xf32>
    %add3A = arith.addf %squeeze3A, %squeeze3A_4 : vector<512x1xf32>
    %add3A_5 = arith.constant 1.000000e+00 : f32
    %add3A_6 = vector.broadcast %add3A_5 : f32 to vector<512x1xf32>
    %add3A_7 = arith.addf %add3A, %add3A_6 : vector<512x1xf32>
    %rsqrt3A = math.rsqrt %add3A_7 : vector<512x1xf32>
    %get3A_8 = arith.constant 0 : index
    %get3A_9 = arith.constant 0 : index
    %get3A_10 = vector.load %arg1[%get3A_8, %get3A_9] : memref<512x128xf32, #tpu.memory_space<vmem>>, vector<512x128xf32>
    %get3A_11 = arith.constant 0 : index
    %get3A_12 = arith.constant 0 : index
    %get3A_13 = vector.load %arg2[%get3A_11, %get3A_12] : memref<128x128xf32, #tpu.memory_space<vmem>>, vector<128x128xf32>
    %dot_general3A = arith.constant dense<0.000000e+00> : vector<512x128xf32>
    %dot_general3A_14 = tpu.matmul %get3A_10, %get3A_13, %dot_general3A {dimension_numbers = #tpu.dot_dimension_numbers<[1], [0], [0], [1], [0, 0, 1, 1], [], []>, transpose_lhs_hint = false} : vector<512x128xf32>, vector<128x128xf32>, vector<512x128xf32> -> vector<512x128xf32>
    %mul3A = vector.broadcast %rsqrt3A : vector<512x1xf32> to vector<512x128xf32>
    %mul3A_15 = arith.mulf %dot_general3A_14, %mul3A : vector<512x128xf32>
    %slice3A_16 = vector.extract_strided_slice %mul3A_15 {offsets = [0, 0], sizes = [512, 64], strides = [1, 1]} : vector<512x128xf32> to vector<512x64xf32>
    %swap3A = arith.constant 0 : index
    %swap3A_17 = arith.constant 0 : index
    %swap3A_18 = arith.constant 0 : index
    %swap3A_19 = vector.load %arg4[%swap3A, %swap3A_17, %swap3A_18] : memref<2x512x64xf32, #tpu.memory_space<vmem>>, vector<1x512x64xf32>
    %swap3A_20 = vector.shape_cast %swap3A_19 : vector<1x512x64xf32> to vector<512x64xf32>
    %swap3A_21 = vector.shape_cast %slice3A_16 : vector<512x64xf32> to vector<1x512x64xf32>
    tpu.vector_store %arg4[%swap3A, %swap3A_17, %swap3A_18], %swap3A_21 {strides = array<i32>} : memref<2x512x64xf32, #tpu.memory_space<vmem>>, vector<1x512x64xf32>,
    %slice3A_22 = vector.extract_strided_slice %mul3A_15 {offsets = [0, 64], sizes = [512, 64], strides = [1, 1]} : vector<512x128xf32> to vector<512x64xf32>
    %swap3A_23 = arith.constant 1 : index
    %swap3A_24 = arith.constant 0 : index
    %swap3A_25 = arith.constant 0 : index
    %swap3A_26 = vector.load %arg4[%swap3A_23, %swap3A_24, %swap3A_25] : memref<2x512x64xf32, #tpu.memory_space<vmem>>, vector<1x512x64xf32>
    %swap3A_27 = vector.shape_cast %swap3A_26 : vector<1x512x64xf32> to vector<512x64xf32>
    %swap3A_28 = vector.shape_cast %slice3A_22 : vector<512x64xf32> to vector<1x512x64xf32>
    tpu.vector_store %arg4[%swap3A_23, %swap3A_24, %swap3A_25], %swap3A_28 {strides = array<i32>} : memref<2x512x64xf32, #tpu.memory_space<vmem>>, vector<1x512x64xf32>,
    %broadcast_in_dim3A = vector.shape_cast %rsqrt3A : vector<512x1xf32> to vector<512x1xf32>
    %broadcast_in_dim3A_29 = vector.broadcast %broadcast_in_dim3A : vector<512x1xf32> to vector<512x16xf32>
    %swap3A_30 = arith.constant 0 : index
    %swap3A_31 = arith.constant 0 : index
    %swap3A_32 = vector.load %arg5[%swap3A_30, %swap3A_31] : memref<512x16xf32, #tpu.memory_space<vmem>>, vector<512x16xf32>
    tpu.vector_store %arg5[%swap3A_30, %swap3A_31], %broadcast_in_dim3A_29 {strides = array<i32>} : memref<512x16xf32, #tpu.memory_space<vmem>>, vector<512x16xf32>,
    return
  }
  func.func @transform_0(%arg0: i32) -> (i32, i32) {
    %c0_i32 = arith.constant 0 : i32
    %c0_i32_0 = arith.constant 0 : i32
    return %arg0, %c0_i32 : i32, i32
  }
  func.func @transform_1(%arg0: i32) -> (i32, i32) {
    %c0_i32 = arith.constant 0 : i32
    %c0_i32_0 = arith.constant 0 : i32
    %c0_i32_1 = arith.constant 0 : i32
    return %c0_i32, %c0_i32_0 : i32, i32
  }
  func.func @transform_2(%arg0: i32) -> (i32, i32, i32) {
    %c0_i32 = arith.constant 0 : i32
    %c0_i32_0 = arith.constant 0 : i32
    %c0_i32_1 = arith.constant 0 : i32
    return %c0_i32, %arg0, %c0_i32_0 : i32, i32, i32
  }
  func.func @transform_3(%arg0: i32) -> (i32, i32, i32) {
    %c0_i32 = arith.constant 0 : i32
    %c0_i32_0 = arith.constant 0 : i32
    %c0_i32_1 = arith.constant 0 : i32
    return %c0_i32, %arg0, %c0_i32_0 : i32, i32, i32
  }
  func.func @transform_4(%arg0: i32) -> (i32, i32) {
    %c0_i32 = arith.constant 0 : i32
    %c0_i32_0 = arith.constant 0 : i32
    return %arg0, %c0_i32 : i32, i32
  }
}

module attributes {stable_mosaic.version = 14 : i64} {
  func.func @body(%arg0: i32, %arg1: memref<2x512x64xf32, #tpu.memory_space<vmem>>, %arg2: memref<2x512x64xf32, #tpu.memory_space<vmem>>, %arg3: memref<512x16xf32, #tpu.memory_space<vmem>>, %arg4: memref<128x128xf32, #tpu.memory_space<vmem>>, %arg5: memref<1x128xf32, #tpu.memory_space<vmem>>, %arg6: memref<512x128xf32, #tpu.memory_space<vmem>>) attributes {dimension_semantics = [#tpu.dimension_semantics<arbitrary>], iteration_bounds = array<i64: 20>, scalar_prefetch = 0 : i64, scratch_operands = 0 : i64, tpu.core_type = #tpu.core_type<tc>, window_params = [{transform_indices = @transform_0, window_bounds = array<i64: 2, 512, 64>}, {transform_indices = @transform_1, window_bounds = array<i64: 2, 512, 64>}, {transform_indices = @transform_2, window_bounds = array<i64: 512, 16>}, {pipeline_mode = #tpu.pipeline_mode<synchronous>, transform_indices = @transform_3, window_bounds = array<i64: 128, 128>}, {pipeline_mode = #tpu.pipeline_mode<synchronous>, transform_indices = @transform_4, window_bounds = array<i64: 1, 128>}, {transform_indices = @transform_5, window_bounds = array<i64: 512, 128>}]} {
    %get3A = arith.constant 0 : index
    %get3A_0 = arith.constant 0 : index
    %get3A_1 = vector.load %arg3[%get3A, %get3A_0] : memref<512x16xf32, #tpu.memory_space<vmem>>, vector<512x1xf32>
    %get3A_2 = arith.constant 0 : index
    %get3A_3 = arith.constant 0 : index
    %get3A_4 = arith.constant 0 : index
    %get3A_5 = vector.load %arg1[%get3A_2, %get3A_3, %get3A_4] : memref<2x512x64xf32, #tpu.memory_space<vmem>>, vector<1x512x64xf32>
    %get3A_6 = vector.shape_cast %get3A_5 : vector<1x512x64xf32> to vector<512x64xf32>
    %get3A_7 = arith.constant 1 : index
    %get3A_8 = arith.constant 0 : index
    %get3A_9 = arith.constant 0 : index
    %get3A_10 = vector.load %arg1[%get3A_7, %get3A_8, %get3A_9] : memref<2x512x64xf32, #tpu.memory_space<vmem>>, vector<1x512x64xf32>
    %get3A_11 = vector.shape_cast %get3A_10 : vector<1x512x64xf32> to vector<512x64xf32>
    %concatenate3A = tpu.concatenate %get3A_6, %get3A_11 in 1 : vector<512x64xf32>, vector<512x64xf32> -> vector<512x128xf32>
    %get3A_12 = arith.constant 0 : index
    %get3A_13 = arith.constant 0 : index
    %get3A_14 = arith.constant 0 : index
    %get3A_15 = vector.load %arg2[%get3A_12, %get3A_13, %get3A_14] : memref<2x512x64xf32, #tpu.memory_space<vmem>>, vector<1x512x64xf32>
    %get3A_16 = vector.shape_cast %get3A_15 : vector<1x512x64xf32> to vector<512x64xf32>
    %get3A_17 = arith.constant 1 : index
    %get3A_18 = arith.constant 0 : index
    %get3A_19 = arith.constant 0 : index
    %get3A_20 = vector.load %arg2[%get3A_17, %get3A_18, %get3A_19] : memref<2x512x64xf32, #tpu.memory_space<vmem>>, vector<1x512x64xf32>
    %get3A_21 = vector.shape_cast %get3A_20 : vector<1x512x64xf32> to vector<512x64xf32>
    %concatenate3A_22 = tpu.concatenate %get3A_16, %get3A_21 in 1 : vector<512x64xf32>, vector<512x64xf32> -> vector<512x128xf32>
    %add3A = arith.addf %concatenate3A, %concatenate3A_22 : vector<512x128xf32>
    %mul3A = vector.broadcast %get3A_1 : vector<512x1xf32> to vector<512x128xf32>
    %mul3A_23 = arith.mulf %add3A, %mul3A : vector<512x128xf32>
    %get3A_24 = arith.constant 0 : index
    %get3A_25 = arith.constant 0 : index
    %get3A_26 = vector.load %arg4[%get3A_24, %get3A_25] : memref<128x128xf32, #tpu.memory_space<vmem>>, vector<128x128xf32>
    %dot_general3A = arith.constant dense<0.000000e+00> : vector<512x128xf32>
    %dot_general3A_27 = tpu.matmul %mul3A_23, %get3A_26, %dot_general3A {dimension_numbers = #tpu.dot_dimension_numbers<[1], [0], [0], [1], [0, 0, 1, 1], [], []>, transpose_lhs_hint = false} : vector<512x128xf32>, vector<128x128xf32>, vector<512x128xf32> -> vector<512x128xf32>
    %get3A_28 = arith.constant 0 : index
    %get3A_29 = arith.constant 0 : index
    %get3A_30 = vector.load %arg5[%get3A_28, %get3A_29] : memref<1x128xf32, #tpu.memory_space<vmem>>, vector<1x128xf32>
    %add3A_31 = vector.broadcast %get3A_30 : vector<1x128xf32> to vector<512x128xf32>
    %add3A_32 = arith.addf %dot_general3A_27, %add3A_31 : vector<512x128xf32>
    %swap3A = arith.constant 0 : index
    %swap3A_33 = arith.constant 0 : index
    %swap3A_34 = vector.load %arg6[%swap3A, %swap3A_33] : memref<512x128xf32, #tpu.memory_space<vmem>>, vector<512x128xf32>
    tpu.vector_store %arg6[%swap3A, %swap3A_33], %add3A_32 {strides = array<i32>} : memref<512x128xf32, #tpu.memory_space<vmem>>, vector<512x128xf32>,
    return
  }
  func.func @transform_0(%arg0: i32) -> (i32, i32, i32) {
    %c0_i32 = arith.constant 0 : i32
    %c0_i32_0 = arith.constant 0 : i32
    %c0_i32_1 = arith.constant 0 : i32
    return %c0_i32, %arg0, %c0_i32_0 : i32, i32, i32
  }
  func.func @transform_1(%arg0: i32) -> (i32, i32, i32) {
    %c0_i32 = arith.constant 0 : i32
    %c0_i32_0 = arith.constant 0 : i32
    %c0_i32_1 = arith.constant 0 : i32
    return %c0_i32, %arg0, %c0_i32_0 : i32, i32, i32
  }
  func.func @transform_2(%arg0: i32) -> (i32, i32) {
    %c0_i32 = arith.constant 0 : i32
    %c0_i32_0 = arith.constant 0 : i32
    return %arg0, %c0_i32 : i32, i32
  }
  func.func @transform_3(%arg0: i32) -> (i32, i32) {
    %c0_i32 = arith.constant 0 : i32
    %c0_i32_0 = arith.constant 0 : i32
    %c0_i32_1 = arith.constant 0 : i32
    return %c0_i32, %c0_i32_0 : i32, i32
  }
  func.func @transform_4(%arg0: i32) -> (i32, i32) {
    %c0_i32 = arith.constant 0 : i32
    %c0_i32_0 = arith.constant 0 : i32
    %c0_i32_1 = arith.constant 0 : i32
    return %c0_i32, %c0_i32_0 : i32, i32
  }
  func.func @transform_5(%arg0: i32) -> (i32, i32) {
    %c0_i32 = arith.constant 0 : i32
    %c0_i32_0 = arith.constant 0 : i32
    return %arg0, %c0_i32 : i32, i32
  }
}

</mosaic_0001>

<sc_bundles>
// kernel: kernel.6.cloned.1.call-start
scs
__scs_entry_jumppad:
0x0: {  	(pc) =	sbr.rel $0x88, $3  }
0x1: {  	(tag) =	ssettag $0x0;
	lr =	simm.s32 $0x1  }
0x2: {  	[smem:$0x3F99] =	sst lr;
	_ =	strace $0xD0000000  }
0x3: {  	_ = 	snop  }
0x4: {  	_ = 	snop  }
0x5: {  	_ = 	snop  }
0x6: {  	_ = 	snop  }
0x7: {  	_ = 	snop  }
__scs_overlays_trampoline_lowered:
0x8: {  	[smem:$0x3FA8] =	sst s0  }
0x9: {  	[smem:$0x3FA9] =	sst s1  }
0xa: {  	[smem:$0x3FAA] =	sst s2  }
0xb: {  	[smem:$0x3FAB] =	sst s3  }
0xc: {  	[smem:$0x3FAC] =	sst s4  }
0xd: {  	[smem:$0x3FAD] =	sst s5  }
0xe: {  	[smem:$0x3FAE] =	sst s6  }
0xf: {  	[smem:$0x3FAF] =	sst s7  }
0x10: {  	[smem:$0x3FB0] =	sst s8  }
0x11: {  	[smem:$0x3FB1] =	sst s9;
	s0 =	simm.s32 @!p0 $0x0  }
0x12: {  	s1 =	sld [smem:$0x3F97];
	s0 =	simm.s32 @p0 $0x1  }
0x13: {  	[smem:$0x3FB2] =	sst s0;
	s0 =	simm.s32 @!p1 $0x0  }
0x14: {  	s2 =	sld [smem:$0x3F96];
	s0 =	simm.s32 @p1 $0x1  }
0x15: {  	[smem:$0x3FB3] =	sst s0;
	s0 =	simm.s32 @!p2 $0x0  }
0x16: {  	s3 =	sld [smem:$0x3FDB];
	s0 =	simm.s32 @p2 $0x1  }
0x17: {  	s4 =	simm.s32 $0x1BF5;
	[smem:$0x3FB5] =	sst s0  }
0x18: {  	s0 =	sld [smem:$0x3F98];
	_ =	swait.ge [sflag:s4], $0x0  }
0x19: {  	s7 =	sld [smem:$0x3F99]  }
0x1a: {  	s8 =	sadd.s32 $0xFFFFE003, lr  }
0x1b: {  	s9 =	sadd.s32 $0xFFFFFEF7, lr;
	s5 =	simm.s32 $0xFFFFFFFF;
	p2 =	slt.u32 s8, $0xFFFFF086  }
0x1c: {  	p1 =	slt.u32 s9, $0xF7A;
	s5 =	simm.s32 @!p2 $0x0  }
0x1d: {  	s5 =	simm.s32 @p1 $0x1;
	p0 =	seq.s32 s7, s2  }
0x1e: {  	s7 =	smul.u32 @!p0 $0xF7A, s2;
	p2 =	seq.s32 @!p0 s5, $0x0  }
0x1f: {  	s9 =	smul.u32 $0xF7A, s1;
	s8 =	simm.s32 @!p0 $0x1BF5;
	p2 =	por !p2, p0  }
0x20: {  	[sflag:s8] =	ssyncset.s32 @!p0 $0xFFFFF086;
	s6 =	sadd.s32 @!p0 s3, s7;
	s7 =	simm.s32 @!p0 $0x108  }
0x21: {  	s3 =	sadd.s32 s3, s9;
	s6 =	sadd.s32 @!p0 $0x88, s6;
	s7 =	simm.s32 @p2 $0x1082  }
0x22: {  	[simem:s7], [sflag:s8] =	dma.local @!p0 [hbm:s6], $0xF7A  }
0x23: {  	s9 =	sor.u32 $0xD0000000, s2;
	s6 =	simm.s32 $0x108;
	_ =	swait.ge @!p0 [sflag:s8], $0x0  }
0x24: {  	s3 =	sadd.s32 $0x88, s3;
	s6 =	simm.s32 @!p1 $0x1082;
	[sflag:s4] =	ssyncset.s32 $0xFFFFF086  }
0x25: {  	[simem:s6], [sflag:s4] =	dma.local [hbm:s3], $0xF7A  }
0x26: {  	[smem:$0x3F99] =	sst s1;
	(tag) =	ssettag s2;
	_ =	strace s9  }
0x27: {  	s1 =	sld [smem:$0x3FA9]  }
0x28: {  	s2 =	sld [smem:$0x3FAA]  }
0x29: {  	s4 =	sld [smem:$0x3FAC]  }
0x2a: {  	p0 =	seq.s32 s5, $0x0;
	s5 =	sld [smem:$0x3FAD]  }
0x2b: {  	s6 =	sld [smem:$0x3FAE]  }
0x2c: {  	s7 =	sld [smem:$0x3FAF]  }
0x2d: {  	s3 =	simm.s32 $0x108;
	s8 =	sld [smem:$0x3FB0]  }
0x2e: {  	s3 =	simm.s32 @!p0 $0x1082;
	s9 =	sld [smem:$0x3FB1]  }
0x2f: {  	lr =	sadd.s32 s0, s3;
	s0 =	sld [smem:$0x3FA8]  }
0x30: {  	s3 =	sld [smem:$0x3FAB]  }
0x31: {  	[smem:$0x3FB4] =	sst s10  }
0x32: {  	s10 =	sld [smem:$0x3FB2];
	_ =	sdelay $0x3  }
0x33: {  	p0 =	seq.s32 s10, $0x1;
	s10 =	sld [smem:$0x3FB4];
	_ =	sdelay $0x3  }
0x34: {  	[smem:$0x3FB4] =	sst s10  }
0x35: {  	s10 =	sld [smem:$0x3FB3];
	_ =	sdelay $0x3  }
0x36: {  	p1 =	seq.s32 s10, $0x1;
	s10 =	sld [smem:$0x3FB4];
	_ =	sdelay $0x3  }
0x37: {  	[smem:$0x3FB4] =	sst s10  }
0x38: {  	s10 =	sld [smem:$0x3FB5]  }
0x39: {  	_ = 	snop;
	(pc) =	sbr.ind lr, $3  }
0x3a: {  	_ = 	snop  }
0x3b: {  	_ = 	snop  }
0x3c: {  	p2 =	seq.s32 s10, $0x1;
	s10 =	sld [smem:$0x3FB4]  }
0x3d: {  	_ =	shalt  }
0x3e: {  	_ =	shalt  }
0x3f: {  	_ =	shalt  }
0x40: {  	_ =	shalt  }
0x41: {  	_ =	shalt  }
0x42: {  	_ =	shalt  }
0x43: {  	_ =	shalt  }
0x44: {  	_ =	shalt  }
0x45: {  	_ =	shalt  }
0x46: {  	_ =	shalt  }
0x47: {  	_ =	shalt  }
0x48: {  	_ =	shalt  }
0x49: {  	_ =	shalt  }
0x4a: {  	_ =	shalt  }
0x4b: {  	_ =	shalt  }
0x4c: {  	_ =	shalt  }
0x4d: {  	_ =	shalt  }
0x4e: {  	_ =	shalt  }
0x4f: {  	_ =	shalt  }
0x50: {  	_ =	shalt  }
0x51: {  	_ =	shalt  }
0x52: {  	_ =	shalt  }
0x53: {  	_ =	shalt  }
0x54: {  	_ =	shalt  }
0x55: {  	_ =	shalt  }
0x56: {  	_ =	shalt  }
0x57: {  	_ =	shalt  }
0x58: {  	_ =	shalt  }
0x59: {  	_ =	shalt  }
0x5a: {  	_ =	shalt  }
0x5b: {  	_ =	shalt  }
0x5c: {  	_ =	shalt  }
0x5d: {  	_ =	shalt  }
0x5e: {  	_ =	shalt  }
0x5f: {  	_ =	shalt  }
0x60: {  	_ =	shalt  }
0x61: {  	_ =	shalt  }
0x62: {  	_ =	shalt  }
0x63: {  	_ =	shalt  }
0x64: {  	_ =	shalt  }
0x65: {  	_ =	shalt  }
0x66: {  	_ =	shalt  }
0x67: {  	_ =	shalt  }
0x68: {  	_ =	shalt  }
0x69: {  	_ =	shalt  }
0x6a: {  	_ =	shalt  }
0x6b: {  	_ =	shalt  }
0x6c: {  	_ =	shalt  }
0x6d: {  	_ =	shalt  }
0x6e: {  	_ =	shalt  }
0x6f: {  	_ =	shalt  }
0x70: {  	_ =	shalt  }
0x71: {  	_ =	shalt  }
0x72: {  	_ =	shalt  }
0x73: {  	_ =	shalt  }
0x74: {  	_ =	shalt  }
0x75: {  	_ =	shalt  }
0x76: {  	_ =	shalt  }
0x77: {  	_ =	shalt  }
0x78: {  	_ =	shalt  }
0x79: {  	_ =	shalt  }
0x7a: {  	_ =	shalt  }
0x7b: {  	_ =	shalt  }
0x7c: {  	_ =	shalt  }
0x7d: {  	_ =	shalt  }
0x7e: {  	_ =	shalt  }
0x7f: {  	_ =	shalt  }
0x80: {  	_ =	shalt  }
0x81: {  	_ =	shalt  }
0x82: {  	_ =	shalt  }
0x83: {  	_ =	shalt  }
0x84: {  	_ =	shalt  }
0x85: {  	_ =	shalt  }
0x86: {  	_ =	shalt  }
0x87: {  	_ =	shalt  }
.Lfunc_end0:
.L_simem_size_0:
called_computation_lowered:
.L_overlay_start_0:
0x88: {  	s2 =	sld [smem:$0x3FD9]  }
0x89: {  	s3 =	sld [smem:$0x3FFE];
	_ =	sdelay $0x1  }
0x8a: {  	s1 =	srdreg.scid  }
0x8b: {  	s0 =	sand.u32 $0x1, s1  }
0x8c: {  	s14 =	sshll.u32 s0, $0xA;
	s2 =	sadd.s32 s3, s2  }
0x8d: {  	s2 =	sadd.s32 s2, s14  }
0x8e: {  	[smem:$0x3FC0] =	sst s2  }
0x8f: {  	_ = 	snop  }
0x90: {  	s2 =	sld [smem:$0x3FD0];
	_ =	sdelay $0x2  }
0x91: {  	s15 =	simm.s32 $0xA;
	s4 =	simm.s32 $0x10  }
0x92: {  	[smem:s4], [sflag:s15] =	dma.local [hbm:s2], $0x1  }
0x93: {  	_ =	swait.eq [sflag:s15], $0x1  }
0x94: {  	[sflag:s15] =	ssyncset.done $0x0  }
0x95: {  	[sflag:s15] =	ssyncadd.s32 $0xFFFFFFFF  }
0x96: {  	s16 =	sld [smem:$0x10];
	(tm) =	ssettm $0x1  }
0x97: {  	s17 =	sld [smem:$0x3FFB];
	_ =	sdelay $0x3  }
0x98: {  	_ =	strace s17  }
0x99: {  	s3 =	sld [smem:$0x3FFC];
	_ =	sdelay $0x3  }
0x9a: {  	_ =	strace s3  }
0x9b: {  	s3 =	sld [smem:$0x3FFD];
	_ =	sdelay $0x3  }
0x9c: {  	_ =	strace s3  }
0x9d: {  	_ =	strace $0x8FFFFFFF  }
0x9e: {  	s18 =	sld [smem:$0x3FDB];
	_ =	sdelay $0x1  }
0x9f: {  	s19 =	simm.s32 $_scs_section_size  }
0xa0: {  	s5 =	simm.s32 $_size__tile_overlayer_lowered;
	s6 =	simm.s32 $_tile_overlayer_lowered  }
0xa1: {  	s22 =	simm.s32 $0x1BFF;
	s21 =	sshll.u32 s6, $0x1;
	s3 =	sadd.s32 s19, s18  }
0xa2: {  	s7 =	simm.s32 $0x0;
	s20 =	sshll.u32 s5, $0x1;
	s5 =	sadd.s32 s21, s3  }
0xa3: {  	[timem:s7], [sflag:s22] =	dma.local [hbm:s5], s20  }
0xa4: {  	_ =	swait.ge [sflag:s22], s20  }
0xa5: {  	s4 =	ssub.s32 $0x0, s20;
	[sflag:s22] =	ssyncset.done $0x0  }
0xa6: {  	[sflag:s22] =	ssyncadd.s32 s4;
	_ =	sdelay $0x1  }
0xa7: {  	s23 =	simm.s32 $0x1B8B  }
0xa8: {  	_ =	swait.ge [sflag:s23], $0x1  }
0xa9: {  	[sflag:s23] =	ssyncset.done $0x0  }
0xaa: {  	s25 =	simm.s32 $0x1B8E;
	s24 =	sld [smem:$0x3FFE];
	[sflag:s23] =	ssyncadd.s32 $0xFFFFFFFF  }
0xab: {  	s26 =	simm.s32 $execute0_lowered;
	[smem:$0x3FD2] =	sst s25  }
0xac: {  	s5 =	sshll.u32 s26, $0x1;
	_ =	strace $0x80000046;
	[dreg:$0x1] =	wrdreg $0xFFFFFFFF  }
0xad: {  	s28 =	simm.s32 $_size_execute0_lowered;
	s3 =	sadd.s32 s3, s5;
	[dreg:$0x0] =	wrdreg $0x0  }
0xae: {  	s5 =	sshll.u32 s28, $0x1;
	[dreg:$0x2] =	wrdreg s3  }
0xaf: {  	[dreg:$0x3] =	wrdreg s5  }
0xb0: {  	[dreg:$0x4] =	wrdreg $0xC0  }
0xb1: {  	_ =	task [dreg:s7], $0x5FFFF  }
0xb2: {  	[dreg:$0x1] =	wrdreg $0xFFFFFFFF  }
0xb3: {  	[dreg:$0x0] =	wrdreg $0x60  }
0xb4: {  	[dreg:$0x2] =	wrdreg s16  }
0xb5: {  	[dreg:$0x3] =	wrdreg s24  }
0xb6: {  	[dreg:$0x4] =	wrdreg $0x58000  }
0xb7: {  	[dreg:$0x5] =	wrdreg $0x9  }
0xb8: {  	_ =	task.clear_ibuf [dreg:s7], $0x6FFFF;
	_ =	strace $0x90000046  }
0xb9: {  	s29 =	simm.s32 $0x9;
	_ =	strace $0x80000048  }
0xba: {  	_ =	swait.ge [sflag:s29], $0x1  }
0xbb: {  	[sflag:s29] =	ssyncadd.s32 $0xFFFFFFFF  }
0xbc: {  	_ =	strace $0x90000048  }
0xbd: {  	_ =	sfence  }
0xbe: {  	s30 =	sld [smem:$0x0];
	_ =	sdelay $0x2  }
0xbf: {  	s31 =	sshll.u32 s1, $0xD;
	s1 =	sshrl.u32 s1, $0x2  }
0xc0: {  	s3 =	sand.u32 $0x4000, s31;
	s1 =	sadd.s32 s1, s30  }
0xc1: {  	s0 =	sor.u32 s3, s0;
	s1 =	sshll.u32 s1, $0x11  }
0xc2: {  	s0 =	sor.u32 s1, s0  }
0xc3: {  	s0 =	sadd.s32 $0x8F2B, s0  }
0xc4: {  	[sflag:s0] =	ssyncadd.remote.s32 $0x1  }
0xc5: {  	_ =	sfence.sel $0xFFFF  }
0xc6: {  	[dreg:$0x0] =	wrdreg $0xFFFFFFFF;
	(pc) =	sbr.abs _section_cstart, $3  }
0xc7: {  	[dreg:$0x1] =	wrdreg $0xFFFFFFFF  }
0xc8: {  	_ =	task.clear_ibuf [dreg:s7], $0x2FFFF;
	_ =	strace $0x9FFFFFFF  }
0xc9: {  	(tm) =	ssettm $0x7FFFFFFF  }
tec
execute0_lowered:
.L_overlay_start_1:
0x0: {  	(tag) =	ssettag $0x1  }
0x1: {  	s7 =	rddreg [dreg:$0x0]  }
0x2: {  	s5 =	rddreg [dreg:$0x1]  }
0x3: {  	s2 =	rddreg [dreg:$0x2]  }
0x4: {  	s0 =	rddreg [dreg:$0x3]  }
0x5: {  	s1 =	stileid.u32;
	s4 =	srdreg.scid;
	s3 =	simm.s32 $0x0  }
0x6: {  	s15 =	simm.s32 $0x1;
	s16 =	simm.s32 $0x0;
	s6 =	smul.u32 $0x2800, s1  }
0x7: {  	s8 =	sand.u32 $0x1, s4;
	[smem:$0x7FF] =	sst s3;
	s30 =	smul.u32 $0xA00, s1  }
0x8: {  	s31 =	sshll.u32 s1, $0x6;
	s4 =	smul.u32 $0x28000, s8;
	_ =	strace $0x80000047  }
0x9: {  	s11 =	ssub.s32 $0x2, s8;
	s14 =	smul.u32 $0xA000, s8;
	s9 =	sshrl.u32 s6, $0x3  }
0xa: {  	s12 =	sshrl.u32 s11, $0x1;
	s13 =	sadd.s32 s6, s2;
	s7 =	sadd.s32 s7, s30  }
0xb: {  	s9 =	sadd.s32 s9, s5;
	s10 =	sadd.s32 s6, s4;
	s4 =	sadd.s32 $0x7200, s5  }
0xc: {  	s11 =	ssub.s32 s11, s12;
	s6 =	sor.u32 $0x1C02, s31;
	s10 =	sshrl.u32 s10, $0x3  }
0xd: {  	s12 =	simm.s32 $0x2;
	s10 =	sadd.s32 s10, s5;
	s5 =	sadd.s32 $0x2200, s9  }
0xe: {  	s9 =	smax.u32 s11, $0x1;
	s11 =	sshrl.u32 s13, $0x3;
	s13 =	simm.s32 $0x5000  }
0xf: {  	s8 =	sadd.s32 $0x7400, s10;
	s10 =	sshrl.u32 s14, $0x2;
	s14 =	simm.s32 $0x80  }
.LBB2_1:
0x10: {  	[spmem:s11], [sflag:s6] =	dma.local [hbm:s5], $0x500  }
0x11: {  	_ =	swait.ge [sflag:s12], $0x500  }
0x12: {  	[sflag:s12] =	ssyncset.done $0x0  }
0x13: {  	[sflag:s12] =	ssyncadd.s32 $0xFFFFFB00  }
0x14: {  	[tilespmem:s3], [sflag:$0x2] =	stream.linear.gather [hbm4b:s7+s3], $0x5000, $0x38;
	[tilespmem:$0x8000] =	vst v63  }
0x15: {  	_ =	swait.ge [sflag:s12], $0x5000  }
0x16: {  	[sflag:s12] =	ssyncset.done $0x0  }
0x17: {  	[sflag:s12] =	ssyncadd.s32 $0xFFFFB000  }
0x18: {  	[tilespmem:s13], [sflag:$0x2] =	stream.linear.gather [hbm4b:s4+s3], $0x800, $0x38;
	[tilespmem:$0x8000] =	vst v63  }
0x19: {  	_ =	swait.ge [sflag:s12], $0x800  }
0x1a: {  	[sflag:s12] =	ssyncset.done $0x0  }
0x1b: {  	[sflag:s12] =	ssyncadd.s32 $0xFFFFF800  }
0x1c: {  	s17 =	simm.s32 $0x0;
	[bflag:$0x0] =	sbarrier.arrive $0xFFFF  }
.LBB2_2:
0x1d: {  	p0 =	sne.s32 s17, $0x9E00  }
.Ltmp0:
0x1e: {  	_ = 	snop;
	(pc) =	sbr.rel @p0 .LBB2_2-.Ltmp0, $4  }
0x1f: {  	_ = 	snop  }
0x20: {  	s18 =	sshra.s32 s17, $0x2  }
0x21: {  	s17 =	sadd.s32 $0x200, s17;
	s18 =	sadd.s32 s18, s10  }
0x22: {  	[spmem:s2] =	stream.indirect.scatter.add.f32 [tilespmem:s13], [sflag:$0x1], $0x10, s18, s14, $0xb8;
	[tilespmem:$0x8000] =	vst v63  }
0x23: {  	_ =	swait.ge [sflag:s15], $0x800  }
0x24: {  	s17 =	simm.s32 $0x4F;
	[sflag:s15] =	ssyncset.done $0x0  }
.LBB2_4:
0x25: {  	p0 =	sne.s32 s17, $0x1;
	s17 =	sadd.s32 $0xFFFFFFFF, s17;
	[sflag:s15] =	ssyncadd.s32 $0xFFFFF800  }
.Ltmp1:
0x26: {  	(pc) =	sbr.rel @p0 .LBB2_4-.Ltmp1, $3  }
0x27: {  	_ =	sdelay $0x1  }
0x28: {  	_ =	swait.ge [sflag:s15], $0x800  }
0x29: {  	[sflag:s15] =	ssyncset.done $0x0  }
0x2a: {  	s16 =	sadd.s32 $0x1, s16  }
0x2b: {  	[sflag:s15] =	ssyncadd.s32 $0xFFFFF800;
	p0 =	sne.s32 s16, s9  }
.Ltmp2:
0x2c: {  	[bflag:$0x0] =	sbarrier.arrive $0xFFFF;
	(pc) =	sbr.rel @p0 .LBB2_1-.Ltmp2, $4  }
0x2d: {  	[hbm:s8], [sflag:s6] =	dma.local [spmem:s11], $0x500  }
0x2e: {  	_ =	swait.ge [sflag:s12], $0x500  }
0x2f: {  	[sflag:s12] =	ssyncset.done $0x0  }
0x30: {  	[sflag:s12] =	ssyncadd.s32 $0xFFFFFB00  }
0x31: {  	_ =	sfence.sel $0x180000  }
0x32: {  	[bflag:$0x0] =	sbarrier.arrive $0xFFFF  }
0x33: {  	p0 =	sne.s32 s1, $0x0;
	_ =	strace $0x90000047  }
0x34: {  	s0 =	sadd.s32 @!p0 $0x100000, s0;
	[bflag:$0x2] =	sbarrier.arrive $0xFFFF  }
0x35: {  	[sflag:s0] =	ssyncadd.tile.s32 @!p0 $0x1;
	_ =	shalt  }
.Lfunc_end2:
_tile_overlayer_lowered:
.L_overlay_start_2:
0x36: {  	(tag) =	ssettag $0x2  }
0x37: {  	s0 =	rddreg [dreg:$0x0];
	s2 =	stileid.u32  }
0x38: {  	s1 =	rddreg [dreg:$0x1];
	p0 =	sne.s32 s2, $0x0  }
0x39: {  	s3 =	rddreg [dreg:$0x2];
	[bflag:$0x3] =	sbarrier.arrive $0xFFFF;
	s2 =	simm.s32 @!p0 $0x1C02  }
0x3a: {  	[timem:s3], [sflag:s2] =	dma.local @!p0 [hbm:s0], s1  }
0x3b: {  	s0 =	simm.s32 @!p0 $0x2  }
0x3c: {  	_ =	swait.ge @!p0 [sflag:s0], s1  }
0x3d: {  	s1 =	ssub.s32 @!p0 $0x0, s1;
	[sflag:s0] =	ssyncset.done @!p0 $0x0  }
0x3e: {  	[sflag:s0] =	ssyncadd.s32 @!p0 s1  }
0x3f: {  	[bflag:$0x3] =	sbarrier.arrive $0xFFFF  }
0x40: {  	_ =	shalt  }

// kernel: kernel.9.cloned.1.call-start
scs
__scs_entry_jumppad:
0x0: {  	(pc) =	sbr.rel $0x88, $3  }
0x1: {  	(tag) =	ssettag $0x0;
	lr =	simm.s32 $0x1  }
0x2: {  	[smem:$0x3F99] =	sst lr;
	_ =	strace $0xD0000000  }
0x3: {  	_ = 	snop  }
0x4: {  	_ = 	snop  }
0x5: {  	_ = 	snop  }
0x6: {  	_ = 	snop  }
0x7: {  	_ = 	snop  }
__scs_overlays_trampoline_lowered:
0x8: {  	[smem:$0x3FA8] =	sst s0  }
0x9: {  	[smem:$0x3FA9] =	sst s1  }
0xa: {  	[smem:$0x3FAA] =	sst s2  }
0xb: {  	[smem:$0x3FAB] =	sst s3  }
0xc: {  	[smem:$0x3FAC] =	sst s4  }
0xd: {  	[smem:$0x3FAD] =	sst s5  }
0xe: {  	[smem:$0x3FAE] =	sst s6  }
0xf: {  	[smem:$0x3FAF] =	sst s7  }
0x10: {  	[smem:$0x3FB0] =	sst s8  }
0x11: {  	[smem:$0x3FB1] =	sst s9;
	s0 =	simm.s32 @!p0 $0x0  }
0x12: {  	s1 =	sld [smem:$0x3F97];
	s0 =	simm.s32 @p0 $0x1  }
0x13: {  	[smem:$0x3FB2] =	sst s0;
	s0 =	simm.s32 @!p1 $0x0  }
0x14: {  	s2 =	sld [smem:$0x3F96];
	s0 =	simm.s32 @p1 $0x1  }
0x15: {  	[smem:$0x3FB3] =	sst s0;
	s0 =	simm.s32 @!p2 $0x0  }
0x16: {  	s3 =	sld [smem:$0x3FDB];
	s0 =	simm.s32 @p2 $0x1  }
0x17: {  	s4 =	simm.s32 $0x1BF5;
	[smem:$0x3FB5] =	sst s0  }
0x18: {  	s0 =	sld [smem:$0x3F98];
	_ =	swait.ge [sflag:s4], $0x0  }
0x19: {  	s7 =	sld [smem:$0x3F99]  }
0x1a: {  	s8 =	sadd.s32 $0xFFFFE003, lr  }
0x1b: {  	s9 =	sadd.s32 $0xFFFFFEF7, lr;
	s5 =	simm.s32 $0xFFFFFFFF;
	p2 =	slt.u32 s8, $0xFFFFF086  }
0x1c: {  	p1 =	slt.u32 s9, $0xF7A;
	s5 =	simm.s32 @!p2 $0x0  }
0x1d: {  	s5 =	simm.s32 @p1 $0x1;
	p0 =	seq.s32 s7, s2  }
0x1e: {  	s7 =	smul.u32 @!p0 $0xF7A, s2;
	p2 =	seq.s32 @!p0 s5, $0x0  }
0x1f: {  	s9 =	smul.u32 $0xF7A, s1;
	s8 =	simm.s32 @!p0 $0x1BF5;
	p2 =	por !p2, p0  }
0x20: {  	[sflag:s8] =	ssyncset.s32 @!p0 $0xFFFFF086;
	s6 =	sadd.s32 @!p0 s3, s7;
	s7 =	simm.s32 @!p0 $0x108  }
0x21: {  	s3 =	sadd.s32 s3, s9;
	s6 =	sadd.s32 @!p0 $0x88, s6;
	s7 =	simm.s32 @p2 $0x1082  }
0x22: {  	[simem:s7], [sflag:s8] =	dma.local @!p0 [hbm:s6], $0xF7A  }
0x23: {  	s9 =	sor.u32 $0xD0000000, s2;
	s6 =	simm.s32 $0x108;
	_ =	swait.ge @!p0 [sflag:s8], $0x0  }
0x24: {  	s3 =	sadd.s32 $0x88, s3;
	s6 =	simm.s32 @!p1 $0x1082;
	[sflag:s4] =	ssyncset.s32 $0xFFFFF086  }
0x25: {  	[simem:s6], [sflag:s4] =	dma.local [hbm:s3], $0xF7A  }
0x26: {  	[smem:$0x3F99] =	sst s1;
	(tag) =	ssettag s2;
	_ =	strace s9  }
0x27: {  	s1 =	sld [smem:$0x3FA9]  }
0x28: {  	s2 =	sld [smem:$0x3FAA]  }
0x29: {  	s4 =	sld [smem:$0x3FAC]  }
0x2a: {  	p0 =	seq.s32 s5, $0x0;
	s5 =	sld [smem:$0x3FAD]  }
0x2b: {  	s6 =	sld [smem:$0x3FAE]  }
0x2c: {  	s7 =	sld [smem:$0x3FAF]  }
0x2d: {  	s3 =	simm.s32 $0x108;
	s8 =	sld [smem:$0x3FB0]  }
0x2e: {  	s3 =	simm.s32 @!p0 $0x1082;
	s9 =	sld [smem:$0x3FB1]  }
0x2f: {  	lr =	sadd.s32 s0, s3;
	s0 =	sld [smem:$0x3FA8]  }
0x30: {  	s3 =	sld [smem:$0x3FAB]  }
0x31: {  	[smem:$0x3FB4] =	sst s10  }
0x32: {  	s10 =	sld [smem:$0x3FB2];
	_ =	sdelay $0x3  }
0x33: {  	p0 =	seq.s32 s10, $0x1;
	s10 =	sld [smem:$0x3FB4];
	_ =	sdelay $0x3  }
0x34: {  	[smem:$0x3FB4] =	sst s10  }
0x35: {  	s10 =	sld [smem:$0x3FB3];
	_ =	sdelay $0x3  }
0x36: {  	p1 =	seq.s32 s10, $0x1;
	s10 =	sld [smem:$0x3FB4];
	_ =	sdelay $0x3  }
0x37: {  	[smem:$0x3FB4] =	sst s10  }
0x38: {  	s10 =	sld [smem:$0x3FB5]  }
0x39: {  	_ = 	snop;
	(pc) =	sbr.ind lr, $3  }
0x3a: {  	_ = 	snop  }
0x3b: {  	_ = 	snop  }
0x3c: {  	p2 =	seq.s32 s10, $0x1;
	s10 =	sld [smem:$0x3FB4]  }
0x3d: {  	_ =	shalt  }
0x3e: {  	_ =	shalt  }
0x3f: {  	_ =	shalt  }
0x40: {  	_ =	shalt  }
0x41: {  	_ =	shalt  }
0x42: {  	_ =	shalt  }
0x43: {  	_ =	shalt  }
0x44: {  	_ =	shalt  }
0x45: {  	_ =	shalt  }
0x46: {  	_ =	shalt  }
0x47: {  	_ =	shalt  }
0x48: {  	_ =	shalt  }
0x49: {  	_ =	shalt  }
0x4a: {  	_ =	shalt  }
0x4b: {  	_ =	shalt  }
0x4c: {  	_ =	shalt  }
0x4d: {  	_ =	shalt  }
0x4e: {  	_ =	shalt  }
0x4f: {  	_ =	shalt  }
0x50: {  	_ =	shalt  }
0x51: {  	_ =	shalt  }
0x52: {  	_ =	shalt  }
0x53: {  	_ =	shalt  }
0x54: {  	_ =	shalt  }
0x55: {  	_ =	shalt  }
0x56: {  	_ =	shalt  }
0x57: {  	_ =	shalt  }
0x58: {  	_ =	shalt  }
0x59: {  	_ =	shalt  }
0x5a: {  	_ =	shalt  }
0x5b: {  	_ =	shalt  }
0x5c: {  	_ =	shalt  }
0x5d: {  	_ =	shalt  }
0x5e: {  	_ =	shalt  }
0x5f: {  	_ =	shalt  }
0x60: {  	_ =	shalt  }
0x61: {  	_ =	shalt  }
0x62: {  	_ =	shalt  }
0x63: {  	_ =	shalt  }
0x64: {  	_ =	shalt  }
0x65: {  	_ =	shalt  }
0x66: {  	_ =	shalt  }
0x67: {  	_ =	shalt  }
0x68: {  	_ =	shalt  }
0x69: {  	_ =	shalt  }
0x6a: {  	_ =	shalt  }
0x6b: {  	_ =	shalt  }
0x6c: {  	_ =	shalt  }
0x6d: {  	_ =	shalt  }
0x6e: {  	_ =	shalt  }
0x6f: {  	_ =	shalt  }
0x70: {  	_ =	shalt  }
0x71: {  	_ =	shalt  }
0x72: {  	_ =	shalt  }
0x73: {  	_ =	shalt  }
0x74: {  	_ =	shalt  }
0x75: {  	_ =	shalt  }
0x76: {  	_ =	shalt  }
0x77: {  	_ =	shalt  }
0x78: {  	_ =	shalt  }
0x79: {  	_ =	shalt  }
0x7a: {  	_ =	shalt  }
0x7b: {  	_ =	shalt  }
0x7c: {  	_ =	shalt  }
0x7d: {  	_ =	shalt  }
0x7e: {  	_ =	shalt  }
0x7f: {  	_ =	shalt  }
0x80: {  	_ =	shalt  }
0x81: {  	_ =	shalt  }
0x82: {  	_ =	shalt  }
0x83: {  	_ =	shalt  }
0x84: {  	_ =	shalt  }
0x85: {  	_ =	shalt  }
0x86: {  	_ =	shalt  }
0x87: {  	_ =	shalt  }
.Lfunc_end0:
.L_simem_size_0:
called_computation.1_lowered:
.L_overlay_start_0:
0x88: {  	s2 =	sld [smem:$0x3FD9]  }
0x89: {  	s3 =	sld [smem:$0x3FFE];
	_ =	sdelay $0x1  }
0x8a: {  	s1 =	srdreg.scid  }
0x8b: {  	s0 =	sand.u32 $0x1, s1  }
0x8c: {  	s14 =	sshll.u32 s0, $0xA;
	s2 =	sadd.s32 s3, s2  }
0x8d: {  	s2 =	sadd.s32 s2, s14  }
0x8e: {  	[smem:$0x3FC0] =	sst s2  }
0x8f: {  	_ = 	snop  }
0x90: {  	s2 =	sld [smem:$0x3FD0];
	_ =	sdelay $0x2  }
0x91: {  	s4 =	simm.s32 $0xA;
	s5 =	simm.s32 $0x10;
	s15 =	sld [smem:$0x3FC6]  }
0x92: {  	[smem:s5], [sflag:s4] =	dma.local [hbm:s2], $0x1  }
0x93: {  	_ =	swait.eq [sflag:s4], $0x1  }
0x94: {  	[sflag:s4] =	ssyncset.done $0x0  }
0x95: {  	s16 =	sld [smem:$0x10];
	[sflag:s4] =	ssyncadd.s32 $0xFFFFFFFF  }
0x96: {  	s17 =	sld [smem:$0x11];
	(tm) =	ssettm $0x1  }
0x97: {  	s18 =	sld [smem:$0x3FFB];
	_ =	sdelay $0x3  }
0x98: {  	_ =	strace s18  }
0x99: {  	s5 =	sld [smem:$0x3FFC];
	_ =	sdelay $0x3  }
0x9a: {  	_ =	strace s5  }
0x9b: {  	s5 =	sld [smem:$0x3FFD];
	_ =	sdelay $0x3  }
0x9c: {  	_ =	strace s5  }
0x9d: {  	_ =	strace $0x8FFFFFFF  }
0x9e: {  	s19 =	sld [smem:$0x3FDB];
	_ =	sdelay $0x1  }
0x9f: {  	s6 =	simm.s32 $_scs_section_size  }
0xa0: {  	s7 =	simm.s32 $_size__tile_overlayer_lowered;
	s8 =	simm.s32 $_tile_overlayer_lowered  }
0xa1: {  	s22 =	simm.s32 $0x1BFF;
	s21 =	sshll.u32 s8, $0x1;
	s5 =	sadd.s32 s6, s19  }
0xa2: {  	s9 =	simm.s32 $0x0;
	s20 =	sshll.u32 s7, $0x1;
	s7 =	sadd.s32 s21, s5  }
0xa3: {  	[timem:s9], [sflag:s22] =	dma.local [hbm:s7], s20  }
0xa4: {  	_ =	swait.ge [sflag:s22], s20  }
0xa5: {  	s6 =	ssub.s32 $0x0, s20;
	[sflag:s22] =	ssyncset.done $0x0  }
0xa6: {  	[sflag:s22] =	ssyncadd.s32 s6;
	_ =	sdelay $0x1  }
0xa7: {  	s23 =	simm.s32 $0x1B8B  }
0xa8: {  	_ =	swait.ge [sflag:s23], $0x1  }
0xa9: {  	[sflag:s23] =	ssyncset.done $0x0  }
0xaa: {  	s25 =	simm.s32 $0x1B8E;
	s24 =	sld [smem:$0x3FFE];
	[sflag:s23] =	ssyncadd.s32 $0xFFFFFFFF  }
0xab: {  	s26 =	simm.s32 $execute0_lowered;
	[smem:$0x3FD2] =	sst s25  }
0xac: {  	s7 =	sshll.u32 s26, $0x1;
	_ =	strace $0x80000049;
	[dreg:$0x1] =	wrdreg $0xFFFFFFFF  }
0xad: {  	s28 =	simm.s32 $_size_execute0_lowered;
	s5 =	sadd.s32 s5, s7;
	[dreg:$0x0] =	wrdreg $0x0  }
0xae: {  	s7 =	sshll.u32 s28, $0x1;
	[dreg:$0x2] =	wrdreg s5  }
0xaf: {  	[dreg:$0x3] =	wrdreg s7  }
0xb0: {  	[dreg:$0x4] =	wrdreg $0xC0  }
0xb1: {  	_ =	task [dreg:s9], $0x5FFFF  }
0xb2: {  	[dreg:$0x1] =	wrdreg $0xFFFFFFFF  }
0xb3: {  	[dreg:$0x0] =	wrdreg $0x60  }
0xb4: {  	[dreg:$0x2] =	wrdreg s24  }
0xb5: {  	[dreg:$0x3] =	wrdreg s17  }
0xb6: {  	[dreg:$0x4] =	wrdreg s16  }
0xb7: {  	[dreg:$0x5] =	wrdreg s15  }
0xb8: {  	[dreg:$0x6] =	wrdreg $0x152900  }
0xb9: {  	[dreg:$0x7] =	wrdreg $0xB2900  }
0xba: {  	[dreg:$0x8] =	wrdreg $0x1F2900  }
0xbb: {  	[dreg:$0x9] =	wrdreg $0x9  }
0xbc: {  	_ =	task.clear_ibuf [dreg:s9], $0xAFFFF;
	_ =	strace $0x90000049  }
0xbd: {  	s29 =	simm.s32 $0x9;
	_ =	strace $0x8000004B  }
0xbe: {  	_ =	swait.ge [sflag:s29], $0x1  }
0xbf: {  	[sflag:s29] =	ssyncadd.s32 $0xFFFFFFFF  }
0xc0: {  	_ =	strace $0x9000004B  }
0xc1: {  	_ =	sfence  }
0xc2: {  	s30 =	sld [smem:$0x0];
	_ =	sdelay $0x2  }
0xc3: {  	s31 =	sshll.u32 s1, $0xD;
	s1 =	sshrl.u32 s1, $0x2  }
0xc4: {  	s3 =	sand.u32 $0x4000, s31;
	s1 =	sadd.s32 s1, s30  }
0xc5: {  	s0 =	sor.u32 s3, s0;
	s1 =	sshll.u32 s1, $0x11  }
0xc6: {  	s0 =	sor.u32 s1, s0  }
0xc7: {  	s0 =	sadd.s32 $0x8F2B, s0  }
0xc8: {  	[sflag:s0] =	ssyncadd.remote.s32 $0x1  }
0xc9: {  	_ =	sfence.sel $0xFFFF  }
0xca: {  	[dreg:$0x0] =	wrdreg $0xFFFFFFFF;
	(pc) =	sbr.abs _section_cstart, $3  }
0xcb: {  	[dreg:$0x1] =	wrdreg $0xFFFFFFFF  }
0xcc: {  	_ =	task.clear_ibuf [dreg:s9], $0x2FFFF;
	_ =	strace $0x9FFFFFFF  }
0xcd: {  	(tm) =	ssettm $0x7FFFFFFF  }
tec
execute0_lowered:
.L_overlay_start_1:
0x0: {  	(tag) =	ssettag $0x1  }
0x1: {  	s0 =	rddreg [dreg:$0x0]  }
0x2: {  	s1 =	rddreg [dreg:$0x1]  }
0x3: {  	s7 =	rddreg [dreg:$0x2]  }
0x4: {  	s8 =	rddreg [dreg:$0x3]  }
0x5: {  	s2 =	rddreg [dreg:$0x4]  }
0x6: {  	s3 =	rddreg [dreg:$0x5]  }
0x7: {  	s4 =	rddreg [dreg:$0x6]  }
0x8: {  	s16 =	stileid.u32;
	s9 =	srdreg.scid;
	s6 =	simm.s32 $0x0  }
0x9: {  	s30 =	simm.s32 $0x1;
	s31 =	simm.s32 $0x100;
	s5 =	smul.u32 $0x280, s16  }
0xa: {  	s29 =	simm.s32 $0x7200;
	s28 =	simm.s32 $0x0;
	s10 =	smul.u32 $0xA000, s16  }
0xb: {  	s9 =	sand.u32 $0x1, s9;
	[smem:$0x7FF] =	sst s6;
	s22 =	smul.u32 $0x5000, s16  }
0xc: {  	s24 =	sshll.u32 s16, $0x6;
	s12 =	smul.u32 $0xA0000, s9;
	_ =	strace $0x8000004A  }
0xd: {  	s14 =	ssub.s32 $0x2, s9;
	[dreg:$0xa] =	wrdreg s24;
	s9 =	sshll.u32 s9, $0x3  }
0xe: {  	s11 =	sshrl.u32 s5, $0x3;
	s13 =	sshrl.u32 s10, $0x3;
	s15 =	sshrl.u32 s14, $0x1  }
0xf: {  	s23 =	sadd.s32 s10, s2;
	s25 =	sshrl.u32 s22, $0x3;
	s8 =	sadd.s32 s8, s9  }
0x10: {  	s11 =	sadd.s32 s11, s0;
	s12 =	sadd.s32 s10, s12;
	s13 =	sadd.s32 s13, s0  }
0x11: {  	s21 =	ssub.s32 s14, s15;
	[dreg:$0x8] =	wrdreg s23;
	s10 =	sadd.s32 s10, s3  }
0x12: {  	s7 =	sadd.s32 s7, s25;
	s19 =	sadd.s32 s1, s25;
	[dreg:$0x11] =	wrdreg s8  }
0x13: {  	s14 =	smul.u32 $0xA00, s16;
	s12 =	sshrl.u32 s12, $0x3;
	[dreg:$0xc] =	wrdreg s10  }
0x14: {  	s18 =	sadd.s32 $0x2A800, s13;
	s13 =	sor.u32 $0x1C01, s24;
	[dreg:$0xe] =	wrdreg s7  }
0x15: {  	s11 =	sadd.s32 $0x2200, s11;
	s22 =	sadd.s32 $0x20, s19;
	[dreg:$0x10] =	wrdreg s19  }
0x16: {  	s15 =	sadd.s32 $0x60, s19;
	s17 =	smax.u32 s21, $0x1;
	[dreg:$0xb] =	wrdreg s13  }
0x17: {  	s23 =	sadd.s32 $0x9E0, s19;
	s25 =	sadd.s32 $0x9C0, s19;
	[dreg:$0xf] =	wrdreg s11  }
0x18: {  	s7 =	simm.s32 $0x4;
	s0 =	sadd.s32 s12, s0;
	[dreg:$0x14] =	wrdreg s15  }
0x19: {  	s13 =	sadd.s32 s5, s4;
	[dreg:$0x17] =	wrdreg s17;
	s20 =	sadd.s32 s14, s1  }
0x1a: {  	[dreg:$0x19] =	wrdreg s25;
	s1 =	simm.s32 $0x5200;
	s11 =	simm.s32 $0x5  }
0x1b: {  	s14 =	simm.s32 $0x6;
	s12 =	simm.s32 $0x9200;
	[dreg:$0x9] =	wrdreg s18  }
0x1c: {  	s25 =	simm.s32 $0x8;
	[dreg:$0x12] =	wrdreg s22;
	s26 =	sadd.s32 $0x2800, s0  }
0x1d: {  	s16 =	sadd.s32 $0x3E800, s0;
	s0 =	sadd.s32 $0x66800, s0;
	[dreg:$0xd] =	wrdreg s26  }
0x1e: {  	s24 =	sadd.s32 $0x80, s20;
	s21 =	sshrl.u32 s13, $0x3;
	[dreg:$0x15] =	wrdreg s16  }
0x1f: {  	s13 =	simm.s32 $0x2;
	s20 =	simm.s32 $0x180;
	[dreg:$0x16] =	wrdreg s0  }
0x20: {  	s26 =	sadd.s32 $0x40, s19;
	[dreg:$0x18] =	wrdreg s21;
	s0 =	simm.s32 $0x80  }
0x21: {  	v0 =	vimm.s32 $0x0;
	s16 =	simm.s32 $0x7;
	s21 =	simm.s32 $0xA200;
	[dreg:$0x13] =	wrdreg s26  }
.LBB2_1:
0x22: {  	s8 =	rddreg [dreg:$0x8]  }
0x23: {  	s9 =	rddreg [dreg:$0xb];
	s8 =	sshrl.u32 s8, $0x3  }
0x24: {  	[dreg:$0x1a] =	wrdreg s8  }
0x25: {  	[spmem:s8], [sflag:s9] =	dma.local [hbm:s18], $0x1400  }
0x26: {  	s8 =	rddreg [dreg:$0xc]  }
0x27: {  	s10 =	rddreg [dreg:$0xd];
	s8 =	sshrl.u32 s8, $0x3  }
0x28: {  	[spmem:s8], [sflag:s9] =	dma.local [hbm:s10], $0x1400  }
0x29: {  	s10 =	rddreg [dreg:$0xe]  }
0x2a: {  	s18 =	rddreg [dreg:$0xf]  }
0x2b: {  	s17 =	simm.s32 $0x200;
	s15 =	rddreg [dreg:$0x18]  }
0x2c: {  	[tilespmem:s17], [sflag:$0x1] =	stream.linear.gather [hbm4b:s10+s6], $0x5000, $0x38;
	[tilespmem:$0x1F510] =	vst v63  }
0x2d: {  	[spmem:s15], [sflag:s9] =	dma.local [hbm:s18], $0x50  }
0x2e: {  	s18 =	simm.s32 $0xB250;
	s9 =	rddreg [dreg:$0x11]  }
0x2f: {  	[tilespmem:s18], [sflag:$0x1] =	stream.linear.gather [hbm4b:s9+s6], $0x40, $0x38;
	[tilespmem:$0x1F510] =	vst v63  }
0x30: {  	_ =	swait.ge [sflag:s30], $0x1400  }
0x31: {  	[sflag:s30] =	ssyncset.done $0x0  }
0x32: {  	[sflag:s30] =	ssyncadd.s32 $0xFFFFEC00  }
0x33: {  	_ =	swait.ge [sflag:s30], $0x1400  }
0x34: {  	[sflag:s30] =	ssyncset.done $0x0  }
0x35: {  	[sflag:s30] =	ssyncadd.s32 $0xFFFFEC00  }
0x36: {  	_ =	swait.ge [sflag:s30], $0x5000  }
0x37: {  	[sflag:s30] =	ssyncset.done $0x0  }
0x38: {  	[sflag:s30] =	ssyncadd.s32 $0xFFFFB000  }
0x39: {  	_ =	swait.ge [sflag:s30], $0x50  }
0x3a: {  	[sflag:s30] =	ssyncset.done $0x0  }
0x3b: {  	[sflag:s30] =	ssyncadd.s32 $0xFFFFFFB0  }
0x3c: {  	_ =	swait.ge [sflag:s30], $0x40  }
0x3d: {  	[sflag:s30] =	ssyncset.done $0x0  }
0x3e: {  	[sflag:s30] =	ssyncadd.s32 $0xFFFFFFC0  }
0x3f: {  	[bflag:$0x0] =	sbarrier.arrive $0xFFFF  }
0x40: {  	[tilespmem:s6], [sflag:$0x1] =	stream.linear.gather [hbm4b:s19+s6], $0x100, $0x38;
	[tilespmem:$0x1F510] =	vst v63  }
0x41: {  	_ = 	snop  }
0x42: {  	[tilespmem:s31], [sflag:$0x2] =	stream.linear.gather [hbm4b:s22+s6], $0x100, $0x38;
	[tilespmem:$0x1F510] =	vst v63  }
0x43: {  	_ =	swait.ge [sflag:s30], $0x100  }
0x44: {  	[sflag:s30] =	ssyncset.done $0x0  }
0x45: {  	[sflag:s30] =	ssyncadd.s32 $0xFFFFFF00  }
0x46: {  	[tilespmem:s1], [sflag:$0x4] =	stream.indirect.gather [spmem:s3], $0x40, s6, s0, $0xb8;
	[tilespmem:$0x1F510] =	vst v63  }
0x47: {  	_ = 	snop  }
0x48: {  	[tilespmem:s29], [sflag:$0x5] =	stream.indirect.gather [spmem:s3], $0x40, s0, s0, $0xb8;
	[tilespmem:$0x1F510] =	vst v63  }
0x49: {  	_ =	swait.ge [sflag:s7], $0x2000  }
0x4a: {  	[sflag:s7] =	ssyncset.done $0x0  }
0x4b: {  	[sflag:s7] =	ssyncadd.s32 $0xFFFFE000  }
0x4c: {  	[spmem:s2] =	stream.indirect.scatter.add.f32 [tilespmem:s1], [sflag:$0x6], $0x40, s17, s0, $0xb8;
	[tilespmem:$0x1F510] =	vst v63  }
0x4d: {  	_ =	swait.ge [sflag:s11], $0x2000  }
0x4e: {  	[sflag:s11] =	ssyncset.done $0x0  }
0x4f: {  	s22 =	simm.s32 $0x280;
	[sflag:s11] =	ssyncadd.s32 $0xFFFFE000  }
0x50: {  	[spmem:s2] =	stream.indirect.scatter.add.f32 [tilespmem:s29], [sflag:$0x7], $0x40, s22, s0, $0xb8;
	[tilespmem:$0x1F510] =	vst v63  }
0x51: {  	_ = 	snop  }
0x52: {  	[tilespmem:s6], [sflag:$0x1] =	stream.linear.gather [hbm4b:s26+s6], $0x100, $0x38;
	[tilespmem:$0x1F510] =	vst v63  }
0x53: {  	_ =	swait.ge [sflag:s13], $0x100  }
0x54: {  	[sflag:s13] =	ssyncset.done $0x0  }
0x55: {  	[sflag:s13] =	ssyncadd.s32 $0xFFFFFF00  }
0x56: {  	_ =	swait.ge [sflag:s14], $0x2000  }
0x57: {  	[sflag:s14] =	ssyncset.done $0x0  }
0x58: {  	[sflag:s14] =	ssyncadd.s32 $0xFFFFE000  }
0x59: {  	[tilespmem:s1], [sflag:$0x4] =	stream.indirect.gather [spmem:s3], $0x40, s31, s0, $0xb8;
	[tilespmem:$0x1F510] =	vst v63  }
0x5a: {  	_ =	swait.ge [sflag:s16], $0x2000  }
0x5b: {  	[sflag:s16] =	ssyncset.done $0x0  }
0x5c: {  	[sflag:s16] =	ssyncadd.s32 $0xFFFFE000  }
0x5d: {  	[tilespmem:s29], [sflag:$0x5] =	stream.indirect.gather [spmem:s3], $0x40, s20, s0, $0xb8;
	[tilespmem:$0x1F510] =	vst v63  }
0x5e: {  	_ =	swait.ge [sflag:s7], $0x2000  }
0x5f: {  	[sflag:s7] =	ssyncset.done $0x0  }
0x60: {  	s10 =	simm.s32 $0x300;
	[sflag:s7] =	ssyncadd.s32 $0xFFFFE000  }
0x61: {  	[spmem:s2] =	stream.indirect.scatter.add.f32 [tilespmem:s1], [sflag:$0x6], $0x40, s10, s0, $0xb8;
	[tilespmem:$0x1F510] =	vst v63  }
0x62: {  	_ =	swait.ge [sflag:s11], $0x2000  }
0x63: {  	[sflag:s11] =	ssyncset.done $0x0  }
0x64: {  	s15 =	simm.s32 $0x380;
	[sflag:s11] =	ssyncadd.s32 $0xFFFFE000  }
0x65: {  	[spmem:s2] =	stream.indirect.scatter.add.f32 [tilespmem:s29], [sflag:$0x7], $0x40, s15, s0, $0xb8;
	[tilespmem:$0x1F510] =	vst v63  }
0x66: {  	s17 =	rddreg [dreg:$0x14]  }
0x67: {  	[tilespmem:s31], [sflag:$0x2] =	stream.linear.gather [hbm4b:s17+s6], $0x100, $0x38;
	[tilespmem:$0x1F510] =	vst v63  }
0x68: {  	_ =	swait.ge [sflag:s30], $0x100  }
0x69: {  	[sflag:s30] =	ssyncset.done $0x0  }
0x6a: {  	[sflag:s30] =	ssyncadd.s32 $0xFFFFFF00  }
0x6b: {  	_ =	swait.ge [sflag:s14], $0x2000  }
0x6c: {  	[sflag:s14] =	ssyncset.done $0x0  }
0x6d: {  	[sflag:s14] =	ssyncadd.s32 $0xFFFFE000  }
0x6e: {  	[tilespmem:s1], [sflag:$0x4] =	stream.indirect.gather [spmem:s3], $0x40, s6, s0, $0xb8;
	[tilespmem:$0x1F510] =	vst v63  }
0x6f: {  	_ =	swait.ge [sflag:s16], $0x2000  }
0x70: {  	[sflag:s16] =	ssyncset.done $0x0  }
0x71: {  	[sflag:s16] =	ssyncadd.s32 $0xFFFFE000  }
0x72: {  	[tilespmem:s29], [sflag:$0x5] =	stream.indirect.gather [spmem:s3], $0x40, s0, s0, $0xb8;
	[tilespmem:$0x1F510] =	vst v63  }
0x73: {  	_ =	swait.ge [sflag:s7], $0x2000  }
0x74: {  	[sflag:s7] =	ssyncset.done $0x0  }
0x75: {  	s18 =	simm.s32 $0x400;
	[sflag:s7] =	ssyncadd.s32 $0xFFFFE000  }
0x76: {  	[spmem:s2] =	stream.indirect.scatter.add.f32 [tilespmem:s1], [sflag:$0x6], $0x40, s18, s0, $0xb8;
	[tilespmem:$0x1F510] =	vst v63  }
0x77: {  	_ =	swait.ge [sflag:s11], $0x2000  }
0x78: {  	[sflag:s11] =	ssyncset.done $0x0  }
0x79: {  	s19 =	simm.s32 $0x480;
	[sflag:s11] =	ssyncadd.s32 $0xFFFFE000  }
0x7a: {  	[spmem:s2] =	stream.indirect.scatter.add.f32 [tilespmem:s29], [sflag:$0x7], $0x40, s19, s0, $0xb8;
	[tilespmem:$0x1F510] =	vst v63  }
0x7b: {  	_ = 	snop  }
0x7c: {  	[tilespmem:s6], [sflag:$0x1] =	stream.linear.gather [hbm4b:s24+s6], $0x100, $0x38;
	[tilespmem:$0x1F510] =	vst v63  }
0x7d: {  	_ =	swait.ge [sflag:s13], $0x100  }
0x7e: {  	[sflag:s13] =	ssyncset.done $0x0  }
0x7f: {  	[sflag:s13] =	ssyncadd.s32 $0xFFFFFF00  }
0x80: {  	_ =	swait.ge [sflag:s14], $0x2000  }
0x81: {  	[sflag:s14] =	ssyncset.done $0x0  }
0x82: {  	[sflag:s14] =	ssyncadd.s32 $0xFFFFE000  }
0x83: {  	[tilespmem:s1], [sflag:$0x4] =	stream.indirect.gather [spmem:s3], $0x40, s31, s0, $0xb8;
	[tilespmem:$0x1F510] =	vst v63  }
0x84: {  	_ =	swait.ge [sflag:s16], $0x2000  }
0x85: {  	[sflag:s16] =	ssyncset.done $0x0  }
0x86: {  	[sflag:s16] =	ssyncadd.s32 $0xFFFFE000  }
0x87: {  	[tilespmem:s29], [sflag:$0x5] =	stream.indirect.gather [spmem:s3], $0x40, s20, s0, $0xb8;
	[tilespmem:$0x1F510] =	vst v63  }
0x88: {  	_ =	swait.ge [sflag:s7], $0x2000  }
0x89: {  	[sflag:s7] =	ssyncset.done $0x0  }
0x8a: {  	s22 =	simm.s32 $0x500;
	[sflag:s7] =	ssyncadd.s32 $0xFFFFE000  }
0x8b: {  	[spmem:s2] =	stream.indirect.scatter.add.f32 [tilespmem:s1], [sflag:$0x6], $0x40, s22, s0, $0xb8;
	[tilespmem:$0x1F510] =	vst v63  }
0x8c: {  	_ =	swait.ge [sflag:s11], $0x2000  }
0x8d: {  	s9 =	simm.s32 $0x800;
	s26 =	simm.s32 $0x580;
	[sflag:s11] =	ssyncset.done $0x0  }
0x8e: {  	s10 =	sadd.s32 $0x20, s24;
	s17 =	sadd.s32 $0x40, s24;
	[sflag:s11] =	ssyncadd.s32 $0xFFFFE000  }
0x8f: {  	[spmem:s2] =	stream.indirect.scatter.add.f32 [tilespmem:s29], [sflag:$0x7], $0x40, s26, s0, $0xb8;
	[tilespmem:$0x1F510] =	vst v63  }
.LBB2_2:
0x90: {  	[tilespmem:s31], [sflag:$0x2] =	stream.linear.gather [hbm4b:s10+s6], $0x100, $0x38;
	[tilespmem:$0x1F510] =	vst v63  }
0x91: {  	s10 =	smov.u32 s9  }
0x92: {  	p0 =	sne.s32 s9, $0x12000;
	s9 =	sadd.s32 $0x800, s9;
	_ =	swait.ge [sflag:s30], $0x100  }
0x93: {  	[sflag:s30] =	ssyncset.done $0x0  }
0x94: {  	[sflag:s30] =	ssyncadd.s32 $0xFFFFFF00  }
0x95: {  	_ =	swait.ge [sflag:s14], $0x2000  }
0x96: {  	[sflag:s14] =	ssyncset.done $0x0  }
0x97: {  	[sflag:s14] =	ssyncadd.s32 $0xFFFFE000  }
0x98: {  	[tilespmem:s1], [sflag:$0x4] =	stream.indirect.gather [spmem:s3], $0x40, s6, s0, $0xb8;
	[tilespmem:$0x1F510] =	vst v63  }
0x99: {  	_ =	swait.ge [sflag:s16], $0x2000  }
0x9a: {  	[sflag:s16] =	ssyncset.done $0x0  }
0x9b: {  	[sflag:s16] =	ssyncadd.s32 $0xFFFFE000  }
0x9c: {  	[tilespmem:s29], [sflag:$0x5] =	stream.indirect.gather [spmem:s3], $0x40, s0, s0, $0xb8;
	[tilespmem:$0x1F510] =	vst v63  }
0x9d: {  	_ =	swait.ge [sflag:s7], $0x2000  }
0x9e: {  	s10 =	sshra.s32 s10, $0x2;
	[sflag:s7] =	ssyncset.done $0x0  }
0x9f: {  	s15 =	sadd.s32 $0x400, s10;
	[sflag:s7] =	ssyncadd.s32 $0xFFFFE000  }
0xa0: {  	[spmem:s2] =	stream.indirect.scatter.add.f32 [tilespmem:s1], [sflag:$0x6], $0x40, s15, s0, $0xb8;
	[tilespmem:$0x1F510] =	vst v63  }
0xa1: {  	_ =	swait.ge [sflag:s11], $0x2000  }
0xa2: {  	[sflag:s11] =	ssyncset.done $0x0  }
0xa3: {  	s15 =	sadd.s32 $0x480, s10;
	[sflag:s11] =	ssyncadd.s32 $0xFFFFE000  }
0xa4: {  	[spmem:s2] =	stream.indirect.scatter.add.f32 [tilespmem:s29], [sflag:$0x7], $0x40, s15, s0, $0xb8;
	[tilespmem:$0x1F510] =	vst v63  }
0xa5: {  	_ = 	snop  }
0xa6: {  	[tilespmem:s6], [sflag:$0x1] =	stream.linear.gather [hbm4b:s17+s6], $0x100, $0x38;
	[tilespmem:$0x1F510] =	vst v63  }
0xa7: {  	_ =	swait.ge [sflag:s13], $0x100  }
0xa8: {  	[sflag:s13] =	ssyncset.done $0x0  }
0xa9: {  	[sflag:s13] =	ssyncadd.s32 $0xFFFFFF00  }
0xaa: {  	_ =	swait.ge [sflag:s14], $0x2000  }
0xab: {  	[sflag:s14] =	ssyncset.done $0x0  }
0xac: {  	[sflag:s14] =	ssyncadd.s32 $0xFFFFE000  }
0xad: {  	[tilespmem:s1], [sflag:$0x4] =	stream.indirect.gather [spmem:s3], $0x40, s31, s0, $0xb8;
	[tilespmem:$0x1F510] =	vst v63  }
0xae: {  	_ =	swait.ge [sflag:s16], $0x2000  }
0xaf: {  	[sflag:s16] =	ssyncset.done $0x0  }
0xb0: {  	[sflag:s16] =	ssyncadd.s32 $0xFFFFE000  }
0xb1: {  	[tilespmem:s29], [sflag:$0x5] =	stream.indirect.gather [spmem:s3], $0x40, s20, s0, $0xb8;
	[tilespmem:$0x1F510] =	vst v63  }
0xb2: {  	_ =	swait.ge [sflag:s7], $0x2000  }
0xb3: {  	[sflag:s7] =	ssyncset.done $0x0  }
0xb4: {  	s15 =	sadd.s32 $0x500, s10;
	[sflag:s7] =	ssyncadd.s32 $0xFFFFE000  }
0xb5: {  	[spmem:s2] =	stream.indirect.scatter.add.f32 [tilespmem:s1], [sflag:$0x6], $0x40, s15, s0, $0xb8;
	[tilespmem:$0x1F510] =	vst v63  }
.Ltmp0:
0xb6: {  	_ =	swait.ge [sflag:s11], $0x2000;
	(pc) =	sbr.rel @p0 .LBB2_2-.Ltmp0, $4  }
0xb7: {  	[sflag:s11] =	ssyncset.done $0x0  }
0xb8: {  	s10 =	sadd.s32 $0x580, s10;
	[sflag:s11] =	ssyncadd.s32 $0xFFFFE000  }
0xb9: {  	[spmem:s2] =	stream.indirect.scatter.add.f32 [tilespmem:s29], [sflag:$0x7], $0x40, s10, s0, $0xb8;
	[tilespmem:$0x1F510] =	vst v63  }
0xba: {  	s10 =	sadd.s32 $0x20, s17;
	s17 =	sadd.s32 $0x40, s17  }
0xbb: {  	[tilespmem:s31], [sflag:$0x2] =	stream.linear.gather [hbm4b:s10+s6], $0x100, $0x38;
	[tilespmem:$0x1F510] =	vst v63  }
0xbc: {  	_ =	swait.ge [sflag:s30], $0x100  }
0xbd: {  	[sflag:s30] =	ssyncset.done $0x0  }
0xbe: {  	[sflag:s30] =	ssyncadd.s32 $0xFFFFFF00  }
0xbf: {  	_ =	swait.ge [sflag:s14], $0x2000  }
0xc0: {  	[sflag:s14] =	ssyncset.done $0x0  }
0xc1: {  	s17 =	simm.s32 $0x0;
	[sflag:s14] =	ssyncadd.s32 $0xFFFFE000  }
0xc2: {  	[tilespmem:s1], [sflag:$0x4] =	stream.indirect.gather [spmem:s3], $0x40, s17, s0, $0xb8;
	[tilespmem:$0x1F510] =	vst v63  }
0xc3: {  	_ =	swait.ge [sflag:s16], $0x2000  }
0xc4: {  	[sflag:s16] =	ssyncset.done $0x0  }
0xc5: {  	[sflag:s16] =	ssyncadd.s32 $0xFFFFE000  }
0xc6: {  	[tilespmem:s29], [sflag:$0x5] =	stream.indirect.gather [spmem:s3], $0x40, s0, s0, $0xb8;
	[tilespmem:$0x1F510] =	vst v63  }
0xc7: {  	_ =	swait.ge [sflag:s7], $0x2000  }
0xc8: {  	[sflag:s7] =	ssyncset.done $0x0  }
0xc9: {  	s9 =	simm.s32 $0x4E00;
	[sflag:s7] =	ssyncadd.s32 $0xFFFFE000  }
0xca: {  	[spmem:s2] =	stream.indirect.scatter.add.f32 [tilespmem:s1], [sflag:$0x6], $0x40, s9, s0, $0xb8;
	[tilespmem:$0x1F510] =	vst v63  }
0xcb: {  	_ =	swait.ge [sflag:s11], $0x2000  }
0xcc: {  	[sflag:s11] =	ssyncset.done $0x0  }
0xcd: {  	s22 =	simm.s32 $0x4E80;
	[sflag:s11] =	ssyncadd.s32 $0xFFFFE000  }
0xce: {  	[spmem:s2] =	stream.indirect.scatter.add.f32 [tilespmem:s29], [sflag:$0x7], $0x40, s22, s0, $0xb8;
	[tilespmem:$0x1F510] =	vst v63  }
0xcf: {  	s26 =	rddreg [dreg:$0x19]  }
0xd0: {  	[tilespmem:s17], [sflag:$0x1] =	stream.linear.gather [hbm4b:s26+s17], $0x100, $0x38;
	[tilespmem:$0x1F510] =	vst v63  }
0xd1: {  	_ =	swait.ge [sflag:s13], $0x100  }
0xd2: {  	[sflag:s13] =	ssyncset.done $0x0  }
0xd3: {  	[sflag:s13] =	ssyncadd.s32 $0xFFFFFF00  }
0xd4: {  	_ =	swait.ge [sflag:s14], $0x2000  }
0xd5: {  	[sflag:s14] =	ssyncset.done $0x0  }
0xd6: {  	[sflag:s14] =	ssyncadd.s32 $0xFFFFE000  }
0xd7: {  	[tilespmem:s1], [sflag:$0x4] =	stream.indirect.gather [spmem:s3], $0x40, s31, s0, $0xb8;
	[tilespmem:$0x1F510] =	vst v63  }
0xd8: {  	_ =	swait.ge [sflag:s16], $0x2000  }
0xd9: {  	[sflag:s16] =	ssyncset.done $0x0  }
0xda: {  	[sflag:s16] =	ssyncadd.s32 $0xFFFFE000  }
0xdb: {  	[tilespmem:s29], [sflag:$0x5] =	stream.indirect.gather [spmem:s3], $0x40, s20, s0, $0xb8;
	[tilespmem:$0x1F510] =	vst v63  }
0xdc: {  	_ =	swait.ge [sflag:s7], $0x2000  }
0xdd: {  	[sflag:s7] =	ssyncset.done $0x0  }
0xde: {  	s10 =	simm.s32 $0x4F00;
	[sflag:s7] =	ssyncadd.s32 $0xFFFFE000  }
0xdf: {  	[spmem:s2] =	stream.indirect.scatter.add.f32 [tilespmem:s1], [sflag:$0x6], $0x40, s10, s0, $0xb8;
	[tilespmem:$0x1F510] =	vst v63  }
0xe0: {  	_ =	swait.ge [sflag:s11], $0x2000  }
0xe1: {  	[sflag:s11] =	ssyncset.done $0x0  }
0xe2: {  	s15 =	simm.s32 $0x4F80;
	[sflag:s11] =	ssyncadd.s32 $0xFFFFE000  }
0xe3: {  	[spmem:s2] =	stream.indirect.scatter.add.f32 [tilespmem:s29], [sflag:$0x7], $0x40, s15, s0, $0xb8;
	[tilespmem:$0x1F510] =	vst v63  }
0xe4: {  	_ = 	snop  }
0xe5: {  	[tilespmem:s31], [sflag:$0x2] =	stream.linear.gather [hbm4b:s23+s17], $0x100, $0x38;
	[tilespmem:$0x1F510] =	vst v63  }
0xe6: {  	_ =	swait.ge [sflag:s30], $0x100  }
0xe7: {  	[sflag:s30] =	ssyncset.done $0x0  }
0xe8: {  	[sflag:s30] =	ssyncadd.s32 $0xFFFFFF00  }
0xe9: {  	_ =	swait.ge [sflag:s14], $0x2000  }
0xea: {  	[sflag:s14] =	ssyncset.done $0x0  }
0xeb: {  	[sflag:s14] =	ssyncadd.s32 $0xFFFFE000  }
0xec: {  	[tilespmem:s1], [sflag:$0x4] =	stream.indirect.gather [spmem:s3], $0x40, s17, s0, $0xb8;
	[tilespmem:$0x1F510] =	vst v63  }
0xed: {  	_ =	swait.ge [sflag:s16], $0x2000  }
0xee: {  	[sflag:s16] =	ssyncset.done $0x0  }
0xef: {  	[sflag:s16] =	ssyncadd.s32 $0xFFFFE000  }
0xf0: {  	[tilespmem:s29], [sflag:$0x5] =	stream.indirect.gather [spmem:s3], $0x40, s0, s0, $0xb8;
	[tilespmem:$0x1F510] =	vst v63  }
0xf1: {  	_ =	swait.ge [sflag:s7], $0x2000  }
0xf2: {  	[sflag:s7] =	ssyncset.done $0x0  }
0xf3: {  	s18 =	simm.s32 $0x5000;
	[sflag:s7] =	ssyncadd.s32 $0xFFFFE000  }
0xf4: {  	[spmem:s2] =	stream.indirect.scatter.add.f32 [tilespmem:s1], [sflag:$0x6], $0x40, s18, s0, $0xb8;
	[tilespmem:$0x1F510] =	vst v63  }
0xf5: {  	_ =	swait.ge [sflag:s11], $0x2000  }
0xf6: {  	[sflag:s11] =	ssyncset.done $0x0  }
0xf7: {  	s19 =	simm.s32 $0x5080;
	[sflag:s11] =	ssyncadd.s32 $0xFFFFE000  }
0xf8: {  	[spmem:s2] =	stream.indirect.scatter.add.f32 [tilespmem:s29], [sflag:$0x7], $0x40, s19, s0, $0xb8;
	[tilespmem:$0x1F510] =	vst v63  }
0xf9: {  	_ = 	snop  }
0xfa: {  	[tilespmem:s17], [sflag:$0x1] =	stream.linear.gather [hbm4b:s23+s17], $0x100, $0x38;
	[tilespmem:$0x1F510] =	vst v63  }
0xfb: {  	_ =	swait.ge [sflag:s13], $0x100  }
0xfc: {  	[sflag:s13] =	ssyncset.done $0x0  }
0xfd: {  	[sflag:s13] =	ssyncadd.s32 $0xFFFFFF00  }
0xfe: {  	_ =	swait.ge [sflag:s14], $0x2000  }
0xff: {  	[sflag:s14] =	ssyncset.done $0x0  }
0x100: {  	[sflag:s14] =	ssyncadd.s32 $0xFFFFE000  }
0x101: {  	[tilespmem:s1], [sflag:$0x4] =	stream.indirect.gather [spmem:s3], $0x40, s31, s0, $0xb8;
	[tilespmem:$0x1F510] =	vst v63  }
0x102: {  	_ =	swait.ge [sflag:s16], $0x2000  }
0x103: {  	[sflag:s16] =	ssyncset.done $0x0  }
0x104: {  	[sflag:s16] =	ssyncadd.s32 $0xFFFFE000  }
0x105: {  	[tilespmem:s29], [sflag:$0x5] =	stream.indirect.gather [spmem:s3], $0x40, s20, s0, $0xb8;
	[tilespmem:$0x1F510] =	vst v63  }
0x106: {  	_ =	swait.ge [sflag:s7], $0x2000  }
0x107: {  	[sflag:s7] =	ssyncset.done $0x0  }
0x108: {  	s22 =	simm.s32 $0x5100;
	[sflag:s7] =	ssyncadd.s32 $0xFFFFE000  }
0x109: {  	[spmem:s2] =	stream.indirect.scatter.add.f32 [tilespmem:s1], [sflag:$0x6], $0x40, s22, s0, $0xb8;
	[tilespmem:$0x1F510] =	vst v63  }
0x10a: {  	_ =	swait.ge [sflag:s11], $0x2000  }
0x10b: {  	[sflag:s11] =	ssyncset.done $0x0  }
0x10c: {  	s26 =	simm.s32 $0x5180;
	[sflag:s11] =	ssyncadd.s32 $0xFFFFE000  }
0x10d: {  	[spmem:s2] =	stream.indirect.scatter.add.f32 [tilespmem:s29], [sflag:$0x7], $0x40, s26, s0, $0xb8;
	[tilespmem:$0x1F510] =	vst v63  }
0x10e: {  	_ = 	snop  }
0x10f: {  	[tilespmem:s31], [sflag:$0x2] =	stream.linear.gather [hbm4b:s23+s17], $0x100, $0x38;
	[tilespmem:$0x1F510] =	vst v63  }
0x110: {  	_ =	swait.ge [sflag:s14], $0x2000  }
0x111: {  	[sflag:s14] =	ssyncset.done $0x0  }
0x112: {  	[sflag:s14] =	ssyncadd.s32 $0xFFFFE000  }
0x113: {  	_ =	swait.ge [sflag:s16], $0x2000  }
0x114: {  	[sflag:s16] =	ssyncset.done $0x0  }
0x115: {  	[sflag:s16] =	ssyncadd.s32 $0xFFFFE000  }
0x116: {  	_ =	swait.ge [sflag:s30], $0x100  }
0x117: {  	[sflag:s30] =	ssyncset.done $0x0  }
0x118: {  	[sflag:s30] =	ssyncadd.s32 $0xFFFFFF00  }
0x119: {  	_ =	swait.ge [sflag:s13], $0x100  }
0x11a: {  	[sflag:s13] =	ssyncset.done $0x0  }
0x11b: {  	[sflag:s13] =	ssyncadd.s32 $0xFFFFFF00  }
0x11c: {  	[bflag:$0x0] =	sbarrier.arrive $0xFFFF  }
.LBB2_4:
0x11d: {  	s9 =	sshll.u32 s17, $0x6  }
0x11e: {  	s9 =	sadd.s32 s5, s9  }
0x11f: {  	s10 =	sshll.u32 s9, $0x6  }
0x120: {  	s15 =	sadd.s32 s10, s2  }
0x121: {  	[tilespmem:s12], [sflag:$0x8] =	stream.linear.gather [spmem:s15], $0x1000, $0x38;
	[tilespmem:$0x1F510] =	vst v63  }
0x122: {  	_ =	swait.ge [sflag:s25], $0x1000  }
0x123: {  	[sflag:s25] =	ssyncset.done $0x0  }
0x124: {  	s18 =	sadd.s32 s10, s3;
	[sflag:s25] =	ssyncadd.s32 $0xFFFFF000  }
0x125: {  	[tilespmem:s21], [sflag:$0x8] =	stream.linear.gather [spmem:s18], $0x1000, $0x38;
	[tilespmem:$0x1F510] =	vst v63  }
0x126: {  	_ =	swait.ge [sflag:s25], $0x1000  }
0x127: {  	[sflag:s25] =	ssyncset.done $0x0  }
0x128: {  	s26 =	sadd.s32 s9, s4;
	s9 =	simm.s32 $0xB200;
	[sflag:s25] =	ssyncadd.s32 $0xFFFFF000  }
0x129: {  	[tilespmem:s9], [sflag:$0x8] =	stream.linear.gather [spmem:s26], $0x40, $0x38;
	[tilespmem:$0x1F510] =	vst v63  }
0x12a: {  	_ =	swait.ge [sflag:s25], $0x40  }
0x12b: {  	[sflag:s25] =	ssyncset.done $0x0  }
0x12c: {  	s19 =	simm.s32 $0x0;
	[sflag:s25] =	ssyncadd.s32 $0xFFFFFFC0  }
0x12d: {  	v1 =	vld [tilespmem:s19+$0x9200]  }
0x12e: {  	v2 =	vld [tilespmem:s19+$0xA200]  }
0x12f: {  	v3 =	vld [tilespmem:s9+$0x0];
	_ =	sdelay $0x3  }
0x130: {  	v4 =	vld [tilespmem:$0xB250]  }
0x131: {  	v2 =	vadd.f32 v2, v1;
	v1 =	vperm.xlane v3, v0;
	_ =	sdelay $0x1  }
0x132: {  	v2 =	vmul.f32 v1, v2;
	_ =	sdelay $0x1  }
0x133: {  	v2 =	vadd.f32 v2, v4  }
0x134: {  	v62 =	vld [tilespmem:s19+$0xA210]  }
0x135: {  	v3 =	vld [tilespmem:s19+$0x9210];
	v2 =	vmax.f32 v2, $0.0e+00  }
0x136: {  	v2 =	vmul.f32 v1, v2;
	_ =	sdelay $0x1  }
0x137: {  	[tilespmem:s19+$0xA200] =	vst v2  }
0x138: {  	v2 =	vld [tilespmem:$0xB260]  }
0x139: {  	v3 =	vadd.f32 v62, v3;
	_ =	sdelay $0x1  }
0x13a: {  	v3 =	vmul.f32 v1, v3;
	_ =	sdelay $0x1  }
0x13b: {  	v2 =	vadd.f32 v3, v2  }
0x13c: {  	v5 =	vld [tilespmem:s19+$0x9220]  }
0x13d: {  	v3 =	vld [tilespmem:s19+$0xA220];
	v2 =	vmax.f32 v2, $0.0e+00  }
0x13e: {  	v2 =	vmul.f32 v1, v2;
	_ =	sdelay $0x1  }
0x13f: {  	[tilespmem:s19+$0xA210] =	vst v2  }
0x140: {  	v2 =	vld [tilespmem:$0xB270]  }
0x141: {  	v3 =	vadd.f32 v3, v5;
	_ =	sdelay $0x1  }
0x142: {  	v3 =	vmul.f32 v1, v3;
	_ =	sdelay $0x1  }
0x143: {  	v2 =	vadd.f32 v3, v2  }
0x144: {  	v63 =	vld [tilespmem:s19+$0xA230]  }
0x145: {  	v3 =	vld [tilespmem:s19+$0x9230];
	v2 =	vmax.f32 v2, $0.0e+00  }
0x146: {  	v2 =	vmul.f32 v1, v2;
	_ =	sdelay $0x1  }
0x147: {  	[tilespmem:s19+$0xA220] =	vst v2  }
0x148: {  	v2 =	vld [tilespmem:$0xB280]  }
0x149: {  	v3 =	vadd.f32 v63, v3;
	_ =	sdelay $0x1  }
0x14a: {  	v3 =	vmul.f32 v1, v3;
	_ =	sdelay $0x1  }
0x14b: {  	v2 =	vadd.f32 v3, v2;
	_ =	sdelay $0x1  }
0x14c: {  	s15 =	simm.s32 $0x200;
	s26 =	simm.s32 $0x100;
	v2 =	vmax.f32 v2, $0.0e+00  }
.LBB2_5:
0x14d: {  	s22 =	sshra.s32 s26, $0x2  }
0x14e: {  	v1 =	vmul.f32 v1, v2;
	s9 =	sadd.s32 $0x1, s9;
	s26 =	smov.u32 s15;
	s10 =	sadd.s32 $0x100, s15  }
0x14f: {  	p0 =	sne.s32 s15, $0x3F00;
	v2 =	vld [tilespmem:s22+$0x9200]  }
0x150: {  	v3 =	vld [tilespmem:s22+$0xA200];
	[tilespmem:s19+$0xA230] =	vst v1;
	s19 =	smov.u32 s22  }
0x151: {  	v1 =	vld [tilespmem:s9+$0x0]  }
0x152: {  	v4 =	vld [tilespmem:s19+$0x9210]  }
0x153: {  	v5 =	vld [tilespmem:s19+$0x9220]  }
0x154: {  	v6 =	vld [tilespmem:$0xB250]  }
0x155: {  	v2 =	vadd.f32 v3, v2  }
0x156: {  	v1 =	vperm.xlane v1, v0;
	_ =	sdelay $0x1  }
0x157: {  	v2 =	vmul.f32 v1, v2;
	_ =	sdelay $0x1  }
0x158: {  	v2 =	vadd.f32 v2, v6  }
0x159: {  	v3 =	vld [tilespmem:s19+$0xA210]  }
0x15a: {  	v2 =	vmax.f32 v2, $0.0e+00  }
0x15b: {  	v2 =	vmul.f32 v1, v2;
	_ =	sdelay $0x1  }
0x15c: {  	[tilespmem:s19+$0xA200] =	vst v2  }
0x15d: {  	v2 =	vadd.f32 v3, v4;
	v3 =	vld [tilespmem:$0xB260];
	_ =	sdelay $0x1  }
0x15e: {  	v2 =	vmul.f32 v1, v2;
	_ =	sdelay $0x2  }
0x15f: {  	v2 =	vadd.f32 v2, v3  }
0x160: {  	v3 =	vld [tilespmem:s19+$0xA220]  }
0x161: {  	v2 =	vmax.f32 v2, $0.0e+00  }
0x162: {  	v2 =	vmul.f32 v1, v2;
	_ =	sdelay $0x1  }
0x163: {  	[tilespmem:s19+$0xA210] =	vst v2  }
0x164: {  	v2 =	vadd.f32 v3, v5;
	v3 =	vld [tilespmem:$0xB270];
	_ =	sdelay $0x1  }
0x165: {  	v2 =	vmul.f32 v1, v2;
	_ =	sdelay $0x2  }
0x166: {  	v2 =	vadd.f32 v2, v3;
	v3 =	vld [tilespmem:s19+$0x9230]  }
0x167: {  	v4 =	vld [tilespmem:s19+$0xA230]  }
0x168: {  	v2 =	vmax.f32 v2, $0.0e+00  }
0x169: {  	v2 =	vmul.f32 v1, v2;
	_ =	sdelay $0x1  }
0x16a: {  	[tilespmem:s19+$0xA220] =	vst v2  }
0x16b: {  	v2 =	vadd.f32 v4, v3;
	v3 =	vld [tilespmem:$0xB280];
	_ =	sdelay $0x1  }
0x16c: {  	v2 =	vmul.f32 v1, v2  }
.Ltmp1:
0x16d: {  	(pc) =	sbr.rel @p0 .LBB2_5-.Ltmp1, $3  }
0x16e: {  	_ = 	snop  }
0x16f: {  	v2 =	vadd.f32 v2, v3;
	_ =	sdelay $0x1  }
0x170: {  	s15 =	smov.u32 s10;
	v2 =	vmax.f32 v2, $0.0e+00  }
0x171: {  	s10 =	sshra.s32 s26, $0x2;
	v1 =	vmul.f32 v1, v2  }
0x172: {  	v2 =	vld [tilespmem:s10+$0x9200]  }
0x173: {  	s9 =	sadd.s32 $0x1, s9;
	v3 =	vld [tilespmem:s10+$0xA200];
	[tilespmem:s19+$0xA230] =	vst v1  }
0x174: {  	v1 =	vld [tilespmem:s9+$0x0];
	_ =	sdelay $0x3  }
0x175: {  	v4 =	vld [tilespmem:$0xB250]  }
0x176: {  	v2 =	vadd.f32 v3, v2;
	v1 =	vperm.xlane v1, v0;
	_ =	sdelay $0x1  }
0x177: {  	v2 =	vmul.f32 v1, v2;
	_ =	sdelay $0x1  }
0x178: {  	v2 =	vadd.f32 v2, v4  }
0x179: {  	v61 =	vld [tilespmem:s10+$0xA210]  }
0x17a: {  	v3 =	vld [tilespmem:s10+$0x9210];
	v2 =	vmax.f32 v2, $0.0e+00  }
0x17b: {  	v2 =	vmul.f32 v1, v2;
	_ =	sdelay $0x1  }
0x17c: {  	[tilespmem:s10+$0xA200] =	vst v2  }
0x17d: {  	v2 =	vld [tilespmem:$0xB260]  }
0x17e: {  	v3 =	vadd.f32 v61, v3;
	_ =	sdelay $0x1  }
0x17f: {  	v3 =	vmul.f32 v1, v3;
	_ =	sdelay $0x1  }
0x180: {  	v2 =	vadd.f32 v3, v2  }
0x181: {  	v62 =	vld [tilespmem:s10+$0xA220]  }
0x182: {  	v3 =	vld [tilespmem:s10+$0x9220];
	v2 =	vmax.f32 v2, $0.0e+00  }
0x183: {  	v2 =	vmul.f32 v1, v2;
	_ =	sdelay $0x1  }
0x184: {  	[tilespmem:s10+$0xA210] =	vst v2  }
0x185: {  	v2 =	vld [tilespmem:$0xB270]  }
0x186: {  	v3 =	vadd.f32 v62, v3;
	_ =	sdelay $0x1  }
0x187: {  	v3 =	vmul.f32 v1, v3;
	_ =	sdelay $0x1  }
0x188: {  	v2 =	vadd.f32 v3, v2  }
0x189: {  	v63 =	vld [tilespmem:s10+$0xA230]  }
0x18a: {  	v3 =	vld [tilespmem:s10+$0x9230];
	v2 =	vmax.f32 v2, $0.0e+00  }
0x18b: {  	v2 =	vmul.f32 v1, v2;
	_ =	sdelay $0x1  }
0x18c: {  	[tilespmem:s10+$0xA220] =	vst v2  }
0x18d: {  	v2 =	vld [tilespmem:$0xB280]  }
0x18e: {  	v3 =	vadd.f32 v63, v3;
	_ =	sdelay $0x1  }
0x18f: {  	v3 =	vmul.f32 v1, v3;
	_ =	sdelay $0x1  }
0x190: {  	v2 =	vadd.f32 v3, v2;
	_ =	sdelay $0x1  }
0x191: {  	v2 =	vmax.f32 v2, $0.0e+00  }
0x192: {  	s17 =	sadd.s32 $0x1, s17;
	v1 =	vmul.f32 v1, v2  }
0x193: {  	p0 =	sne.s32 s17, $0xA  }
.Ltmp2:
0x194: {  	[tilespmem:s10+$0xA230] =	vst v1;
	(pc) =	sbr.rel @p0 .LBB2_4-.Ltmp2, $4  }
0x195: {  	[spmem:s18] =	stream.linear.scatter [tilespmem:s21], [sflag:$0x8], $0x1000, $0x38;
	[tilespmem:$0x1F510] =	vst v63  }
0x196: {  	_ =	swait.ge [sflag:s25], $0x1000  }
0x197: {  	[sflag:s25] =	ssyncset.done $0x0  }
0x198: {  	[sflag:s25] =	ssyncadd.s32 $0xFFFFF000  }
0x199: {  	s10 =	rddreg [dreg:$0xa]  }
0x19a: {  	s15 =	rddreg [dreg:$0x15];
	s9 =	sor.u32 $0x1C03, s10  }
0x19b: {  	[hbm:s15], [sflag:s9] =	dma.local [spmem:s8], $0x1400  }
0x19c: {  	s18 =	rddreg [dreg:$0x9]  }
0x19d: {  	s8 =	sor.u32 $0x1C08, s10;
	s9 =	rddreg [dreg:$0x1a]  }
0x19e: {  	[spmem:s9], [sflag:s8] =	dma.local [hbm:s18], $0x1400  }
0x19f: {  	_ =	swait.ge [sflag:s25], $0x1400  }
0x1a0: {  	[sflag:s25] =	ssyncset.done $0x0  }
0x1a1: {  	[sflag:s25] =	ssyncadd.s32 $0xFFFFEC00  }
0x1a2: {  	[bflag:$0x0] =	sbarrier.arrive $0xFFFF  }
0x1a3: {  	s9 =	simm.s32 $0x0;
	s19 =	rddreg [dreg:$0x10]  }
0x1a4: {  	[tilespmem:s9], [sflag:$0x1] =	stream.linear.gather [hbm4b:s19+s9], $0x100, $0x38;
	[tilespmem:$0x1F510] =	vst v63  }
0x1a5: {  	s22 =	rddreg [dreg:$0x12]  }
0x1a6: {  	[tilespmem:s31], [sflag:$0x2] =	stream.linear.gather [hbm4b:s22+s9], $0x100, $0x38;
	[tilespmem:$0x1F510] =	vst v63  }
0x1a7: {  	_ =	swait.ge [sflag:s30], $0x100  }
0x1a8: {  	[sflag:s30] =	ssyncset.done $0x0  }
0x1a9: {  	[sflag:s30] =	ssyncadd.s32 $0xFFFFFF00  }
0x1aa: {  	[tilespmem:s1], [sflag:$0x4] =	stream.indirect.gather [spmem:s3], $0x40, s9, s0, $0xb8;
	[tilespmem:$0x1F510] =	vst v63  }
0x1ab: {  	_ = 	snop  }
0x1ac: {  	[tilespmem:s29], [sflag:$0x5] =	stream.indirect.gather [spmem:s3], $0x40, s0, s0, $0xb8;
	[tilespmem:$0x1F510] =	vst v63  }
0x1ad: {  	_ =	swait.ge [sflag:s7], $0x2000  }
0x1ae: {  	[sflag:s7] =	ssyncset.done $0x0  }
0x1af: {  	s17 =	simm.s32 $0x200;
	[sflag:s7] =	ssyncadd.s32 $0xFFFFE000  }
0x1b0: {  	[spmem:s2] =	stream.indirect.scatter.add.f32 [tilespmem:s1], [sflag:$0x6], $0x40, s17, s0, $0xb8;
	[tilespmem:$0x1F510] =	vst v63  }
0x1b1: {  	_ =	swait.ge [sflag:s11], $0x2000  }
0x1b2: {  	[sflag:s11] =	ssyncset.done $0x0  }
0x1b3: {  	s26 =	simm.s32 $0x280;
	[sflag:s11] =	ssyncadd.s32 $0xFFFFE000  }
0x1b4: {  	[spmem:s2] =	stream.indirect.scatter.add.f32 [tilespmem:s29], [sflag:$0x7], $0x40, s26, s0, $0xb8;
	[tilespmem:$0x1F510] =	vst v63  }
0x1b5: {  	s26 =	rddreg [dreg:$0x13]  }
0x1b6: {  	[tilespmem:s9], [sflag:$0x1] =	stream.linear.gather [hbm4b:s26+s9], $0x100, $0x38;
	[tilespmem:$0x1F510] =	vst v63  }
0x1b7: {  	_ =	swait.ge [sflag:s13], $0x100  }
0x1b8: {  	[sflag:s13] =	ssyncset.done $0x0  }
0x1b9: {  	[sflag:s13] =	ssyncadd.s32 $0xFFFFFF00  }
0x1ba: {  	_ =	swait.ge [sflag:s14], $0x2000  }
0x1bb: {  	[sflag:s14] =	ssyncset.done $0x0  }
0x1bc: {  	[sflag:s14] =	ssyncadd.s32 $0xFFFFE000  }
0x1bd: {  	[tilespmem:s1], [sflag:$0x4] =	stream.indirect.gather [spmem:s3], $0x40, s31, s0, $0xb8;
	[tilespmem:$0x1F510] =	vst v63  }
0x1be: {  	_ =	swait.ge [sflag:s16], $0x2000  }
0x1bf: {  	[sflag:s16] =	ssyncset.done $0x0  }
0x1c0: {  	[sflag:s16] =	ssyncadd.s32 $0xFFFFE000  }
0x1c1: {  	[tilespmem:s29], [sflag:$0x5] =	stream.indirect.gather [spmem:s3], $0x40, s20, s0, $0xb8;
	[tilespmem:$0x1F510] =	vst v63  }
0x1c2: {  	_ =	swait.ge [sflag:s7], $0x2000  }
0x1c3: {  	[sflag:s7] =	ssyncset.done $0x0  }
0x1c4: {  	s15 =	simm.s32 $0x300;
	[sflag:s7] =	ssyncadd.s32 $0xFFFFE000  }
0x1c5: {  	[spmem:s2] =	stream.indirect.scatter.add.f32 [tilespmem:s1], [sflag:$0x6], $0x40, s15, s0, $0xb8;
	[tilespmem:$0x1F510] =	vst v63  }
0x1c6: {  	_ =	swait.ge [sflag:s11], $0x2000  }
0x1c7: {  	[sflag:s11] =	ssyncset.done $0x0  }
0x1c8: {  	s17 =	simm.s32 $0x380;
	[sflag:s11] =	ssyncadd.s32 $0xFFFFE000  }
0x1c9: {  	[spmem:s2] =	stream.indirect.scatter.add.f32 [tilespmem:s29], [sflag:$0x7], $0x40, s17, s0, $0xb8;
	[tilespmem:$0x1F510] =	vst v63  }
0x1ca: {  	s15 =	rddreg [dreg:$0x14]  }
0x1cb: {  	[tilespmem:s31], [sflag:$0x2] =	stream.linear.gather [hbm4b:s15+s9], $0x100, $0x38;
	[tilespmem:$0x1F510] =	vst v63  }
0x1cc: {  	_ =	swait.ge [sflag:s30], $0x100  }
0x1cd: {  	[sflag:s30] =	ssyncset.done $0x0  }
0x1ce: {  	[sflag:s30] =	ssyncadd.s32 $0xFFFFFF00  }
0x1cf: {  	_ =	swait.ge [sflag:s14], $0x2000  }
0x1d0: {  	[sflag:s14] =	ssyncset.done $0x0  }
0x1d1: {  	[sflag:s14] =	ssyncadd.s32 $0xFFFFE000  }
0x1d2: {  	[tilespmem:s1], [sflag:$0x4] =	stream.indirect.gather [spmem:s3], $0x40, s6, s0, $0xb8;
	[tilespmem:$0x1F510] =	vst v63  }
0x1d3: {  	_ =	swait.ge [sflag:s16], $0x2000  }
0x1d4: {  	[sflag:s16] =	ssyncset.done $0x0  }
0x1d5: {  	[sflag:s16] =	ssyncadd.s32 $0xFFFFE000  }
0x1d6: {  	[tilespmem:s29], [sflag:$0x5] =	stream.indirect.gather [spmem:s3], $0x40, s0, s0, $0xb8;
	[tilespmem:$0x1F510] =	vst v63  }
0x1d7: {  	_ =	swait.ge [sflag:s7], $0x2000  }
0x1d8: {  	[sflag:s7] =	ssyncset.done $0x0  }
0x1d9: {  	s17 =	simm.s32 $0x400;
	[sflag:s7] =	ssyncadd.s32 $0xFFFFE000  }
0x1da: {  	[spmem:s2] =	stream.indirect.scatter.add.f32 [tilespmem:s1], [sflag:$0x6], $0x40, s17, s0, $0xb8;
	[tilespmem:$0x1F510] =	vst v63  }
0x1db: {  	_ =	swait.ge [sflag:s11], $0x2000  }
0x1dc: {  	[sflag:s11] =	ssyncset.done $0x0  }
0x1dd: {  	s10 =	simm.s32 $0x480;
	[sflag:s11] =	ssyncadd.s32 $0xFFFFE000  }
0x1de: {  	[spmem:s2] =	stream.indirect.scatter.add.f32 [tilespmem:s29], [sflag:$0x7], $0x40, s10, s0, $0xb8;
	[tilespmem:$0x1F510] =	vst v63  }
0x1df: {  	_ = 	snop  }
0x1e0: {  	[tilespmem:s6], [sflag:$0x1] =	stream.linear.gather [hbm4b:s24+s6], $0x100, $0x38;
	[tilespmem:$0x1F510] =	vst v63  }
0x1e1: {  	_ =	swait.ge [sflag:s13], $0x100  }
0x1e2: {  	[sflag:s13] =	ssyncset.done $0x0  }
0x1e3: {  	[sflag:s13] =	ssyncadd.s32 $0xFFFFFF00  }
0x1e4: {  	_ =	swait.ge [sflag:s14], $0x2000  }
0x1e5: {  	[sflag:s14] =	ssyncset.done $0x0  }
0x1e6: {  	[sflag:s14] =	ssyncadd.s32 $0xFFFFE000  }
0x1e7: {  	[tilespmem:s1], [sflag:$0x4] =	stream.indirect.gather [spmem:s3], $0x40, s31, s0, $0xb8;
	[tilespmem:$0x1F510] =	vst v63  }
0x1e8: {  	_ =	swait.ge [sflag:s16], $0x2000  }
0x1e9: {  	[sflag:s16] =	ssyncset.done $0x0  }
0x1ea: {  	[sflag:s16] =	ssyncadd.s32 $0xFFFFE000  }
0x1eb: {  	[tilespmem:s29], [sflag:$0x5] =	stream.indirect.gather [spmem:s3], $0x40, s20, s0, $0xb8;
	[tilespmem:$0x1F510] =	vst v63  }
0x1ec: {  	_ =	swait.ge [sflag:s7], $0x2000  }
0x1ed: {  	[sflag:s7] =	ssyncset.done $0x0  }
0x1ee: {  	s15 =	simm.s32 $0x500;
	[sflag:s7] =	ssyncadd.s32 $0xFFFFE000  }
0x1ef: {  	[spmem:s2] =	stream.indirect.scatter.add.f32 [tilespmem:s1], [sflag:$0x6], $0x40, s15, s0, $0xb8;
	[tilespmem:$0x1F510] =	vst v63  }
0x1f0: {  	_ =	swait.ge [sflag:s11], $0x2000  }
0x1f1: {  	[sflag:s11] =	ssyncset.done $0x0  }
0x1f2: {  	s17 =	simm.s32 $0x580;
	[sflag:s11] =	ssyncadd.s32 $0xFFFFE000  }
0x1f3: {  	[spmem:s2] =	stream.indirect.scatter.add.f32 [tilespmem:s29], [sflag:$0x7], $0x40, s17, s0, $0xb8;
	[tilespmem:$0x1F510] =	vst v63  }
0x1f4: {  	s9 =	simm.s32 $0x800;
	s10 =	sadd.s32 $0x20, s24;
	s17 =	sadd.s32 $0x40, s24  }
.LBB2_8:
0x1f5: {  	[tilespmem:s31], [sflag:$0x2] =	stream.linear.gather [hbm4b:s10+s6], $0x100, $0x38;
	[tilespmem:$0x1F510] =	vst v63  }
0x1f6: {  	s10 =	smov.u32 s9  }
0x1f7: {  	p0 =	sne.s32 s9, $0x12000;
	s9 =	sadd.s32 $0x800, s9;
	_ =	swait.ge [sflag:s30], $0x100  }
0x1f8: {  	[sflag:s30] =	ssyncset.done $0x0  }
0x1f9: {  	[sflag:s30] =	ssyncadd.s32 $0xFFFFFF00  }
0x1fa: {  	_ =	swait.ge [sflag:s14], $0x2000  }
0x1fb: {  	[sflag:s14] =	ssyncset.done $0x0  }
0x1fc: {  	[sflag:s14] =	ssyncadd.s32 $0xFFFFE000  }
0x1fd: {  	[tilespmem:s1], [sflag:$0x4] =	stream.indirect.gather [spmem:s3], $0x40, s6, s0, $0xb8;
	[tilespmem:$0x1F510] =	vst v63  }
0x1fe: {  	_ =	swait.ge [sflag:s16], $0x2000  }
0x1ff: {  	[sflag:s16] =	ssyncset.done $0x0  }
0x200: {  	[sflag:s16] =	ssyncadd.s32 $0xFFFFE000  }
0x201: {  	[tilespmem:s29], [sflag:$0x5] =	stream.indirect.gather [spmem:s3], $0x40, s0, s0, $0xb8;
	[tilespmem:$0x1F510] =	vst v63  }
0x202: {  	_ =	swait.ge [sflag:s7], $0x2000  }
0x203: {  	s10 =	sshra.s32 s10, $0x2;
	[sflag:s7] =	ssyncset.done $0x0  }
0x204: {  	s15 =	sadd.s32 $0x400, s10;
	[sflag:s7] =	ssyncadd.s32 $0xFFFFE000  }
0x205: {  	[spmem:s2] =	stream.indirect.scatter.add.f32 [tilespmem:s1], [sflag:$0x6], $0x40, s15, s0, $0xb8;
	[tilespmem:$0x1F510] =	vst v63  }
0x206: {  	_ =	swait.ge [sflag:s11], $0x2000  }
0x207: {  	[sflag:s11] =	ssyncset.done $0x0  }
0x208: {  	s15 =	sadd.s32 $0x480, s10;
	[sflag:s11] =	ssyncadd.s32 $0xFFFFE000  }
0x209: {  	[spmem:s2] =	stream.indirect.scatter.add.f32 [tilespmem:s29], [sflag:$0x7], $0x40, s15, s0, $0xb8;
	[tilespmem:$0x1F510] =	vst v63  }
0x20a: {  	_ = 	snop  }
0x20b: {  	[tilespmem:s6], [sflag:$0x1] =	stream.linear.gather [hbm4b:s17+s6], $0x100, $0x38;
	[tilespmem:$0x1F510] =	vst v63  }
0x20c: {  	_ =	swait.ge [sflag:s13], $0x100  }
0x20d: {  	[sflag:s13] =	ssyncset.done $0x0  }
0x20e: {  	[sflag:s13] =	ssyncadd.s32 $0xFFFFFF00  }
0x20f: {  	_ =	swait.ge [sflag:s14], $0x2000  }
0x210: {  	[sflag:s14] =	ssyncset.done $0x0  }
0x211: {  	[sflag:s14] =	ssyncadd.s32 $0xFFFFE000  }
0x212: {  	[tilespmem:s1], [sflag:$0x4] =	stream.indirect.gather [spmem:s3], $0x40, s31, s0, $0xb8;
	[tilespmem:$0x1F510] =	vst v63  }
0x213: {  	_ =	swait.ge [sflag:s16], $0x2000  }
0x214: {  	[sflag:s16] =	ssyncset.done $0x0  }
0x215: {  	[sflag:s16] =	ssyncadd.s32 $0xFFFFE000  }
0x216: {  	[tilespmem:s29], [sflag:$0x5] =	stream.indirect.gather [spmem:s3], $0x40, s20, s0, $0xb8;
	[tilespmem:$0x1F510] =	vst v63  }
0x217: {  	_ =	swait.ge [sflag:s7], $0x2000  }
0x218: {  	[sflag:s7] =	ssyncset.done $0x0  }
0x219: {  	s15 =	sadd.s32 $0x500, s10;
	[sflag:s7] =	ssyncadd.s32 $0xFFFFE000  }
0x21a: {  	[spmem:s2] =	stream.indirect.scatter.add.f32 [tilespmem:s1], [sflag:$0x6], $0x40, s15, s0, $0xb8;
	[tilespmem:$0x1F510] =	vst v63  }
.Ltmp3:
0x21b: {  	_ =	swait.ge [sflag:s11], $0x2000;
	(pc) =	sbr.rel @p0 .LBB2_8-.Ltmp3, $4  }
0x21c: {  	[sflag:s11] =	ssyncset.done $0x0  }
0x21d: {  	s10 =	sadd.s32 $0x580, s10;
	[sflag:s11] =	ssyncadd.s32 $0xFFFFE000  }
0x21e: {  	[spmem:s2] =	stream.indirect.scatter.add.f32 [tilespmem:s29], [sflag:$0x7], $0x40, s10, s0, $0xb8;
	[tilespmem:$0x1F510] =	vst v63  }
0x21f: {  	s10 =	sadd.s32 $0x20, s17;
	s17 =	sadd.s32 $0x40, s17  }
0x220: {  	[tilespmem:s31], [sflag:$0x2] =	stream.linear.gather [hbm4b:s10+s6], $0x100, $0x38;
	[tilespmem:$0x1F510] =	vst v63  }
0x221: {  	_ =	swait.ge [sflag:s30], $0x100  }
0x222: {  	[sflag:s30] =	ssyncset.done $0x0  }
0x223: {  	[sflag:s30] =	ssyncadd.s32 $0xFFFFFF00  }
0x224: {  	_ =	swait.ge [sflag:s14], $0x2000  }
0x225: {  	[sflag:s14] =	ssyncset.done $0x0  }
0x226: {  	[sflag:s14] =	ssyncadd.s32 $0xFFFFE000  }
0x227: {  	[tilespmem:s1], [sflag:$0x4] =	stream.indirect.gather [spmem:s3], $0x40, s6, s0, $0xb8;
	[tilespmem:$0x1F510] =	vst v63  }
0x228: {  	_ =	swait.ge [sflag:s16], $0x2000  }
0x229: {  	[sflag:s16] =	ssyncset.done $0x0  }
0x22a: {  	[sflag:s16] =	ssyncadd.s32 $0xFFFFE000  }
0x22b: {  	[tilespmem:s29], [sflag:$0x5] =	stream.indirect.gather [spmem:s3], $0x40, s0, s0, $0xb8;
	[tilespmem:$0x1F510] =	vst v63  }
0x22c: {  	_ =	swait.ge [sflag:s7], $0x2000  }
0x22d: {  	[sflag:s7] =	ssyncset.done $0x0  }
0x22e: {  	s9 =	simm.s32 $0x4E00;
	[sflag:s7] =	ssyncadd.s32 $0xFFFFE000  }
0x22f: {  	[spmem:s2] =	stream.indirect.scatter.add.f32 [tilespmem:s1], [sflag:$0x6], $0x40, s9, s0, $0xb8;
	[tilespmem:$0x1F510] =	vst v63  }
0x230: {  	_ =	swait.ge [sflag:s11], $0x2000  }
0x231: {  	[sflag:s11] =	ssyncset.done $0x0  }
0x232: {  	s17 =	simm.s32 $0x4E80;
	[sflag:s11] =	ssyncadd.s32 $0xFFFFE000  }
0x233: {  	[spmem:s2] =	stream.indirect.scatter.add.f32 [tilespmem:s29], [sflag:$0x7], $0x40, s17, s0, $0xb8;
	[tilespmem:$0x1F510] =	vst v63  }
0x234: {  	s10 =	rddreg [dreg:$0x19]  }
0x235: {  	[tilespmem:s6], [sflag:$0x1] =	stream.linear.gather [hbm4b:s10+s6], $0x100, $0x38;
	[tilespmem:$0x1F510] =	vst v63  }
0x236: {  	_ =	swait.ge [sflag:s13], $0x100  }
0x237: {  	[sflag:s13] =	ssyncset.done $0x0  }
0x238: {  	[sflag:s13] =	ssyncadd.s32 $0xFFFFFF00  }
0x239: {  	_ =	swait.ge [sflag:s14], $0x2000  }
0x23a: {  	[sflag:s14] =	ssyncset.done $0x0  }
0x23b: {  	[sflag:s14] =	ssyncadd.s32 $0xFFFFE000  }
0x23c: {  	[tilespmem:s1], [sflag:$0x4] =	stream.indirect.gather [spmem:s3], $0x40, s31, s0, $0xb8;
	[tilespmem:$0x1F510] =	vst v63  }
0x23d: {  	_ =	swait.ge [sflag:s16], $0x2000  }
0x23e: {  	[sflag:s16] =	ssyncset.done $0x0  }
0x23f: {  	[sflag:s16] =	ssyncadd.s32 $0xFFFFE000  }
0x240: {  	[tilespmem:s29], [sflag:$0x5] =	stream.indirect.gather [spmem:s3], $0x40, s20, s0, $0xb8;
	[tilespmem:$0x1F510] =	vst v63  }
0x241: {  	_ =	swait.ge [sflag:s7], $0x2000  }
0x242: {  	[sflag:s7] =	ssyncset.done $0x0  }
0x243: {  	s15 =	simm.s32 $0x4F00;
	[sflag:s7] =	ssyncadd.s32 $0xFFFFE000  }
0x244: {  	[spmem:s2] =	stream.indirect.scatter.add.f32 [tilespmem:s1], [sflag:$0x6], $0x40, s15, s0, $0xb8;
	[tilespmem:$0x1F510] =	vst v63  }
0x245: {  	_ =	swait.ge [sflag:s11], $0x2000  }
0x246: {  	[sflag:s11] =	ssyncset.done $0x0  }
0x247: {  	s17 =	simm.s32 $0x4F80;
	[sflag:s11] =	ssyncadd.s32 $0xFFFFE000  }
0x248: {  	[spmem:s2] =	stream.indirect.scatter.add.f32 [tilespmem:s29], [sflag:$0x7], $0x40, s17, s0, $0xb8;
	[tilespmem:$0x1F510] =	vst v63  }
0x249: {  	_ = 	snop  }
0x24a: {  	[tilespmem:s31], [sflag:$0x2] =	stream.linear.gather [hbm4b:s23+s6], $0x100, $0x38;
	[tilespmem:$0x1F510] =	vst v63  }
0x24b: {  	_ =	swait.ge [sflag:s30], $0x100  }
0x24c: {  	[sflag:s30] =	ssyncset.done $0x0  }
0x24d: {  	[sflag:s30] =	ssyncadd.s32 $0xFFFFFF00  }
0x24e: {  	_ =	swait.ge [sflag:s14], $0x2000  }
0x24f: {  	[sflag:s14] =	ssyncset.done $0x0  }
0x250: {  	[sflag:s14] =	ssyncadd.s32 $0xFFFFE000  }
0x251: {  	[tilespmem:s1], [sflag:$0x4] =	stream.indirect.gather [spmem:s3], $0x40, s6, s0, $0xb8;
	[tilespmem:$0x1F510] =	vst v63  }
0x252: {  	_ =	swait.ge [sflag:s16], $0x2000  }
0x253: {  	[sflag:s16] =	ssyncset.done $0x0  }
0x254: {  	[sflag:s16] =	ssyncadd.s32 $0xFFFFE000  }
0x255: {  	[tilespmem:s29], [sflag:$0x5] =	stream.indirect.gather [spmem:s3], $0x40, s0, s0, $0xb8;
	[tilespmem:$0x1F510] =	vst v63  }
0x256: {  	_ =	swait.ge [sflag:s7], $0x2000  }
0x257: {  	[sflag:s7] =	ssyncset.done $0x0  }
0x258: {  	s10 =	simm.s32 $0x5000;
	[sflag:s7] =	ssyncadd.s32 $0xFFFFE000  }
0x259: {  	[spmem:s2] =	stream.indirect.scatter.add.f32 [tilespmem:s1], [sflag:$0x6], $0x40, s10, s0, $0xb8;
	[tilespmem:$0x1F510] =	vst v63  }
0x25a: {  	_ =	swait.ge [sflag:s11], $0x2000  }
0x25b: {  	[sflag:s11] =	ssyncset.done $0x0  }
0x25c: {  	s15 =	simm.s32 $0x5080;
	[sflag:s11] =	ssyncadd.s32 $0xFFFFE000  }
0x25d: {  	[spmem:s2] =	stream.indirect.scatter.add.f32 [tilespmem:s29], [sflag:$0x7], $0x40, s15, s0, $0xb8;
	[tilespmem:$0x1F510] =	vst v63  }
0x25e: {  	_ = 	snop  }
0x25f: {  	[tilespmem:s6], [sflag:$0x1] =	stream.linear.gather [hbm4b:s23+s6], $0x100, $0x38;
	[tilespmem:$0x1F510] =	vst v63  }
0x260: {  	_ =	swait.ge [sflag:s13], $0x100  }
0x261: {  	[sflag:s13] =	ssyncset.done $0x0  }
0x262: {  	[sflag:s13] =	ssyncadd.s32 $0xFFFFFF00  }
0x263: {  	_ =	swait.ge [sflag:s14], $0x2000  }
0x264: {  	[sflag:s14] =	ssyncset.done $0x0  }
0x265: {  	[sflag:s14] =	ssyncadd.s32 $0xFFFFE000  }
0x266: {  	[tilespmem:s1], [sflag:$0x4] =	stream.indirect.gather [spmem:s3], $0x40, s31, s0, $0xb8;
	[tilespmem:$0x1F510] =	vst v63  }
0x267: {  	_ =	swait.ge [sflag:s16], $0x2000  }
0x268: {  	[sflag:s16] =	ssyncset.done $0x0  }
0x269: {  	[sflag:s16] =	ssyncadd.s32 $0xFFFFE000  }
0x26a: {  	[tilespmem:s29], [sflag:$0x5] =	stream.indirect.gather [spmem:s3], $0x40, s20, s0, $0xb8;
	[tilespmem:$0x1F510] =	vst v63  }
0x26b: {  	_ =	swait.ge [sflag:s7], $0x2000  }
0x26c: {  	[sflag:s7] =	ssyncset.done $0x0  }
0x26d: {  	s17 =	simm.s32 $0x5100;
	[sflag:s7] =	ssyncadd.s32 $0xFFFFE000  }
0x26e: {  	[spmem:s2] =	stream.indirect.scatter.add.f32 [tilespmem:s1], [sflag:$0x6], $0x40, s17, s0, $0xb8;
	[tilespmem:$0x1F510] =	vst v63  }
0x26f: {  	_ =	swait.ge [sflag:s11], $0x2000  }
0x270: {  	[sflag:s11] =	ssyncset.done $0x0  }
0x271: {  	s10 =	simm.s32 $0x5180;
	[sflag:s11] =	ssyncadd.s32 $0xFFFFE000  }
0x272: {  	[spmem:s2] =	stream.indirect.scatter.add.f32 [tilespmem:s29], [sflag:$0x7], $0x40, s10, s0, $0xb8;
	[tilespmem:$0x1F510] =	vst v63  }
0x273: {  	_ = 	snop  }
0x274: {  	[tilespmem:s31], [sflag:$0x2] =	stream.linear.gather [hbm4b:s23+s6], $0x100, $0x38;
	[tilespmem:$0x1F510] =	vst v63  }
0x275: {  	_ =	swait.ge [sflag:s14], $0x2000  }
0x276: {  	[sflag:s14] =	ssyncset.done $0x0  }
0x277: {  	[sflag:s14] =	ssyncadd.s32 $0xFFFFE000  }
0x278: {  	_ =	swait.ge [sflag:s16], $0x2000  }
0x279: {  	[sflag:s16] =	ssyncset.done $0x0  }
0x27a: {  	[sflag:s16] =	ssyncadd.s32 $0xFFFFE000  }
0x27b: {  	_ =	swait.ge [sflag:s30], $0x100  }
0x27c: {  	[sflag:s30] =	ssyncset.done $0x0  }
0x27d: {  	[sflag:s30] =	ssyncadd.s32 $0xFFFFFF00  }
0x27e: {  	_ =	swait.ge [sflag:s13], $0x100  }
0x27f: {  	[sflag:s13] =	ssyncset.done $0x0  }
0x280: {  	[sflag:s13] =	ssyncadd.s32 $0xFFFFFF00  }
0x281: {  	[bflag:$0x0] =	sbarrier.arrive $0xFFFF  }
0x282: {  	s15 =	rddreg [dreg:$0x16]  }
0x283: {  	s17 =	rddreg [dreg:$0x1a]  }
0x284: {  	[hbm:s15], [sflag:s8] =	dma.local [spmem:s17], $0x1400  }
0x285: {  	_ =	swait.ge [sflag:s25], $0x1400  }
0x286: {  	[sflag:s25] =	ssyncset.done $0x0  }
0x287: {  	s15 =	simm.s32 $0x3;
	[sflag:s25] =	ssyncadd.s32 $0xFFFFEC00  }
0x288: {  	_ =	swait.ge [sflag:s15], $0x1400  }
0x289: {  	s28 =	sadd.s32 $0x1, s28;
	s17 =	rddreg [dreg:$0x17]  }
0x28a: {  	p0 =	sne.s32 s28, s17  }
.Ltmp4:
0x28b: {  	_ = 	snop;
	(pc) =	sbr.rel @p0 .LBB2_1-.Ltmp4, $3  }
0x28c: {  	_ =	sdelay $0x1  }
0x28d: {  	[sflag:s15] =	ssyncset.done $0x0  }
0x28e: {  	[sflag:s15] =	ssyncadd.s32 $0xFFFFEC00  }
0x28f: {  	_ =	sfence.sel $0x180000  }
0x290: {  	[bflag:$0x0] =	sbarrier.arrive $0xFFFF  }
0x291: {  	_ =	strace $0x9000004A  }
0x292: {  	s0 =	stileid.u32;
	[bflag:$0x2] =	sbarrier.arrive $0xFFFF  }
0x293: {  	p0 =	sne.s32 s0, $0x0;
	s0 =	rddreg [dreg:$0x7]  }
0x294: {  	s0 =	sadd.s32 @!p0 $0x100000, s0  }
0x295: {  	[sflag:s0] =	ssyncadd.tile.s32 @!p0 $0x1;
	_ =	shalt  }
.Lfunc_end2:
_tile_overlayer_lowered:
.L_overlay_start_2:
0x296: {  	(tag) =	ssettag $0x2  }
0x297: {  	s0 =	rddreg [dreg:$0x0];
	s2 =	stileid.u32  }
0x298: {  	s1 =	rddreg [dreg:$0x1];
	p0 =	sne.s32 s2, $0x0  }
0x299: {  	s3 =	rddreg [dreg:$0x2];
	[bflag:$0x3] =	sbarrier.arrive $0xFFFF;
	s2 =	simm.s32 @!p0 $0x1C08  }
0x29a: {  	[timem:s3], [sflag:s2] =	dma.local @!p0 [hbm:s0], s1  }
0x29b: {  	s0 =	simm.s32 @!p0 $0x8  }
0x29c: {  	_ =	swait.ge @!p0 [sflag:s0], s1  }
0x29d: {  	s1 =	ssub.s32 @!p0 $0x0, s1;
	[sflag:s0] =	ssyncset.done @!p0 $0x0  }
0x29e: {  	[sflag:s0] =	ssyncadd.s32 @!p0 s1  }
0x29f: {  	[bflag:$0x3] =	sbarrier.arrive $0xFFFF  }
0x2a0: {  	_ =	shalt  }

</sc_bundles>
